<compile_context>
chip_gen: v7x
topology: tpu7x:2x2x1
jax: 0.10.2.dev20260603
libtpu: 0.0.44.dev20260713+nightly
codegen_flags: <defaults>
</compile_context>

<pallas_src>
import math

import jax
import jax.numpy as jnp
from jax import lax
from jax.experimental import pallas as pl
from jax.experimental.pallas import tpu as pltpu
from jax.experimental.pallas import tpu_sc as plsc

D_MODEL = 128
V_SIZE = 100000
SCALE = math.sqrt(D_MODEL)

NUM_CORES = 2
NUM_SUBCORES = 16
NUM_WORKERS = NUM_CORES * NUM_SUBCORES

IDX_ROW = 128
ROWS_PER_CHUNK = 1
CHUNK = IDX_ROW * ROWS_PER_CHUNK
NBUF = 4
GSPLIT = 2
GSUB = IDX_ROW // GSPLIT


def _make_sc_gather(num_idx_rows):
    rows_per_worker = num_idx_rows // NUM_WORKERS
    n_chunks = rows_per_worker // ROWS_PER_CHUNK
    n_groups = n_chunks // NBUF
    out_rows = num_idx_rows * IDX_ROW

    mesh = plsc.VectorSubcoreMesh(core_axis_name="c", subcore_axis_name="s")

    def body(tab_hbm, idx_hbm, out_hbm, idx_all, *bufs):
        wid = lax.axis_index("s") * NUM_CORES + lax.axis_index("c")
        rbase = wid * rows_per_worker
        pltpu.sync_copy(idx_hbm.at[pl.ds(rbase, rows_per_worker)], idx_all)

        rows = list(bufs[:NBUF])
        gsem = list(bufs[NBUF : 2 * NBUF])
        ssem = list(bufs[2 * NBUF :])

        def out_slice(c):
            return out_hbm.at[pl.ds((rbase + c * ROWS_PER_CHUNK) * IDX_ROW, CHUNK)]

        def fire_gather(c, b):
            for j in range(ROWS_PER_CHUNK * GSPLIT):
                pltpu.async_copy(
                    tab_hbm.at[
                        idx_all.at[
                            c * ROWS_PER_CHUNK + j // GSPLIT,
                            pl.ds((j % GSPLIT) * GSUB, GSUB),
                        ]
                    ],
                    rows[b].at[pl.ds(j * GSUB, GSUB)],
                    gsem[b],
                )

        def wait_gather(b):
            for j in range(ROWS_PER_CHUNK * GSPLIT):
                pltpu.make_async_copy(
                    tab_hbm.at[idx_all.at[0, pl.ds(0, GSUB)]],
                    rows[b].at[pl.ds(j * GSUB, GSUB)],
                    gsem[b],
                ).wait()

        def scale_buf(b):
            buf = rows[b]

            @plsc.parallel_loop(0, CHUNK, unroll=2)
            def _row(i):
                for h in range(D_MODEL // 16):
                    sl = (i, pl.ds(h * 16, 16))
                    buf[sl] = buf[sl] * SCALE

        def fire_store(c, b):
            pltpu.async_copy(rows[b], out_slice(c), ssem[b])

        def wait_store(c, b):
            pltpu.make_async_copy(rows[b], out_slice(c), ssem[b]).wait()

        for b in range(NBUF):
            fire_gather(b, b)
        for b in range(NBUF):
            wait_gather(b)
            scale_buf(b)
            fire_store(b, b)

        def group(g, carry):
            for b in range(NBUF):
                c = g * NBUF + b
                wait_store(c, b)
                fire_gather(c, b)
            for b in range(NBUF):
                c = g * NBUF + b
                wait_gather(b)
                scale_buf(b)
                fire_store(c, b)
            return carry

        lax.fori_loop(1, n_groups, group, 0)

        for b in range(NBUF):
            wait_store(0, b)

    return pl.kernel(
        body,
        out_type=jax.ShapeDtypeStruct((out_rows, D_MODEL), jnp.float32),
        mesh=mesh,
        scratch_types=(
            [pltpu.VMEM((rows_per_worker, IDX_ROW), jnp.int32)]
            + [pltpu.VMEM((CHUNK, D_MODEL), jnp.float32) for _ in range(NBUF)]
            + [pltpu.SemaphoreType.DMA for _ in range(2 * NBUF)]
        ),
    )


def kernel(indices, table):
    b0, b1 = indices.shape
    flat = indices.reshape(-1)
    num_idx_rows = flat.shape[0] // IDX_ROW
    idx2d = flat.reshape(num_idx_rows, IDX_ROW)
    out = _make_sc_gather(num_idx_rows)(table, idx2d)
    return out.reshape(b0, b1, D_MODEL)

# --- scband reference (transcript-rebuilt; emitter-appended) ---
"""Pipeline reference for scband-input-embeddings-26182120636469 (READ-ONLY COPY).

The authoritative reference and input builder live on the scoring server;
editing this copy changes nothing except your own understanding.
"""

import jax, jax.numpy as jnp
import numpy as np
import math

D_MODEL = 128
V_SIZE = 100000

def setup_inputs(seed: int = 0) -> dict:
    key = jax.random.key(seed)
    k1, k2 = jax.random.split(key)
    indices = jax.random.randint(k1, (4096, 200), 0, V_SIZE, dtype=jnp.int64 if jax.config.jax_enable_x64 else jnp.int32).astype(jnp.int32)
    table = jax.random.normal(k2, (V_SIZE, D_MODEL), dtype=jnp.float32)
    return {"indices": indices, "table": table}

def reference(indices, table):
    # InputEmbeddings.forward: embedding(x) * sqrt(d_model)
    emb = jnp.take(table, indices, axis=0)
    return emb * math.sqrt(D_MODEL)

if __name__ == "__main__":
    import jax
    _d = setup_inputs()
    print(jax.jit(kernel)(*tuple(_d.values())))

</pallas_src>

<mosaic_0001>
#map = affine_map<(d0, d1) -> (0, 0)>
module attributes {stable_mosaic.version = 14 : i64} {
  func.func @body(%arg0: i32, %arg1: i32, %arg2: memref<100000x128xf32, #tpu.memory_space<hbm>>, %arg3: memref<6400x128xi32, #tpu.memory_space<hbm>>, %arg4: memref<819200x128xf32, #tpu.memory_space<hbm>>, %arg5: memref<200x128xi32, #tpu.memory_space<vmem>>, %arg6: memref<128x128xf32, #tpu.memory_space<vmem>>, %arg7: memref<128x128xf32, #tpu.memory_space<vmem>>, %arg8: memref<128x128xf32, #tpu.memory_space<vmem>>, %arg9: memref<128x128xf32, #tpu.memory_space<vmem>>, %arg10: memref<!tpu.dma_semaphore, #tpu.memory_space<semaphore_mem>>, %arg11: memref<!tpu.dma_semaphore, #tpu.memory_space<semaphore_mem>>, %arg12: memref<!tpu.dma_semaphore, #tpu.memory_space<semaphore_mem>>, %arg13: memref<!tpu.dma_semaphore, #tpu.memory_space<semaphore_mem>>, %arg14: memref<!tpu.dma_semaphore, #tpu.memory_space<semaphore_mem>>, %arg15: memref<!tpu.dma_semaphore, #tpu.memory_space<semaphore_mem>>, %arg16: memref<!tpu.dma_semaphore, #tpu.memory_space<semaphore_mem>>, %arg17: memref<!tpu.dma_semaphore, #tpu.memory_space<semaphore_mem>>) attributes {dimension_semantics = [#tpu.dimension_semantics<core_parallel>, #tpu.dimension_semantics<subcore_parallel>], iteration_bounds = array<i64: 2, 16>, scalar_prefetch = 0 : i64, scratch_operands = 13 : i64, tpu.core_type = #tpu.core_type<sc_vector_subcore>, window_params = [{transform_indices = #map}, {transform_indices = #map}, {transform_indices = #map}]} {
    %mul3A = arith.constant 2 : i32
    %mul3A_0 = arith.muli %arg1, %mul3A : i32
    %add3A = arith.addi %mul3A_0, %arg0 : i32
    %mul3A_1 = arith.constant 200 : i32
    %mul3A_2 = arith.muli %add3A, %mul3A_1 : i32
    "tpu.region"() ({
      %run_scoped3A = tpu.sem_alloc : memref<!tpu.dma_semaphore, #tpu.memory_space<semaphore_mem>>
      %dma_start3A_241 = arith.constant 0 : i32
      %dma_start3A_242 = tpu.memref_slice %arg3[%mul3A_2, %dma_start3A_241] : memref<6400x128xi32, #tpu.memory_space<hbm>> -> memref<200x128xi32, #tpu.memory_space<hbm>>
      %dma_start3A_243 = arith.constant 0 : i32
      %dma_start3A_244 = tpu.memref_slice %arg3[%mul3A_2, %dma_start3A_243] : memref<6400x128xi32, #tpu.memory_space<hbm>> -> memref<200x128xi32, #tpu.memory_space<hbm>>
      tpu.enqueue_dma source(%dma_start3A_244 : memref<200x128xi32, #tpu.memory_space<hbm>>) target(%arg5 : memref<200x128xi32, #tpu.memory_space<vmem>>) target_semaphore(%run_scoped3A : memref<!tpu.dma_semaphore, #tpu.memory_space<semaphore_mem>>)
      %dma_wait3A_245 = arith.constant 0 : i32
      %dma_wait3A_246 = tpu.memref_slice %arg3[%mul3A_2, %dma_wait3A_245] : memref<6400x128xi32, #tpu.memory_space<hbm>> -> memref<200x128xi32, #tpu.memory_space<hbm>>
      %dma_wait3A_247 = arith.constant 0 : i32
      %dma_wait3A_248 = tpu.memref_slice %arg3[%mul3A_2, %dma_wait3A_247] : memref<6400x128xi32, #tpu.memory_space<hbm>> -> memref<200x128xi32, #tpu.memory_space<hbm>>
      tpu.wait_dma2 semaphore(%run_scoped3A : memref<!tpu.dma_semaphore, #tpu.memory_space<semaphore_mem>>) src(%dma_wait3A_248 : memref<200x128xi32, #tpu.memory_space<hbm>>) dst(%arg5 : memref<200x128xi32, #tpu.memory_space<vmem>>)
      tpu.yield
    }) : () -> ()
    %dma_start3A = arith.constant 0 : i32
    %dma_start3A_3 = arith.constant 0 : i32
    %dma_start3A_4 = arith.constant 0 : i32
    %dma_start3A_5 = tpu.memref_slice %arg6[%dma_start3A_3, %dma_start3A_4] : memref<128x128xf32, #tpu.memory_space<vmem>> -> memref<64x128xf32, #tpu.memory_space<vmem>>
    %dma_start3A_6 = arith.constant 0 : i32
    %dma_start3A_7 = tpu.memref_slice %arg5[%dma_start3A, %dma_start3A_6] : memref<200x128xi32, #tpu.memory_space<vmem>> -> memref<1x64xi32, #tpu.memory_space<vmem>>
    %dma_start3A_8 = tpu.memref_squeeze %dma_start3A_7 : memref<1x64xi32, #tpu.memory_space<vmem>> -> memref<64xi32, #tpu.memory_space<vmem>>
    %dma_start3A_9 = arith.constant 0 : i32
    %dma_start3A_10 = arith.constant 0 : i32
    %dma_start3A_11 = tpu.memref_slice %arg2[%dma_start3A_9, %dma_start3A_10] : memref<100000x128xf32, #tpu.memory_space<hbm>> -> memref<100000x128xf32, #tpu.memory_space<hbm>>
    tpu.enqueue_indirect_dma source(%dma_start3A_11 : memref<100000x128xf32, #tpu.memory_space<hbm>>) target(%dma_start3A_5 : memref<64x128xf32, #tpu.memory_space<vmem>>) offsets(%dma_start3A_8 : memref<64xi32, #tpu.memory_space<vmem>>) semaphore(%arg10 : memref<!tpu.dma_semaphore, #tpu.memory_space<semaphore_mem>>)
    %dma_start3A_12 = arith.constant 0 : i32
    %dma_start3A_13 = arith.constant 64 : i32
    %dma_start3A_14 = arith.constant 0 : i32
    %dma_start3A_15 = tpu.memref_slice %arg6[%dma_start3A_13, %dma_start3A_14] : memref<128x128xf32, #tpu.memory_space<vmem>> -> memref<64x128xf32, #tpu.memory_space<vmem>>
    %dma_start3A_16 = arith.constant 64 : i32
    %dma_start3A_17 = tpu.memref_slice %arg5[%dma_start3A_12, %dma_start3A_16] : memref<200x128xi32, #tpu.memory_space<vmem>> -> memref<1x64xi32, #tpu.memory_space<vmem>>
    %dma_start3A_18 = tpu.memref_squeeze %dma_start3A_17 : memref<1x64xi32, #tpu.memory_space<vmem>> -> memref<64xi32, #tpu.memory_space<vmem>>
    %dma_start3A_19 = arith.constant 0 : i32
    %dma_start3A_20 = arith.constant 0 : i32
    %dma_start3A_21 = tpu.memref_slice %arg2[%dma_start3A_19, %dma_start3A_20] : memref<100000x128xf32, #tpu.memory_space<hbm>> -> memref<100000x128xf32, #tpu.memory_space<hbm>>
    tpu.enqueue_indirect_dma source(%dma_start3A_21 : memref<100000x128xf32, #tpu.memory_space<hbm>>) target(%dma_start3A_15 : memref<64x128xf32, #tpu.memory_space<vmem>>) offsets(%dma_start3A_18 : memref<64xi32, #tpu.memory_space<vmem>>) semaphore(%arg10 : memref<!tpu.dma_semaphore, #tpu.memory_space<semaphore_mem>>)
    %dma_start3A_22 = arith.constant 1 : i32
    %dma_start3A_23 = arith.constant 0 : i32
    %dma_start3A_24 = arith.constant 0 : i32
    %dma_start3A_25 = tpu.memref_slice %arg7[%dma_start3A_23, %dma_start3A_24] : memref<128x128xf32, #tpu.memory_space<vmem>> -> memref<64x128xf32, #tpu.memory_space<vmem>>
    %dma_start3A_26 = arith.constant 0 : i32
    %dma_start3A_27 = tpu.memref_slice %arg5[%dma_start3A_22, %dma_start3A_26] : memref<200x128xi32, #tpu.memory_space<vmem>> -> memref<1x64xi32, #tpu.memory_space<vmem>>
    %dma_start3A_28 = tpu.memref_squeeze %dma_start3A_27 : memref<1x64xi32, #tpu.memory_space<vmem>> -> memref<64xi32, #tpu.memory_space<vmem>>
    %dma_start3A_29 = arith.constant 0 : i32
    %dma_start3A_30 = arith.constant 0 : i32
    %dma_start3A_31 = tpu.memref_slice %arg2[%dma_start3A_29, %dma_start3A_30] : memref<100000x128xf32, #tpu.memory_space<hbm>> -> memref<100000x128xf32, #tpu.memory_space<hbm>>
    tpu.enqueue_indirect_dma source(%dma_start3A_31 : memref<100000x128xf32, #tpu.memory_space<hbm>>) target(%dma_start3A_25 : memref<64x128xf32, #tpu.memory_space<vmem>>) offsets(%dma_start3A_28 : memref<64xi32, #tpu.memory_space<vmem>>) semaphore(%arg11 : memref<!tpu.dma_semaphore, #tpu.memory_space<semaphore_mem>>)
    %dma_start3A_32 = arith.constant 1 : i32
    %dma_start3A_33 = arith.constant 64 : i32
    %dma_start3A_34 = arith.constant 0 : i32
    %dma_start3A_35 = tpu.memref_slice %arg7[%dma_start3A_33, %dma_start3A_34] : memref<128x128xf32, #tpu.memory_space<vmem>> -> memref<64x128xf32, #tpu.memory_space<vmem>>
    %dma_start3A_36 = arith.constant 64 : i32
    %dma_start3A_37 = tpu.memref_slice %arg5[%dma_start3A_32, %dma_start3A_36] : memref<200x128xi32, #tpu.memory_space<vmem>> -> memref<1x64xi32, #tpu.memory_space<vmem>>
    %dma_start3A_38 = tpu.memref_squeeze %dma_start3A_37 : memref<1x64xi32, #tpu.memory_space<vmem>> -> memref<64xi32, #tpu.memory_space<vmem>>
    %dma_start3A_39 = arith.constant 0 : i32
    %dma_start3A_40 = arith.constant 0 : i32
    %dma_start3A_41 = tpu.memref_slice %arg2[%dma_start3A_39, %dma_start3A_40] : memref<100000x128xf32, #tpu.memory_space<hbm>> -> memref<100000x128xf32, #tpu.memory_space<hbm>>
    tpu.enqueue_indirect_dma source(%dma_start3A_41 : memref<100000x128xf32, #tpu.memory_space<hbm>>) target(%dma_start3A_35 : memref<64x128xf32, #tpu.memory_space<vmem>>) offsets(%dma_start3A_38 : memref<64xi32, #tpu.memory_space<vmem>>) semaphore(%arg11 : memref<!tpu.dma_semaphore, #tpu.memory_space<semaphore_mem>>)
    %dma_start3A_42 = arith.constant 2 : i32
    %dma_start3A_43 = arith.constant 0 : i32
    %dma_start3A_44 = arith.constant 0 : i32
    %dma_start3A_45 = tpu.memref_slice %arg8[%dma_start3A_43, %dma_start3A_44] : memref<128x128xf32, #tpu.memory_space<vmem>> -> memref<64x128xf32, #tpu.memory_space<vmem>>
    %dma_start3A_46 = arith.constant 0 : i32
    %dma_start3A_47 = tpu.memref_slice %arg5[%dma_start3A_42, %dma_start3A_46] : memref<200x128xi32, #tpu.memory_space<vmem>> -> memref<1x64xi32, #tpu.memory_space<vmem>>
    %dma_start3A_48 = tpu.memref_squeeze %dma_start3A_47 : memref<1x64xi32, #tpu.memory_space<vmem>> -> memref<64xi32, #tpu.memory_space<vmem>>
    %dma_start3A_49 = arith.constant 0 : i32
    %dma_start3A_50 = arith.constant 0 : i32
    %dma_start3A_51 = tpu.memref_slice %arg2[%dma_start3A_49, %dma_start3A_50] : memref<100000x128xf32, #tpu.memory_space<hbm>> -> memref<100000x128xf32, #tpu.memory_space<hbm>>
    tpu.enqueue_indirect_dma source(%dma_start3A_51 : memref<100000x128xf32, #tpu.memory_space<hbm>>) target(%dma_start3A_45 : memref<64x128xf32, #tpu.memory_space<vmem>>) offsets(%dma_start3A_48 : memref<64xi32, #tpu.memory_space<vmem>>) semaphore(%arg12 : memref<!tpu.dma_semaphore, #tpu.memory_space<semaphore_mem>>)
    %dma_start3A_52 = arith.constant 2 : i32
    %dma_start3A_53 = arith.constant 64 : i32
    %dma_start3A_54 = arith.constant 0 : i32
    %dma_start3A_55 = tpu.memref_slice %arg8[%dma_start3A_53, %dma_start3A_54] : memref<128x128xf32, #tpu.memory_space<vmem>> -> memref<64x128xf32, #tpu.memory_space<vmem>>
    %dma_start3A_56 = arith.constant 64 : i32
    %dma_start3A_57 = tpu.memref_slice %arg5[%dma_start3A_52, %dma_start3A_56] : memref<200x128xi32, #tpu.memory_space<vmem>> -> memref<1x64xi32, #tpu.memory_space<vmem>>
    %dma_start3A_58 = tpu.memref_squeeze %dma_start3A_57 : memref<1x64xi32, #tpu.memory_space<vmem>> -> memref<64xi32, #tpu.memory_space<vmem>>
    %dma_start3A_59 = arith.constant 0 : i32
    %dma_start3A_60 = arith.constant 0 : i32
    %dma_start3A_61 = tpu.memref_slice %arg2[%dma_start3A_59, %dma_start3A_60] : memref<100000x128xf32, #tpu.memory_space<hbm>> -> memref<100000x128xf32, #tpu.memory_space<hbm>>
    tpu.enqueue_indirect_dma source(%dma_start3A_61 : memref<100000x128xf32, #tpu.memory_space<hbm>>) target(%dma_start3A_55 : memref<64x128xf32, #tpu.memory_space<vmem>>) offsets(%dma_start3A_58 : memref<64xi32, #tpu.memory_space<vmem>>) semaphore(%arg12 : memref<!tpu.dma_semaphore, #tpu.memory_space<semaphore_mem>>)
    %dma_start3A_62 = arith.constant 3 : i32
    %dma_start3A_63 = arith.constant 0 : i32
    %dma_start3A_64 = arith.constant 0 : i32
    %dma_start3A_65 = tpu.memref_slice %arg9[%dma_start3A_63, %dma_start3A_64] : memref<128x128xf32, #tpu.memory_space<vmem>> -> memref<64x128xf32, #tpu.memory_space<vmem>>
    %dma_start3A_66 = arith.constant 0 : i32
    %dma_start3A_67 = tpu.memref_slice %arg5[%dma_start3A_62, %dma_start3A_66] : memref<200x128xi32, #tpu.memory_space<vmem>> -> memref<1x64xi32, #tpu.memory_space<vmem>>
    %dma_start3A_68 = tpu.memref_squeeze %dma_start3A_67 : memref<1x64xi32, #tpu.memory_space<vmem>> -> memref<64xi32, #tpu.memory_space<vmem>>
    %dma_start3A_69 = arith.constant 0 : i32
    %dma_start3A_70 = arith.constant 0 : i32
    %dma_start3A_71 = tpu.memref_slice %arg2[%dma_start3A_69, %dma_start3A_70] : memref<100000x128xf32, #tpu.memory_space<hbm>> -> memref<100000x128xf32, #tpu.memory_space<hbm>>
    tpu.enqueue_indirect_dma source(%dma_start3A_71 : memref<100000x128xf32, #tpu.memory_space<hbm>>) target(%dma_start3A_65 : memref<64x128xf32, #tpu.memory_space<vmem>>) offsets(%dma_start3A_68 : memref<64xi32, #tpu.memory_space<vmem>>) semaphore(%arg13 : memref<!tpu.dma_semaphore, #tpu.memory_space<semaphore_mem>>)
    %dma_start3A_72 = arith.constant 3 : i32
    %dma_start3A_73 = arith.constant 64 : i32
    %dma_start3A_74 = arith.constant 0 : i32
    %dma_start3A_75 = tpu.memref_slice %arg9[%dma_start3A_73, %dma_start3A_74] : memref<128x128xf32, #tpu.memory_space<vmem>> -> memref<64x128xf32, #tpu.memory_space<vmem>>
    %dma_start3A_76 = arith.constant 64 : i32
    %dma_start3A_77 = tpu.memref_slice %arg5[%dma_start3A_72, %dma_start3A_76] : memref<200x128xi32, #tpu.memory_space<vmem>> -> memref<1x64xi32, #tpu.memory_space<vmem>>
    %dma_start3A_78 = tpu.memref_squeeze %dma_start3A_77 : memref<1x64xi32, #tpu.memory_space<vmem>> -> memref<64xi32, #tpu.memory_space<vmem>>
    %dma_start3A_79 = arith.constant 0 : i32
    %dma_start3A_80 = arith.constant 0 : i32
    %dma_start3A_81 = tpu.memref_slice %arg2[%dma_start3A_79, %dma_start3A_80] : memref<100000x128xf32, #tpu.memory_space<hbm>> -> memref<100000x128xf32, #tpu.memory_space<hbm>>
    tpu.enqueue_indirect_dma source(%dma_start3A_81 : memref<100000x128xf32, #tpu.memory_space<hbm>>) target(%dma_start3A_75 : memref<64x128xf32, #tpu.memory_space<vmem>>) offsets(%dma_start3A_78 : memref<64xi32, #tpu.memory_space<vmem>>) semaphore(%arg13 : memref<!tpu.dma_semaphore, #tpu.memory_space<semaphore_mem>>)
    %dma_wait3A = arith.constant 0 : i32
    %dma_wait3A_82 = arith.constant 0 : i32
    %dma_wait3A_83 = arith.constant 0 : i32
    %dma_wait3A_84 = tpu.memref_slice %arg6[%dma_wait3A_82, %dma_wait3A_83] : memref<128x128xf32, #tpu.memory_space<vmem>> -> memref<64x128xf32, #tpu.memory_space<vmem>>
    %dma_wait3A_85 = arith.constant 0 : i32
    %dma_wait3A_86 = tpu.memref_slice %arg5[%dma_wait3A, %dma_wait3A_85] : memref<200x128xi32, #tpu.memory_space<vmem>> -> memref<1x64xi32, #tpu.memory_space<vmem>>
    %dma_wait3A_87 = tpu.memref_squeeze %dma_wait3A_86 : memref<1x64xi32, #tpu.memory_space<vmem>> -> memref<64xi32, #tpu.memory_space<vmem>>
    %dma_wait3A_88 = arith.constant 0 : i32
    %dma_wait3A_89 = arith.constant 0 : i32
    %dma_wait3A_90 = tpu.memref_slice %arg2[%dma_wait3A_88, %dma_wait3A_89] : memref<100000x128xf32, #tpu.memory_space<hbm>> -> memref<100000x128xf32, #tpu.memory_space<hbm>>
    tpu.wait_indirect_dma semaphore(%arg10 : memref<!tpu.dma_semaphore, #tpu.memory_space<semaphore_mem>>) src(%dma_wait3A_90 : memref<100000x128xf32, #tpu.memory_space<hbm>>) dst(%dma_wait3A_84 : memref<64x128xf32, #tpu.memory_space<vmem>>)
    %dma_wait3A_91 = arith.constant 0 : i32
    %dma_wait3A_92 = arith.constant 64 : i32
    %dma_wait3A_93 = arith.constant 0 : i32
    %dma_wait3A_94 = tpu.memref_slice %arg6[%dma_wait3A_92, %dma_wait3A_93] : memref<128x128xf32, #tpu.memory_space<vmem>> -> memref<64x128xf32, #tpu.memory_space<vmem>>
    %dma_wait3A_95 = arith.constant 0 : i32
    %dma_wait3A_96 = tpu.memref_slice %arg5[%dma_wait3A_91, %dma_wait3A_95] : memref<200x128xi32, #tpu.memory_space<vmem>> -> memref<1x64xi32, #tpu.memory_space<vmem>>
    %dma_wait3A_97 = tpu.memref_squeeze %dma_wait3A_96 : memref<1x64xi32, #tpu.memory_space<vmem>> -> memref<64xi32, #tpu.memory_space<vmem>>
    %dma_wait3A_98 = arith.constant 0 : i32
    %dma_wait3A_99 = arith.constant 0 : i32
    %dma_wait3A_100 = tpu.memref_slice %arg2[%dma_wait3A_98, %dma_wait3A_99] : memref<100000x128xf32, #tpu.memory_space<hbm>> -> memref<100000x128xf32, #tpu.memory_space<hbm>>
    tpu.wait_indirect_dma semaphore(%arg10 : memref<!tpu.dma_semaphore, #tpu.memory_space<semaphore_mem>>) src(%dma_wait3A_100 : memref<100000x128xf32, #tpu.memory_space<hbm>>) dst(%dma_wait3A_94 : memref<64x128xf32, #tpu.memory_space<vmem>>)
    %parallel_loop3A = arith.constant 0 : i32
    %parallel_loop3A_101 = arith.constant 128 : i32
    %parallel_loop3A_102 = arith.constant 1 : i32
    scf.for %parallel_loop3A_241 = %parallel_loop3A to %parallel_loop3A_101 step %parallel_loop3A_102  : i32 {
      %parallel_loop3A_242 = arith.index_cast %parallel_loop3A_241 : i32 to index
      %parallel_loop3A_243 = arith.constant 0 : index
      %parallel_loop3A_244 = tpu.vector_load %arg6[%parallel_loop3A_242, %parallel_loop3A_243] {strides = array<i32>} : memref<128x128xf32, #tpu.memory_space<vmem>>, vector<1x16xf32>,
      %parallel_loop3A_245 = vector.shape_cast %parallel_loop3A_244 : vector<1x16xf32> to vector<16xf32>
      %parallel_loop3A_246 = arith.constant 11.3137083 : f32
      %parallel_loop3A_247 = vector.broadcast %parallel_loop3A_246 : f32 to vector<16xf32>
      %parallel_loop3A_248 = arith.mulf %parallel_loop3A_245, %parallel_loop3A_247 : vector<16xf32>
      %parallel_loop3A_249 = arith.index_cast %parallel_loop3A_241 : i32 to index
      %parallel_loop3A_250 = arith.constant 0 : index
      %parallel_loop3A_251 = tpu.vector_load %arg6[%parallel_loop3A_249, %parallel_loop3A_250] {strides = array<i32>} : memref<128x128xf32, #tpu.memory_space<vmem>>, vector<1x16xf32>,
      %parallel_loop3A_252 = vector.shape_cast %parallel_loop3A_251 : vector<1x16xf32> to vector<16xf32>
      %parallel_loop3A_253 = vector.shape_cast %parallel_loop3A_248 : vector<16xf32> to vector<1x16xf32>
      tpu.vector_store %arg6[%parallel_loop3A_249, %parallel_loop3A_250], %parallel_loop3A_253 {strides = array<i32>} : memref<128x128xf32, #tpu.memory_space<vmem>>, vector<1x16xf32>,
      %parallel_loop3A_254 = arith.index_cast %parallel_loop3A_241 : i32 to index
      %parallel_loop3A_255 = arith.constant 16 : index
      %parallel_loop3A_256 = tpu.vector_load %arg6[%parallel_loop3A_254, %parallel_loop3A_255] {strides = array<i32>} : memref<128x128xf32, #tpu.memory_space<vmem>>, vector<1x16xf32>,
      %parallel_loop3A_257 = vector.shape_cast %parallel_loop3A_256 : vector<1x16xf32> to vector<16xf32>
      %parallel_loop3A_258 = arith.constant 11.3137083 : f32
      %parallel_loop3A_259 = vector.broadcast %parallel_loop3A_258 : f32 to vector<16xf32>
      %parallel_loop3A_260 = arith.mulf %parallel_loop3A_257, %parallel_loop3A_259 : vector<16xf32>
      %parallel_loop3A_261 = arith.index_cast %parallel_loop3A_241 : i32 to index
      %parallel_loop3A_262 = arith.constant 16 : index
      %parallel_loop3A_263 = tpu.vector_load %arg6[%parallel_loop3A_261, %parallel_loop3A_262] {strides = array<i32>} : memref<128x128xf32, #tpu.memory_space<vmem>>, vector<1x16xf32>,
      %parallel_loop3A_264 = vector.shape_cast %parallel_loop3A_263 : vector<1x16xf32> to vector<16xf32>
      %parallel_loop3A_265 = vector.shape_cast %parallel_loop3A_260 : vector<16xf32> to vector<1x16xf32>
      tpu.vector_store %arg6[%parallel_loop3A_261, %parallel_loop3A_262], %parallel_loop3A_265 {strides = array<i32>} : memref<128x128xf32, #tpu.memory_space<vmem>>, vector<1x16xf32>,
      %parallel_loop3A_266 = arith.index_cast %parallel_loop3A_241 : i32 to index
      %parallel_loop3A_267 = arith.constant 32 : index
      %parallel_loop3A_268 = tpu.vector_load %arg6[%parallel_loop3A_266, %parallel_loop3A_267] {strides = array<i32>} : memref<128x128xf32, #tpu.memory_space<vmem>>, vector<1x16xf32>,
      %parallel_loop3A_269 = vector.shape_cast %parallel_loop3A_268 : vector<1x16xf32> to vector<16xf32>
      %parallel_loop3A_270 = arith.constant 11.3137083 : f32
      %parallel_loop3A_271 = vector.broadcast %parallel_loop3A_270 : f32 to vector<16xf32>
      %parallel_loop3A_272 = arith.mulf %parallel_loop3A_269, %parallel_loop3A_271 : vector<16xf32>
      %parallel_loop3A_273 = arith.index_cast %parallel_loop3A_241 : i32 to index
      %parallel_loop3A_274 = arith.constant 32 : index
      %parallel_loop3A_275 = tpu.vector_load %arg6[%parallel_loop3A_273, %parallel_loop3A_274] {strides = array<i32>} : memref<128x128xf32, #tpu.memory_space<vmem>>, vector<1x16xf32>,
      %parallel_loop3A_276 = vector.shape_cast %parallel_loop3A_275 : vector<1x16xf32> to vector<16xf32>
      %parallel_loop3A_277 = vector.shape_cast %parallel_loop3A_272 : vector<16xf32> to vector<1x16xf32>
      tpu.vector_store %arg6[%parallel_loop3A_273, %parallel_loop3A_274], %parallel_loop3A_277 {strides = array<i32>} : memref<128x128xf32, #tpu.memory_space<vmem>>, vector<1x16xf32>,
      %parallel_loop3A_278 = arith.index_cast %parallel_loop3A_241 : i32 to index
      %parallel_loop3A_279 = arith.constant 48 : index
      %parallel_loop3A_280 = tpu.vector_load %arg6[%parallel_loop3A_278, %parallel_loop3A_279] {strides = array<i32>} : memref<128x128xf32, #tpu.memory_space<vmem>>, vector<1x16xf32>,
      %parallel_loop3A_281 = vector.shape_cast %parallel_loop3A_280 : vector<1x16xf32> to vector<16xf32>
      %parallel_loop3A_282 = arith.constant 11.3137083 : f32
      %parallel_loop3A_283 = vector.broadcast %parallel_loop3A_282 : f32 to vector<16xf32>
      %parallel_loop3A_284 = arith.mulf %parallel_loop3A_281, %parallel_loop3A_283 : vector<16xf32>
      %parallel_loop3A_285 = arith.index_cast %parallel_loop3A_241 : i32 to index
      %parallel_loop3A_286 = arith.constant 48 : index
      %parallel_loop3A_287 = tpu.vector_load %arg6[%parallel_loop3A_285, %parallel_loop3A_286] {strides = array<i32>} : memref<128x128xf32, #tpu.memory_space<vmem>>, vector<1x16xf32>,
      %parallel_loop3A_288 = vector.shape_cast %parallel_loop3A_287 : vector<1x16xf32> to vector<16xf32>
      %parallel_loop3A_289 = vector.shape_cast %parallel_loop3A_284 : vector<16xf32> to vector<1x16xf32>
      tpu.vector_store %arg6[%parallel_loop3A_285, %parallel_loop3A_286], %parallel_loop3A_289 {strides = array<i32>} : memref<128x128xf32, #tpu.memory_space<vmem>>, vector<1x16xf32>,
      %parallel_loop3A_290 = arith.index_cast %parallel_loop3A_241 : i32 to index
      %parallel_loop3A_291 = arith.constant 64 : index
      %parallel_loop3A_292 = tpu.vector_load %arg6[%parallel_loop3A_290, %parallel_loop3A_291] {strides = array<i32>} : memref<128x128xf32, #tpu.memory_space<vmem>>, vector<1x16xf32>,
      %parallel_loop3A_293 = vector.shape_cast %parallel_loop3A_292 : vector<1x16xf32> to vector<16xf32>
      %parallel_loop3A_294 = arith.constant 11.3137083 : f32
      %parallel_loop3A_295 = vector.broadcast %parallel_loop3A_294 : f32 to vector<16xf32>
      %parallel_loop3A_296 = arith.mulf %parallel_loop3A_293, %parallel_loop3A_295 : vector<16xf32>
      %parallel_loop3A_297 = arith.index_cast %parallel_loop3A_241 : i32 to index
      %parallel_loop3A_298 = arith.constant 64 : index
      %parallel_loop3A_299 = tpu.vector_load %arg6[%parallel_loop3A_297, %parallel_loop3A_298] {strides = array<i32>} : memref<128x128xf32, #tpu.memory_space<vmem>>, vector<1x16xf32>,
      %parallel_loop3A_300 = vector.shape_cast %parallel_loop3A_299 : vector<1x16xf32> to vector<16xf32>
      %parallel_loop3A_301 = vector.shape_cast %parallel_loop3A_296 : vector<16xf32> to vector<1x16xf32>
      tpu.vector_store %arg6[%parallel_loop3A_297, %parallel_loop3A_298], %parallel_loop3A_301 {strides = array<i32>} : memref<128x128xf32, #tpu.memory_space<vmem>>, vector<1x16xf32>,
      %parallel_loop3A_302 = arith.index_cast %parallel_loop3A_241 : i32 to index
      %parallel_loop3A_303 = arith.constant 80 : index
      %parallel_loop3A_304 = tpu.vector_load %arg6[%parallel_loop3A_302, %parallel_loop3A_303] {strides = array<i32>} : memref<128x128xf32, #tpu.memory_space<vmem>>, vector<1x16xf32>,
      %parallel_loop3A_305 = vector.shape_cast %parallel_loop3A_304 : vector<1x16xf32> to vector<16xf32>
      %parallel_loop3A_306 = arith.constant 11.3137083 : f32
      %parallel_loop3A_307 = vector.broadcast %parallel_loop3A_306 : f32 to vector<16xf32>
      %parallel_loop3A_308 = arith.mulf %parallel_loop3A_305, %parallel_loop3A_307 : vector<16xf32>
      %parallel_loop3A_309 = arith.index_cast %parallel_loop3A_241 : i32 to index
      %parallel_loop3A_310 = arith.constant 80 : index
      %parallel_loop3A_311 = tpu.vector_load %arg6[%parallel_loop3A_309, %parallel_loop3A_310] {strides = array<i32>} : memref<128x128xf32, #tpu.memory_space<vmem>>, vector<1x16xf32>,
      %parallel_loop3A_312 = vector.shape_cast %parallel_loop3A_311 : vector<1x16xf32> to vector<16xf32>
      %parallel_loop3A_313 = vector.shape_cast %parallel_loop3A_308 : vector<16xf32> to vector<1x16xf32>
      tpu.vector_store %arg6[%parallel_loop3A_309, %parallel_loop3A_310], %parallel_loop3A_313 {strides = array<i32>} : memref<128x128xf32, #tpu.memory_space<vmem>>, vector<1x16xf32>,
      %parallel_loop3A_314 = arith.index_cast %parallel_loop3A_241 : i32 to index
      %parallel_loop3A_315 = arith.constant 96 : index
      %parallel_loop3A_316 = tpu.vector_load %arg6[%parallel_loop3A_314, %parallel_loop3A_315] {strides = array<i32>} : memref<128x128xf32, #tpu.memory_space<vmem>>, vector<1x16xf32>,
      %parallel_loop3A_317 = vector.shape_cast %parallel_loop3A_316 : vector<1x16xf32> to vector<16xf32>
      %parallel_loop3A_318 = arith.constant 11.3137083 : f32
      %parallel_loop3A_319 = vector.broadcast %parallel_loop3A_318 : f32 to vector<16xf32>
      %parallel_loop3A_320 = arith.mulf %parallel_loop3A_317, %parallel_loop3A_319 : vector<16xf32>
      %parallel_loop3A_321 = arith.index_cast %parallel_loop3A_241 : i32 to index
      %parallel_loop3A_322 = arith.constant 96 : index
      %parallel_loop3A_323 = tpu.vector_load %arg6[%parallel_loop3A_321, %parallel_loop3A_322] {strides = array<i32>} : memref<128x128xf32, #tpu.memory_space<vmem>>, vector<1x16xf32>,
      %parallel_loop3A_324 = vector.shape_cast %parallel_loop3A_323 : vector<1x16xf32> to vector<16xf32>
      %parallel_loop3A_325 = vector.shape_cast %parallel_loop3A_320 : vector<16xf32> to vector<1x16xf32>
      tpu.vector_store %arg6[%parallel_loop3A_321, %parallel_loop3A_322], %parallel_loop3A_325 {strides = array<i32>} : memref<128x128xf32, #tpu.memory_space<vmem>>, vector<1x16xf32>,
      %parallel_loop3A_326 = arith.index_cast %parallel_loop3A_241 : i32 to index
      %parallel_loop3A_327 = arith.constant 112 : index
      %parallel_loop3A_328 = tpu.vector_load %arg6[%parallel_loop3A_326, %parallel_loop3A_327] {strides = array<i32>} : memref<128x128xf32, #tpu.memory_space<vmem>>, vector<1x16xf32>,
      %parallel_loop3A_329 = vector.shape_cast %parallel_loop3A_328 : vector<1x16xf32> to vector<16xf32>
      %parallel_loop3A_330 = arith.constant 11.3137083 : f32
      %parallel_loop3A_331 = vector.broadcast %parallel_loop3A_330 : f32 to vector<16xf32>
      %parallel_loop3A_332 = arith.mulf %parallel_loop3A_329, %parallel_loop3A_331 : vector<16xf32>
      %parallel_loop3A_333 = arith.index_cast %parallel_loop3A_241 : i32 to index
      %parallel_loop3A_334 = arith.constant 112 : index
      %parallel_loop3A_335 = tpu.vector_load %arg6[%parallel_loop3A_333, %parallel_loop3A_334] {strides = array<i32>} : memref<128x128xf32, #tpu.memory_space<vmem>>, vector<1x16xf32>,
      %parallel_loop3A_336 = vector.shape_cast %parallel_loop3A_335 : vector<1x16xf32> to vector<16xf32>
      %parallel_loop3A_337 = vector.shape_cast %parallel_loop3A_332 : vector<16xf32> to vector<1x16xf32>
      tpu.vector_store %arg6[%parallel_loop3A_333, %parallel_loop3A_334], %parallel_loop3A_337 {strides = array<i32>} : memref<128x128xf32, #tpu.memory_space<vmem>>, vector<1x16xf32>,
    } {sc.loop_unroll_factor = 2 : i64, sc.parallel_access}
    %add3A_103 = arith.constant 0 : i32
    %add3A_104 = arith.addi %mul3A_2, %add3A_103 : i32
    %mul3A_105 = arith.constant 128 : i32
    %mul3A_106 = arith.muli %add3A_104, %mul3A_105 : i32
    %dma_start3A_107 = arith.constant 0 : i32
    %dma_start3A_108 = tpu.memref_slice %arg4[%mul3A_106, %dma_start3A_107] : memref<819200x128xf32, #tpu.memory_space<hbm>> -> memref<128x128xf32, #tpu.memory_space<hbm>>
    %dma_start3A_109 = arith.constant 0 : i32
    %dma_start3A_110 = tpu.memref_slice %arg4[%mul3A_106, %dma_start3A_109] : memref<819200x128xf32, #tpu.memory_space<hbm>> -> memref<128x128xf32, #tpu.memory_space<hbm>>
    tpu.enqueue_dma source(%arg6 : memref<128x128xf32, #tpu.memory_space<vmem>>) target(%dma_start3A_110 : memref<128x128xf32, #tpu.memory_space<hbm>>) target_semaphore(%arg14 : memref<!tpu.dma_semaphore, #tpu.memory_space<semaphore_mem>>)
    %dma_wait3A_111 = arith.constant 0 : i32
    %dma_wait3A_112 = arith.constant 0 : i32
    %dma_wait3A_113 = arith.constant 0 : i32
    %dma_wait3A_114 = tpu.memref_slice %arg7[%dma_wait3A_112, %dma_wait3A_113] : memref<128x128xf32, #tpu.memory_space<vmem>> -> memref<64x128xf32, #tpu.memory_space<vmem>>
    %dma_wait3A_115 = arith.constant 0 : i32
    %dma_wait3A_116 = tpu.memref_slice %arg5[%dma_wait3A_111, %dma_wait3A_115] : memref<200x128xi32, #tpu.memory_space<vmem>> -> memref<1x64xi32, #tpu.memory_space<vmem>>
    %dma_wait3A_117 = tpu.memref_squeeze %dma_wait3A_116 : memref<1x64xi32, #tpu.memory_space<vmem>> -> memref<64xi32, #tpu.memory_space<vmem>>
    %dma_wait3A_118 = arith.constant 0 : i32
    %dma_wait3A_119 = arith.constant 0 : i32
    %dma_wait3A_120 = tpu.memref_slice %arg2[%dma_wait3A_118, %dma_wait3A_119] : memref<100000x128xf32, #tpu.memory_space<hbm>> -> memref<100000x128xf32, #tpu.memory_space<hbm>>
    tpu.wait_indirect_dma semaphore(%arg11 : memref<!tpu.dma_semaphore, #tpu.memory_space<semaphore_mem>>) src(%dma_wait3A_120 : memref<100000x128xf32, #tpu.memory_space<hbm>>) dst(%dma_wait3A_114 : memref<64x128xf32, #tpu.memory_space<vmem>>)
    %dma_wait3A_121 = arith.constant 0 : i32
    %dma_wait3A_122 = arith.constant 64 : i32
    %dma_wait3A_123 = arith.constant 0 : i32
    %dma_wait3A_124 = tpu.memref_slice %arg7[%dma_wait3A_122, %dma_wait3A_123] : memref<128x128xf32, #tpu.memory_space<vmem>> -> memref<64x128xf32, #tpu.memory_space<vmem>>
    %dma_wait3A_125 = arith.constant 0 : i32
    %dma_wait3A_126 = tpu.memref_slice %arg5[%dma_wait3A_121, %dma_wait3A_125] : memref<200x128xi32, #tpu.memory_space<vmem>> -> memref<1x64xi32, #tpu.memory_space<vmem>>
    %dma_wait3A_127 = tpu.memref_squeeze %dma_wait3A_126 : memref<1x64xi32, #tpu.memory_space<vmem>> -> memref<64xi32, #tpu.memory_space<vmem>>
    %dma_wait3A_128 = arith.constant 0 : i32
    %dma_wait3A_129 = arith.constant 0 : i32
    %dma_wait3A_130 = tpu.memref_slice %arg2[%dma_wait3A_128, %dma_wait3A_129] : memref<100000x128xf32, #tpu.memory_space<hbm>> -> memref<100000x128xf32, #tpu.memory_space<hbm>>
    tpu.wait_indirect_dma semaphore(%arg11 : memref<!tpu.dma_semaphore, #tpu.memory_space<semaphore_mem>>) src(%dma_wait3A_130 : memref<100000x128xf32, #tpu.memory_space<hbm>>) dst(%dma_wait3A_124 : memref<64x128xf32, #tpu.memory_space<vmem>>)
    %parallel_loop3A_131 = arith.constant 0 : i32
    %parallel_loop3A_132 = arith.constant 128 : i32
    %parallel_loop3A_133 = arith.constant 1 : i32
    scf.for %parallel_loop3A_241 = %parallel_loop3A_131 to %parallel_loop3A_132 step %parallel_loop3A_133  : i32 {
      %parallel_loop3A_242 = arith.index_cast %parallel_loop3A_241 : i32 to index
      %parallel_loop3A_243 = arith.constant 0 : index
      %parallel_loop3A_244 = tpu.vector_load %arg7[%parallel_loop3A_242, %parallel_loop3A_243] {strides = array<i32>} : memref<128x128xf32, #tpu.memory_space<vmem>>, vector<1x16xf32>,
      %parallel_loop3A_245 = vector.shape_cast %parallel_loop3A_244 : vector<1x16xf32> to vector<16xf32>
      %parallel_loop3A_246 = arith.constant 11.3137083 : f32
      %parallel_loop3A_247 = vector.broadcast %parallel_loop3A_246 : f32 to vector<16xf32>
      %parallel_loop3A_248 = arith.mulf %parallel_loop3A_245, %parallel_loop3A_247 : vector<16xf32>
      %parallel_loop3A_249 = arith.index_cast %parallel_loop3A_241 : i32 to index
      %parallel_loop3A_250 = arith.constant 0 : index
      %parallel_loop3A_251 = tpu.vector_load %arg7[%parallel_loop3A_249, %parallel_loop3A_250] {strides = array<i32>} : memref<128x128xf32, #tpu.memory_space<vmem>>, vector<1x16xf32>,
      %parallel_loop3A_252 = vector.shape_cast %parallel_loop3A_251 : vector<1x16xf32> to vector<16xf32>
      %parallel_loop3A_253 = vector.shape_cast %parallel_loop3A_248 : vector<16xf32> to vector<1x16xf32>
      tpu.vector_store %arg7[%parallel_loop3A_249, %parallel_loop3A_250], %parallel_loop3A_253 {strides = array<i32>} : memref<128x128xf32, #tpu.memory_space<vmem>>, vector<1x16xf32>,
      %parallel_loop3A_254 = arith.index_cast %parallel_loop3A_241 : i32 to index
      %parallel_loop3A_255 = arith.constant 16 : index
      %parallel_loop3A_256 = tpu.vector_load %arg7[%parallel_loop3A_254, %parallel_loop3A_255] {strides = array<i32>} : memref<128x128xf32, #tpu.memory_space<vmem>>, vector<1x16xf32>,
      %parallel_loop3A_257 = vector.shape_cast %parallel_loop3A_256 : vector<1x16xf32> to vector<16xf32>
      %parallel_loop3A_258 = arith.constant 11.3137083 : f32
      %parallel_loop3A_259 = vector.broadcast %parallel_loop3A_258 : f32 to vector<16xf32>
      %parallel_loop3A_260 = arith.mulf %parallel_loop3A_257, %parallel_loop3A_259 : vector<16xf32>
      %parallel_loop3A_261 = arith.index_cast %parallel_loop3A_241 : i32 to index
      %parallel_loop3A_262 = arith.constant 16 : index
      %parallel_loop3A_263 = tpu.vector_load %arg7[%parallel_loop3A_261, %parallel_loop3A_262] {strides = array<i32>} : memref<128x128xf32, #tpu.memory_space<vmem>>, vector<1x16xf32>,
      %parallel_loop3A_264 = vector.shape_cast %parallel_loop3A_263 : vector<1x16xf32> to vector<16xf32>
      %parallel_loop3A_265 = vector.shape_cast %parallel_loop3A_260 : vector<16xf32> to vector<1x16xf32>
      tpu.vector_store %arg7[%parallel_loop3A_261, %parallel_loop3A_262], %parallel_loop3A_265 {strides = array<i32>} : memref<128x128xf32, #tpu.memory_space<vmem>>, vector<1x16xf32>,
      %parallel_loop3A_266 = arith.index_cast %parallel_loop3A_241 : i32 to index
      %parallel_loop3A_267 = arith.constant 32 : index
      %parallel_loop3A_268 = tpu.vector_load %arg7[%parallel_loop3A_266, %parallel_loop3A_267] {strides = array<i32>} : memref<128x128xf32, #tpu.memory_space<vmem>>, vector<1x16xf32>,
      %parallel_loop3A_269 = vector.shape_cast %parallel_loop3A_268 : vector<1x16xf32> to vector<16xf32>
      %parallel_loop3A_270 = arith.constant 11.3137083 : f32
      %parallel_loop3A_271 = vector.broadcast %parallel_loop3A_270 : f32 to vector<16xf32>
      %parallel_loop3A_272 = arith.mulf %parallel_loop3A_269, %parallel_loop3A_271 : vector<16xf32>
      %parallel_loop3A_273 = arith.index_cast %parallel_loop3A_241 : i32 to index
      %parallel_loop3A_274 = arith.constant 32 : index
      %parallel_loop3A_275 = tpu.vector_load %arg7[%parallel_loop3A_273, %parallel_loop3A_274] {strides = array<i32>} : memref<128x128xf32, #tpu.memory_space<vmem>>, vector<1x16xf32>,
      %parallel_loop3A_276 = vector.shape_cast %parallel_loop3A_275 : vector<1x16xf32> to vector<16xf32>
      %parallel_loop3A_277 = vector.shape_cast %parallel_loop3A_272 : vector<16xf32> to vector<1x16xf32>
      tpu.vector_store %arg7[%parallel_loop3A_273, %parallel_loop3A_274], %parallel_loop3A_277 {strides = array<i32>} : memref<128x128xf32, #tpu.memory_space<vmem>>, vector<1x16xf32>,
      %parallel_loop3A_278 = arith.index_cast %parallel_loop3A_241 : i32 to index
      %parallel_loop3A_279 = arith.constant 48 : index
      %parallel_loop3A_280 = tpu.vector_load %arg7[%parallel_loop3A_278, %parallel_loop3A_279] {strides = array<i32>} : memref<128x128xf32, #tpu.memory_space<vmem>>, vector<1x16xf32>,
      %parallel_loop3A_281 = vector.shape_cast %parallel_loop3A_280 : vector<1x16xf32> to vector<16xf32>
      %parallel_loop3A_282 = arith.constant 11.3137083 : f32
      %parallel_loop3A_283 = vector.broadcast %parallel_loop3A_282 : f32 to vector<16xf32>
      %parallel_loop3A_284 = arith.mulf %parallel_loop3A_281, %parallel_loop3A_283 : vector<16xf32>
      %parallel_loop3A_285 = arith.index_cast %parallel_loop3A_241 : i32 to index
      %parallel_loop3A_286 = arith.constant 48 : index
      %parallel_loop3A_287 = tpu.vector_load %arg7[%parallel_loop3A_285, %parallel_loop3A_286] {strides = array<i32>} : memref<128x128xf32, #tpu.memory_space<vmem>>, vector<1x16xf32>,
      %parallel_loop3A_288 = vector.shape_cast %parallel_loop3A_287 : vector<1x16xf32> to vector<16xf32>
      %parallel_loop3A_289 = vector.shape_cast %parallel_loop3A_284 : vector<16xf32> to vector<1x16xf32>
      tpu.vector_store %arg7[%parallel_loop3A_285, %parallel_loop3A_286], %parallel_loop3A_289 {strides = array<i32>} : memref<128x128xf32, #tpu.memory_space<vmem>>, vector<1x16xf32>,
      %parallel_loop3A_290 = arith.index_cast %parallel_loop3A_241 : i32 to index
      %parallel_loop3A_291 = arith.constant 64 : index
      %parallel_loop3A_292 = tpu.vector_load %arg7[%parallel_loop3A_290, %parallel_loop3A_291] {strides = array<i32>} : memref<128x128xf32, #tpu.memory_space<vmem>>, vector<1x16xf32>,
      %parallel_loop3A_293 = vector.shape_cast %parallel_loop3A_292 : vector<1x16xf32> to vector<16xf32>
      %parallel_loop3A_294 = arith.constant 11.3137083 : f32
      %parallel_loop3A_295 = vector.broadcast %parallel_loop3A_294 : f32 to vector<16xf32>
      %parallel_loop3A_296 = arith.mulf %parallel_loop3A_293, %parallel_loop3A_295 : vector<16xf32>
      %parallel_loop3A_297 = arith.index_cast %parallel_loop3A_241 : i32 to index
      %parallel_loop3A_298 = arith.constant 64 : index
      %parallel_loop3A_299 = tpu.vector_load %arg7[%parallel_loop3A_297, %parallel_loop3A_298] {strides = array<i32>} : memref<128x128xf32, #tpu.memory_space<vmem>>, vector<1x16xf32>,
      %parallel_loop3A_300 = vector.shape_cast %parallel_loop3A_299 : vector<1x16xf32> to vector<16xf32>
      %parallel_loop3A_301 = vector.shape_cast %parallel_loop3A_296 : vector<16xf32> to vector<1x16xf32>
      tpu.vector_store %arg7[%parallel_loop3A_297, %parallel_loop3A_298], %parallel_loop3A_301 {strides = array<i32>} : memref<128x128xf32, #tpu.memory_space<vmem>>, vector<1x16xf32>,
      %parallel_loop3A_302 = arith.index_cast %parallel_loop3A_241 : i32 to index
      %parallel_loop3A_303 = arith.constant 80 : index
      %parallel_loop3A_304 = tpu.vector_load %arg7[%parallel_loop3A_302, %parallel_loop3A_303] {strides = array<i32>} : memref<128x128xf32, #tpu.memory_space<vmem>>, vector<1x16xf32>,
      %parallel_loop3A_305 = vector.shape_cast %parallel_loop3A_304 : vector<1x16xf32> to vector<16xf32>
      %parallel_loop3A_306 = arith.constant 11.3137083 : f32
      %parallel_loop3A_307 = vector.broadcast %parallel_loop3A_306 : f32 to vector<16xf32>
      %parallel_loop3A_308 = arith.mulf %parallel_loop3A_305, %parallel_loop3A_307 : vector<16xf32>
      %parallel_loop3A_309 = arith.index_cast %parallel_loop3A_241 : i32 to index
      %parallel_loop3A_310 = arith.constant 80 : index
      %parallel_loop3A_311 = tpu.vector_load %arg7[%parallel_loop3A_309, %parallel_loop3A_310] {strides = array<i32>} : memref<128x128xf32, #tpu.memory_space<vmem>>, vector<1x16xf32>,
      %parallel_loop3A_312 = vector.shape_cast %parallel_loop3A_311 : vector<1x16xf32> to vector<16xf32>
      %parallel_loop3A_313 = vector.shape_cast %parallel_loop3A_308 : vector<16xf32> to vector<1x16xf32>
      tpu.vector_store %arg7[%parallel_loop3A_309, %parallel_loop3A_310], %parallel_loop3A_313 {strides = array<i32>} : memref<128x128xf32, #tpu.memory_space<vmem>>, vector<1x16xf32>,
      %parallel_loop3A_314 = arith.index_cast %parallel_loop3A_241 : i32 to index
      %parallel_loop3A_315 = arith.constant 96 : index
      %parallel_loop3A_316 = tpu.vector_load %arg7[%parallel_loop3A_314, %parallel_loop3A_315] {strides = array<i32>} : memref<128x128xf32, #tpu.memory_space<vmem>>, vector<1x16xf32>,
      %parallel_loop3A_317 = vector.shape_cast %parallel_loop3A_316 : vector<1x16xf32> to vector<16xf32>
      %parallel_loop3A_318 = arith.constant 11.3137083 : f32
      %parallel_loop3A_319 = vector.broadcast %parallel_loop3A_318 : f32 to vector<16xf32>
      %parallel_loop3A_320 = arith.mulf %parallel_loop3A_317, %parallel_loop3A_319 : vector<16xf32>
      %parallel_loop3A_321 = arith.index_cast %parallel_loop3A_241 : i32 to index
      %parallel_loop3A_322 = arith.constant 96 : index
      %parallel_loop3A_323 = tpu.vector_load %arg7[%parallel_loop3A_321, %parallel_loop3A_322] {strides = array<i32>} : memref<128x128xf32, #tpu.memory_space<vmem>>, vector<1x16xf32>,
      %parallel_loop3A_324 = vector.shape_cast %parallel_loop3A_323 : vector<1x16xf32> to vector<16xf32>
      %parallel_loop3A_325 = vector.shape_cast %parallel_loop3A_320 : vector<16xf32> to vector<1x16xf32>
      tpu.vector_store %arg7[%parallel_loop3A_321, %parallel_loop3A_322], %parallel_loop3A_325 {strides = array<i32>} : memref<128x128xf32, #tpu.memory_space<vmem>>, vector<1x16xf32>,
      %parallel_loop3A_326 = arith.index_cast %parallel_loop3A_241 : i32 to index
      %parallel_loop3A_327 = arith.constant 112 : index
      %parallel_loop3A_328 = tpu.vector_load %arg7[%parallel_loop3A_326, %parallel_loop3A_327] {strides = array<i32>} : memref<128x128xf32, #tpu.memory_space<vmem>>, vector<1x16xf32>,
      %parallel_loop3A_329 = vector.shape_cast %parallel_loop3A_328 : vector<1x16xf32> to vector<16xf32>
      %parallel_loop3A_330 = arith.constant 11.3137083 : f32
      %parallel_loop3A_331 = vector.broadcast %parallel_loop3A_330 : f32 to vector<16xf32>
      %parallel_loop3A_332 = arith.mulf %parallel_loop3A_329, %parallel_loop3A_331 : vector<16xf32>
      %parallel_loop3A_333 = arith.index_cast %parallel_loop3A_241 : i32 to index
      %parallel_loop3A_334 = arith.constant 112 : index
      %parallel_loop3A_335 = tpu.vector_load %arg7[%parallel_loop3A_333, %parallel_loop3A_334] {strides = array<i32>} : memref<128x128xf32, #tpu.memory_space<vmem>>, vector<1x16xf32>,
      %parallel_loop3A_336 = vector.shape_cast %parallel_loop3A_335 : vector<1x16xf32> to vector<16xf32>
      %parallel_loop3A_337 = vector.shape_cast %parallel_loop3A_332 : vector<16xf32> to vector<1x16xf32>
      tpu.vector_store %arg7[%parallel_loop3A_333, %parallel_loop3A_334], %parallel_loop3A_337 {strides = array<i32>} : memref<128x128xf32, #tpu.memory_space<vmem>>, vector<1x16xf32>,
    } {sc.loop_unroll_factor = 2 : i64, sc.parallel_access}
    %add3A_134 = arith.constant 1 : i32
    %add3A_135 = arith.addi %mul3A_2, %add3A_134 : i32
    %mul3A_136 = arith.constant 128 : i32
    %mul3A_137 = arith.muli %add3A_135, %mul3A_136 : i32
    %dma_start3A_138 = arith.constant 0 : i32
    %dma_start3A_139 = tpu.memref_slice %arg4[%mul3A_137, %dma_start3A_138] : memref<819200x128xf32, #tpu.memory_space<hbm>> -> memref<128x128xf32, #tpu.memory_space<hbm>>
    %dma_start3A_140 = arith.constant 0 : i32
    %dma_start3A_141 = tpu.memref_slice %arg4[%mul3A_137, %dma_start3A_140] : memref<819200x128xf32, #tpu.memory_space<hbm>> -> memref<128x128xf32, #tpu.memory_space<hbm>>
    tpu.enqueue_dma source(%arg7 : memref<128x128xf32, #tpu.memory_space<vmem>>) target(%dma_start3A_141 : memref<128x128xf32, #tpu.memory_space<hbm>>) target_semaphore(%arg15 : memref<!tpu.dma_semaphore, #tpu.memory_space<semaphore_mem>>)
    %dma_wait3A_142 = arith.constant 0 : i32
    %dma_wait3A_143 = arith.constant 0 : i32
    %dma_wait3A_144 = arith.constant 0 : i32
    %dma_wait3A_145 = tpu.memref_slice %arg8[%dma_wait3A_143, %dma_wait3A_144] : memref<128x128xf32, #tpu.memory_space<vmem>> -> memref<64x128xf32, #tpu.memory_space<vmem>>
    %dma_wait3A_146 = arith.constant 0 : i32
    %dma_wait3A_147 = tpu.memref_slice %arg5[%dma_wait3A_142, %dma_wait3A_146] : memref<200x128xi32, #tpu.memory_space<vmem>> -> memref<1x64xi32, #tpu.memory_space<vmem>>
    %dma_wait3A_148 = tpu.memref_squeeze %dma_wait3A_147 : memref<1x64xi32, #tpu.memory_space<vmem>> -> memref<64xi32, #tpu.memory_space<vmem>>
    %dma_wait3A_149 = arith.constant 0 : i32
    %dma_wait3A_150 = arith.constant 0 : i32
    %dma_wait3A_151 = tpu.memref_slice %arg2[%dma_wait3A_149, %dma_wait3A_150] : memref<100000x128xf32, #tpu.memory_space<hbm>> -> memref<100000x128xf32, #tpu.memory_space<hbm>>
    tpu.wait_indirect_dma semaphore(%arg12 : memref<!tpu.dma_semaphore, #tpu.memory_space<semaphore_mem>>) src(%dma_wait3A_151 : memref<100000x128xf32, #tpu.memory_space<hbm>>) dst(%dma_wait3A_145 : memref<64x128xf32, #tpu.memory_space<vmem>>)
    %dma_wait3A_152 = arith.constant 0 : i32
    %dma_wait3A_153 = arith.constant 64 : i32
    %dma_wait3A_154 = arith.constant 0 : i32
    %dma_wait3A_155 = tpu.memref_slice %arg8[%dma_wait3A_153, %dma_wait3A_154] : memref<128x128xf32, #tpu.memory_space<vmem>> -> memref<64x128xf32, #tpu.memory_space<vmem>>
    %dma_wait3A_156 = arith.constant 0 : i32
    %dma_wait3A_157 = tpu.memref_slice %arg5[%dma_wait3A_152, %dma_wait3A_156] : memref<200x128xi32, #tpu.memory_space<vmem>> -> memref<1x64xi32, #tpu.memory_space<vmem>>
    %dma_wait3A_158 = tpu.memref_squeeze %dma_wait3A_157 : memref<1x64xi32, #tpu.memory_space<vmem>> -> memref<64xi32, #tpu.memory_space<vmem>>
    %dma_wait3A_159 = arith.constant 0 : i32
    %dma_wait3A_160 = arith.constant 0 : i32
    %dma_wait3A_161 = tpu.memref_slice %arg2[%dma_wait3A_159, %dma_wait3A_160] : memref<100000x128xf32, #tpu.memory_space<hbm>> -> memref<100000x128xf32, #tpu.memory_space<hbm>>
    tpu.wait_indirect_dma semaphore(%arg12 : memref<!tpu.dma_semaphore, #tpu.memory_space<semaphore_mem>>) src(%dma_wait3A_161 : memref<100000x128xf32, #tpu.memory_space<hbm>>) dst(%dma_wait3A_155 : memref<64x128xf32, #tpu.memory_space<vmem>>)
    %parallel_loop3A_162 = arith.constant 0 : i32
    %parallel_loop3A_163 = arith.constant 128 : i32
    %parallel_loop3A_164 = arith.constant 1 : i32
    scf.for %parallel_loop3A_241 = %parallel_loop3A_162 to %parallel_loop3A_163 step %parallel_loop3A_164  : i32 {
      %parallel_loop3A_242 = arith.index_cast %parallel_loop3A_241 : i32 to index
      %parallel_loop3A_243 = arith.constant 0 : index
      %parallel_loop3A_244 = tpu.vector_load %arg8[%parallel_loop3A_242, %parallel_loop3A_243] {strides = array<i32>} : memref<128x128xf32, #tpu.memory_space<vmem>>, vector<1x16xf32>,
      %parallel_loop3A_245 = vector.shape_cast %parallel_loop3A_244 : vector<1x16xf32> to vector<16xf32>
      %parallel_loop3A_246 = arith.constant 11.3137083 : f32
      %parallel_loop3A_247 = vector.broadcast %parallel_loop3A_246 : f32 to vector<16xf32>
      %parallel_loop3A_248 = arith.mulf %parallel_loop3A_245, %parallel_loop3A_247 : vector<16xf32>
      %parallel_loop3A_249 = arith.index_cast %parallel_loop3A_241 : i32 to index
      %parallel_loop3A_250 = arith.constant 0 : index
      %parallel_loop3A_251 = tpu.vector_load %arg8[%parallel_loop3A_249, %parallel_loop3A_250] {strides = array<i32>} : memref<128x128xf32, #tpu.memory_space<vmem>>, vector<1x16xf32>,
      %parallel_loop3A_252 = vector.shape_cast %parallel_loop3A_251 : vector<1x16xf32> to vector<16xf32>
      %parallel_loop3A_253 = vector.shape_cast %parallel_loop3A_248 : vector<16xf32> to vector<1x16xf32>
      tpu.vector_store %arg8[%parallel_loop3A_249, %parallel_loop3A_250], %parallel_loop3A_253 {strides = array<i32>} : memref<128x128xf32, #tpu.memory_space<vmem>>, vector<1x16xf32>,
      %parallel_loop3A_254 = arith.index_cast %parallel_loop3A_241 : i32 to index
      %parallel_loop3A_255 = arith.constant 16 : index
      %parallel_loop3A_256 = tpu.vector_load %arg8[%parallel_loop3A_254, %parallel_loop3A_255] {strides = array<i32>} : memref<128x128xf32, #tpu.memory_space<vmem>>, vector<1x16xf32>,
      %parallel_loop3A_257 = vector.shape_cast %parallel_loop3A_256 : vector<1x16xf32> to vector<16xf32>
      %parallel_loop3A_258 = arith.constant 11.3137083 : f32
      %parallel_loop3A_259 = vector.broadcast %parallel_loop3A_258 : f32 to vector<16xf32>
      %parallel_loop3A_260 = arith.mulf %parallel_loop3A_257, %parallel_loop3A_259 : vector<16xf32>
      %parallel_loop3A_261 = arith.index_cast %parallel_loop3A_241 : i32 to index
      %parallel_loop3A_262 = arith.constant 16 : index
      %parallel_loop3A_263 = tpu.vector_load %arg8[%parallel_loop3A_261, %parallel_loop3A_262] {strides = array<i32>} : memref<128x128xf32, #tpu.memory_space<vmem>>, vector<1x16xf32>,
      %parallel_loop3A_264 = vector.shape_cast %parallel_loop3A_263 : vector<1x16xf32> to vector<16xf32>
      %parallel_loop3A_265 = vector.shape_cast %parallel_loop3A_260 : vector<16xf32> to vector<1x16xf32>
      tpu.vector_store %arg8[%parallel_loop3A_261, %parallel_loop3A_262], %parallel_loop3A_265 {strides = array<i32>} : memref<128x128xf32, #tpu.memory_space<vmem>>, vector<1x16xf32>,
      %parallel_loop3A_266 = arith.index_cast %parallel_loop3A_241 : i32 to index
      %parallel_loop3A_267 = arith.constant 32 : index
      %parallel_loop3A_268 = tpu.vector_load %arg8[%parallel_loop3A_266, %parallel_loop3A_267] {strides = array<i32>} : memref<128x128xf32, #tpu.memory_space<vmem>>, vector<1x16xf32>,
      %parallel_loop3A_269 = vector.shape_cast %parallel_loop3A_268 : vector<1x16xf32> to vector<16xf32>
      %parallel_loop3A_270 = arith.constant 11.3137083 : f32
      %parallel_loop3A_271 = vector.broadcast %parallel_loop3A_270 : f32 to vector<16xf32>
      %parallel_loop3A_272 = arith.mulf %parallel_loop3A_269, %parallel_loop3A_271 : vector<16xf32>
      %parallel_loop3A_273 = arith.index_cast %parallel_loop3A_241 : i32 to index
      %parallel_loop3A_274 = arith.constant 32 : index
      %parallel_loop3A_275 = tpu.vector_load %arg8[%parallel_loop3A_273, %parallel_loop3A_274] {strides = array<i32>} : memref<128x128xf32, #tpu.memory_space<vmem>>, vector<1x16xf32>,
      %parallel_loop3A_276 = vector.shape_cast %parallel_loop3A_275 : vector<1x16xf32> to vector<16xf32>
      %parallel_loop3A_277 = vector.shape_cast %parallel_loop3A_272 : vector<16xf32> to vector<1x16xf32>
      tpu.vector_store %arg8[%parallel_loop3A_273, %parallel_loop3A_274], %parallel_loop3A_277 {strides = array<i32>} : memref<128x128xf32, #tpu.memory_space<vmem>>, vector<1x16xf32>,
      %parallel_loop3A_278 = arith.index_cast %parallel_loop3A_241 : i32 to index
      %parallel_loop3A_279 = arith.constant 48 : index
      %parallel_loop3A_280 = tpu.vector_load %arg8[%parallel_loop3A_278, %parallel_loop3A_279] {strides = array<i32>} : memref<128x128xf32, #tpu.memory_space<vmem>>, vector<1x16xf32>,
      %parallel_loop3A_281 = vector.shape_cast %parallel_loop3A_280 : vector<1x16xf32> to vector<16xf32>
      %parallel_loop3A_282 = arith.constant 11.3137083 : f32
      %parallel_loop3A_283 = vector.broadcast %parallel_loop3A_282 : f32 to vector<16xf32>
      %parallel_loop3A_284 = arith.mulf %parallel_loop3A_281, %parallel_loop3A_283 : vector<16xf32>
      %parallel_loop3A_285 = arith.index_cast %parallel_loop3A_241 : i32 to index
      %parallel_loop3A_286 = arith.constant 48 : index
      %parallel_loop3A_287 = tpu.vector_load %arg8[%parallel_loop3A_285, %parallel_loop3A_286] {strides = array<i32>} : memref<128x128xf32, #tpu.memory_space<vmem>>, vector<1x16xf32>,
      %parallel_loop3A_288 = vector.shape_cast %parallel_loop3A_287 : vector<1x16xf32> to vector<16xf32>
      %parallel_loop3A_289 = vector.shape_cast %parallel_loop3A_284 : vector<16xf32> to vector<1x16xf32>
      tpu.vector_store %arg8[%parallel_loop3A_285, %parallel_loop3A_286], %parallel_loop3A_289 {strides = array<i32>} : memref<128x128xf32, #tpu.memory_space<vmem>>, vector<1x16xf32>,
      %parallel_loop3A_290 = arith.index_cast %parallel_loop3A_241 : i32 to index
      %parallel_loop3A_291 = arith.constant 64 : index
      %parallel_loop3A_292 = tpu.vector_load %arg8[%parallel_loop3A_290, %parallel_loop3A_291] {strides = array<i32>} : memref<128x128xf32, #tpu.memory_space<vmem>>, vector<1x16xf32>,
      %parallel_loop3A_293 = vector.shape_cast %parallel_loop3A_292 : vector<1x16xf32> to vector<16xf32>
      %parallel_loop3A_294 = arith.constant 11.3137083 : f32
      %parallel_loop3A_295 = vector.broadcast %parallel_loop3A_294 : f32 to vector<16xf32>
      %parallel_loop3A_296 = arith.mulf %parallel_loop3A_293, %parallel_loop3A_295 : vector<16xf32>
      %parallel_loop3A_297 = arith.index_cast %parallel_loop3A_241 : i32 to index
      %parallel_loop3A_298 = arith.constant 64 : index
      %parallel_loop3A_299 = tpu.vector_load %arg8[%parallel_loop3A_297, %parallel_loop3A_298] {strides = array<i32>} : memref<128x128xf32, #tpu.memory_space<vmem>>, vector<1x16xf32>,
      %parallel_loop3A_300 = vector.shape_cast %parallel_loop3A_299 : vector<1x16xf32> to vector<16xf32>
      %parallel_loop3A_301 = vector.shape_cast %parallel_loop3A_296 : vector<16xf32> to vector<1x16xf32>
      tpu.vector_store %arg8[%parallel_loop3A_297, %parallel_loop3A_298], %parallel_loop3A_301 {strides = array<i32>} : memref<128x128xf32, #tpu.memory_space<vmem>>, vector<1x16xf32>,
      %parallel_loop3A_302 = arith.index_cast %parallel_loop3A_241 : i32 to index
      %parallel_loop3A_303 = arith.constant 80 : index
      %parallel_loop3A_304 = tpu.vector_load %arg8[%parallel_loop3A_302, %parallel_loop3A_303] {strides = array<i32>} : memref<128x128xf32, #tpu.memory_space<vmem>>, vector<1x16xf32>,
      %parallel_loop3A_305 = vector.shape_cast %parallel_loop3A_304 : vector<1x16xf32> to vector<16xf32>
      %parallel_loop3A_306 = arith.constant 11.3137083 : f32
      %parallel_loop3A_307 = vector.broadcast %parallel_loop3A_306 : f32 to vector<16xf32>
      %parallel_loop3A_308 = arith.mulf %parallel_loop3A_305, %parallel_loop3A_307 : vector<16xf32>
      %parallel_loop3A_309 = arith.index_cast %parallel_loop3A_241 : i32 to index
      %parallel_loop3A_310 = arith.constant 80 : index
      %parallel_loop3A_311 = tpu.vector_load %arg8[%parallel_loop3A_309, %parallel_loop3A_310] {strides = array<i32>} : memref<128x128xf32, #tpu.memory_space<vmem>>, vector<1x16xf32>,
      %parallel_loop3A_312 = vector.shape_cast %parallel_loop3A_311 : vector<1x16xf32> to vector<16xf32>
      %parallel_loop3A_313 = vector.shape_cast %parallel_loop3A_308 : vector<16xf32> to vector<1x16xf32>
      tpu.vector_store %arg8[%parallel_loop3A_309, %parallel_loop3A_310], %parallel_loop3A_313 {strides = array<i32>} : memref<128x128xf32, #tpu.memory_space<vmem>>, vector<1x16xf32>,
      %parallel_loop3A_314 = arith.index_cast %parallel_loop3A_241 : i32 to index
      %parallel_loop3A_315 = arith.constant 96 : index
      %parallel_loop3A_316 = tpu.vector_load %arg8[%parallel_loop3A_314, %parallel_loop3A_315] {strides = array<i32>} : memref<128x128xf32, #tpu.memory_space<vmem>>, vector<1x16xf32>,
      %parallel_loop3A_317 = vector.shape_cast %parallel_loop3A_316 : vector<1x16xf32> to vector<16xf32>
      %parallel_loop3A_318 = arith.constant 11.3137083 : f32
      %parallel_loop3A_319 = vector.broadcast %parallel_loop3A_318 : f32 to vector<16xf32>
      %parallel_loop3A_320 = arith.mulf %parallel_loop3A_317, %parallel_loop3A_319 : vector<16xf32>
      %parallel_loop3A_321 = arith.index_cast %parallel_loop3A_241 : i32 to index
      %parallel_loop3A_322 = arith.constant 96 : index
      %parallel_loop3A_323 = tpu.vector_load %arg8[%parallel_loop3A_321, %parallel_loop3A_322] {strides = array<i32>} : memref<128x128xf32, #tpu.memory_space<vmem>>, vector<1x16xf32>,
      %parallel_loop3A_324 = vector.shape_cast %parallel_loop3A_323 : vector<1x16xf32> to vector<16xf32>
      %parallel_loop3A_325 = vector.shape_cast %parallel_loop3A_320 : vector<16xf32> to vector<1x16xf32>
      tpu.vector_store %arg8[%parallel_loop3A_321, %parallel_loop3A_322], %parallel_loop3A_325 {strides = array<i32>} : memref<128x128xf32, #tpu.memory_space<vmem>>, vector<1x16xf32>,
      %parallel_loop3A_326 = arith.index_cast %parallel_loop3A_241 : i32 to index
      %parallel_loop3A_327 = arith.constant 112 : index
      %parallel_loop3A_328 = tpu.vector_load %arg8[%parallel_loop3A_326, %parallel_loop3A_327] {strides = array<i32>} : memref<128x128xf32, #tpu.memory_space<vmem>>, vector<1x16xf32>,
      %parallel_loop3A_329 = vector.shape_cast %parallel_loop3A_328 : vector<1x16xf32> to vector<16xf32>
      %parallel_loop3A_330 = arith.constant 11.3137083 : f32
      %parallel_loop3A_331 = vector.broadcast %parallel_loop3A_330 : f32 to vector<16xf32>
      %parallel_loop3A_332 = arith.mulf %parallel_loop3A_329, %parallel_loop3A_331 : vector<16xf32>
      %parallel_loop3A_333 = arith.index_cast %parallel_loop3A_241 : i32 to index
      %parallel_loop3A_334 = arith.constant 112 : index
      %parallel_loop3A_335 = tpu.vector_load %arg8[%parallel_loop3A_333, %parallel_loop3A_334] {strides = array<i32>} : memref<128x128xf32, #tpu.memory_space<vmem>>, vector<1x16xf32>,
      %parallel_loop3A_336 = vector.shape_cast %parallel_loop3A_335 : vector<1x16xf32> to vector<16xf32>
      %parallel_loop3A_337 = vector.shape_cast %parallel_loop3A_332 : vector<16xf32> to vector<1x16xf32>
      tpu.vector_store %arg8[%parallel_loop3A_333, %parallel_loop3A_334], %parallel_loop3A_337 {strides = array<i32>} : memref<128x128xf32, #tpu.memory_space<vmem>>, vector<1x16xf32>,
    } {sc.loop_unroll_factor = 2 : i64, sc.parallel_access}
    %add3A_165 = arith.constant 2 : i32
    %add3A_166 = arith.addi %mul3A_2, %add3A_165 : i32
    %mul3A_167 = arith.constant 128 : i32
    %mul3A_168 = arith.muli %add3A_166, %mul3A_167 : i32
    %dma_start3A_169 = arith.constant 0 : i32
    %dma_start3A_170 = tpu.memref_slice %arg4[%mul3A_168, %dma_start3A_169] : memref<819200x128xf32, #tpu.memory_space<hbm>> -> memref<128x128xf32, #tpu.memory_space<hbm>>
    %dma_start3A_171 = arith.constant 0 : i32
    %dma_start3A_172 = tpu.memref_slice %arg4[%mul3A_168, %dma_start3A_171] : memref<819200x128xf32, #tpu.memory_space<hbm>> -> memref<128x128xf32, #tpu.memory_space<hbm>>
    tpu.enqueue_dma source(%arg8 : memref<128x128xf32, #tpu.memory_space<vmem>>) target(%dma_start3A_172 : memref<128x128xf32, #tpu.memory_space<hbm>>) target_semaphore(%arg16 : memref<!tpu.dma_semaphore, #tpu.memory_space<semaphore_mem>>)
    %dma_wait3A_173 = arith.constant 0 : i32
    %dma_wait3A_174 = arith.constant 0 : i32
    %dma_wait3A_175 = arith.constant 0 : i32
    %dma_wait3A_176 = tpu.memref_slice %arg9[%dma_wait3A_174, %dma_wait3A_175] : memref<128x128xf32, #tpu.memory_space<vmem>> -> memref<64x128xf32, #tpu.memory_space<vmem>>
    %dma_wait3A_177 = arith.constant 0 : i32
    %dma_wait3A_178 = tpu.memref_slice %arg5[%dma_wait3A_173, %dma_wait3A_177] : memref<200x128xi32, #tpu.memory_space<vmem>> -> memref<1x64xi32, #tpu.memory_space<vmem>>
    %dma_wait3A_179 = tpu.memref_squeeze %dma_wait3A_178 : memref<1x64xi32, #tpu.memory_space<vmem>> -> memref<64xi32, #tpu.memory_space<vmem>>
    %dma_wait3A_180 = arith.constant 0 : i32
    %dma_wait3A_181 = arith.constant 0 : i32
    %dma_wait3A_182 = tpu.memref_slice %arg2[%dma_wait3A_180, %dma_wait3A_181] : memref<100000x128xf32, #tpu.memory_space<hbm>> -> memref<100000x128xf32, #tpu.memory_space<hbm>>
    tpu.wait_indirect_dma semaphore(%arg13 : memref<!tpu.dma_semaphore, #tpu.memory_space<semaphore_mem>>) src(%dma_wait3A_182 : memref<100000x128xf32, #tpu.memory_space<hbm>>) dst(%dma_wait3A_176 : memref<64x128xf32, #tpu.memory_space<vmem>>)
    %dma_wait3A_183 = arith.constant 0 : i32
    %dma_wait3A_184 = arith.constant 64 : i32
    %dma_wait3A_185 = arith.constant 0 : i32
    %dma_wait3A_186 = tpu.memref_slice %arg9[%dma_wait3A_184, %dma_wait3A_185] : memref<128x128xf32, #tpu.memory_space<vmem>> -> memref<64x128xf32, #tpu.memory_space<vmem>>
    %dma_wait3A_187 = arith.constant 0 : i32
    %dma_wait3A_188 = tpu.memref_slice %arg5[%dma_wait3A_183, %dma_wait3A_187] : memref<200x128xi32, #tpu.memory_space<vmem>> -> memref<1x64xi32, #tpu.memory_space<vmem>>
    %dma_wait3A_189 = tpu.memref_squeeze %dma_wait3A_188 : memref<1x64xi32, #tpu.memory_space<vmem>> -> memref<64xi32, #tpu.memory_space<vmem>>
    %dma_wait3A_190 = arith.constant 0 : i32
    %dma_wait3A_191 = arith.constant 0 : i32
    %dma_wait3A_192 = tpu.memref_slice %arg2[%dma_wait3A_190, %dma_wait3A_191] : memref<100000x128xf32, #tpu.memory_space<hbm>> -> memref<100000x128xf32, #tpu.memory_space<hbm>>
    tpu.wait_indirect_dma semaphore(%arg13 : memref<!tpu.dma_semaphore, #tpu.memory_space<semaphore_mem>>) src(%dma_wait3A_192 : memref<100000x128xf32, #tpu.memory_space<hbm>>) dst(%dma_wait3A_186 : memref<64x128xf32, #tpu.memory_space<vmem>>)
    %parallel_loop3A_193 = arith.constant 0 : i32
    %parallel_loop3A_194 = arith.constant 128 : i32
    %parallel_loop3A_195 = arith.constant 1 : i32
    scf.for %parallel_loop3A_241 = %parallel_loop3A_193 to %parallel_loop3A_194 step %parallel_loop3A_195  : i32 {
      %parallel_loop3A_242 = arith.index_cast %parallel_loop3A_241 : i32 to index
      %parallel_loop3A_243 = arith.constant 0 : index
      %parallel_loop3A_244 = tpu.vector_load %arg9[%parallel_loop3A_242, %parallel_loop3A_243] {strides = array<i32>} : memref<128x128xf32, #tpu.memory_space<vmem>>, vector<1x16xf32>,
      %parallel_loop3A_245 = vector.shape_cast %parallel_loop3A_244 : vector<1x16xf32> to vector<16xf32>
      %parallel_loop3A_246 = arith.constant 11.3137083 : f32
      %parallel_loop3A_247 = vector.broadcast %parallel_loop3A_246 : f32 to vector<16xf32>
      %parallel_loop3A_248 = arith.mulf %parallel_loop3A_245, %parallel_loop3A_247 : vector<16xf32>
      %parallel_loop3A_249 = arith.index_cast %parallel_loop3A_241 : i32 to index
      %parallel_loop3A_250 = arith.constant 0 : index
      %parallel_loop3A_251 = tpu.vector_load %arg9[%parallel_loop3A_249, %parallel_loop3A_250] {strides = array<i32>} : memref<128x128xf32, #tpu.memory_space<vmem>>, vector<1x16xf32>,
      %parallel_loop3A_252 = vector.shape_cast %parallel_loop3A_251 : vector<1x16xf32> to vector<16xf32>
      %parallel_loop3A_253 = vector.shape_cast %parallel_loop3A_248 : vector<16xf32> to vector<1x16xf32>
      tpu.vector_store %arg9[%parallel_loop3A_249, %parallel_loop3A_250], %parallel_loop3A_253 {strides = array<i32>} : memref<128x128xf32, #tpu.memory_space<vmem>>, vector<1x16xf32>,
      %parallel_loop3A_254 = arith.index_cast %parallel_loop3A_241 : i32 to index
      %parallel_loop3A_255 = arith.constant 16 : index
      %parallel_loop3A_256 = tpu.vector_load %arg9[%parallel_loop3A_254, %parallel_loop3A_255] {strides = array<i32>} : memref<128x128xf32, #tpu.memory_space<vmem>>, vector<1x16xf32>,
      %parallel_loop3A_257 = vector.shape_cast %parallel_loop3A_256 : vector<1x16xf32> to vector<16xf32>
      %parallel_loop3A_258 = arith.constant 11.3137083 : f32
      %parallel_loop3A_259 = vector.broadcast %parallel_loop3A_258 : f32 to vector<16xf32>
      %parallel_loop3A_260 = arith.mulf %parallel_loop3A_257, %parallel_loop3A_259 : vector<16xf32>
      %parallel_loop3A_261 = arith.index_cast %parallel_loop3A_241 : i32 to index
      %parallel_loop3A_262 = arith.constant 16 : index
      %parallel_loop3A_263 = tpu.vector_load %arg9[%parallel_loop3A_261, %parallel_loop3A_262] {strides = array<i32>} : memref<128x128xf32, #tpu.memory_space<vmem>>, vector<1x16xf32>,
      %parallel_loop3A_264 = vector.shape_cast %parallel_loop3A_263 : vector<1x16xf32> to vector<16xf32>
      %parallel_loop3A_265 = vector.shape_cast %parallel_loop3A_260 : vector<16xf32> to vector<1x16xf32>
      tpu.vector_store %arg9[%parallel_loop3A_261, %parallel_loop3A_262], %parallel_loop3A_265 {strides = array<i32>} : memref<128x128xf32, #tpu.memory_space<vmem>>, vector<1x16xf32>,
      %parallel_loop3A_266 = arith.index_cast %parallel_loop3A_241 : i32 to index
      %parallel_loop3A_267 = arith.constant 32 : index
      %parallel_loop3A_268 = tpu.vector_load %arg9[%parallel_loop3A_266, %parallel_loop3A_267] {strides = array<i32>} : memref<128x128xf32, #tpu.memory_space<vmem>>, vector<1x16xf32>,
      %parallel_loop3A_269 = vector.shape_cast %parallel_loop3A_268 : vector<1x16xf32> to vector<16xf32>
      %parallel_loop3A_270 = arith.constant 11.3137083 : f32
      %parallel_loop3A_271 = vector.broadcast %parallel_loop3A_270 : f32 to vector<16xf32>
      %parallel_loop3A_272 = arith.mulf %parallel_loop3A_269, %parallel_loop3A_271 : vector<16xf32>
      %parallel_loop3A_273 = arith.index_cast %parallel_loop3A_241 : i32 to index
      %parallel_loop3A_274 = arith.constant 32 : index
      %parallel_loop3A_275 = tpu.vector_load %arg9[%parallel_loop3A_273, %parallel_loop3A_274] {strides = array<i32>} : memref<128x128xf32, #tpu.memory_space<vmem>>, vector<1x16xf32>,
      %parallel_loop3A_276 = vector.shape_cast %parallel_loop3A_275 : vector<1x16xf32> to vector<16xf32>
      %parallel_loop3A_277 = vector.shape_cast %parallel_loop3A_272 : vector<16xf32> to vector<1x16xf32>
      tpu.vector_store %arg9[%parallel_loop3A_273, %parallel_loop3A_274], %parallel_loop3A_277 {strides = array<i32>} : memref<128x128xf32, #tpu.memory_space<vmem>>, vector<1x16xf32>,
      %parallel_loop3A_278 = arith.index_cast %parallel_loop3A_241 : i32 to index
      %parallel_loop3A_279 = arith.constant 48 : index
      %parallel_loop3A_280 = tpu.vector_load %arg9[%parallel_loop3A_278, %parallel_loop3A_279] {strides = array<i32>} : memref<128x128xf32, #tpu.memory_space<vmem>>, vector<1x16xf32>,
      %parallel_loop3A_281 = vector.shape_cast %parallel_loop3A_280 : vector<1x16xf32> to vector<16xf32>
      %parallel_loop3A_282 = arith.constant 11.3137083 : f32
      %parallel_loop3A_283 = vector.broadcast %parallel_loop3A_282 : f32 to vector<16xf32>
      %parallel_loop3A_284 = arith.mulf %parallel_loop3A_281, %parallel_loop3A_283 : vector<16xf32>
      %parallel_loop3A_285 = arith.index_cast %parallel_loop3A_241 : i32 to index
      %parallel_loop3A_286 = arith.constant 48 : index
      %parallel_loop3A_287 = tpu.vector_load %arg9[%parallel_loop3A_285, %parallel_loop3A_286] {strides = array<i32>} : memref<128x128xf32, #tpu.memory_space<vmem>>, vector<1x16xf32>,
      %parallel_loop3A_288 = vector.shape_cast %parallel_loop3A_287 : vector<1x16xf32> to vector<16xf32>
      %parallel_loop3A_289 = vector.shape_cast %parallel_loop3A_284 : vector<16xf32> to vector<1x16xf32>
      tpu.vector_store %arg9[%parallel_loop3A_285, %parallel_loop3A_286], %parallel_loop3A_289 {strides = array<i32>} : memref<128x128xf32, #tpu.memory_space<vmem>>, vector<1x16xf32>,
      %parallel_loop3A_290 = arith.index_cast %parallel_loop3A_241 : i32 to index
      %parallel_loop3A_291 = arith.constant 64 : index
      %parallel_loop3A_292 = tpu.vector_load %arg9[%parallel_loop3A_290, %parallel_loop3A_291] {strides = array<i32>} : memref<128x128xf32, #tpu.memory_space<vmem>>, vector<1x16xf32>,
      %parallel_loop3A_293 = vector.shape_cast %parallel_loop3A_292 : vector<1x16xf32> to vector<16xf32>
      %parallel_loop3A_294 = arith.constant 11.3137083 : f32
      %parallel_loop3A_295 = vector.broadcast %parallel_loop3A_294 : f32 to vector<16xf32>
      %parallel_loop3A_296 = arith.mulf %parallel_loop3A_293, %parallel_loop3A_295 : vector<16xf32>
      %parallel_loop3A_297 = arith.index_cast %parallel_loop3A_241 : i32 to index
      %parallel_loop3A_298 = arith.constant 64 : index
      %parallel_loop3A_299 = tpu.vector_load %arg9[%parallel_loop3A_297, %parallel_loop3A_298] {strides = array<i32>} : memref<128x128xf32, #tpu.memory_space<vmem>>, vector<1x16xf32>,
      %parallel_loop3A_300 = vector.shape_cast %parallel_loop3A_299 : vector<1x16xf32> to vector<16xf32>
      %parallel_loop3A_301 = vector.shape_cast %parallel_loop3A_296 : vector<16xf32> to vector<1x16xf32>
      tpu.vector_store %arg9[%parallel_loop3A_297, %parallel_loop3A_298], %parallel_loop3A_301 {strides = array<i32>} : memref<128x128xf32, #tpu.memory_space<vmem>>, vector<1x16xf32>,
      %parallel_loop3A_302 = arith.index_cast %parallel_loop3A_241 : i32 to index
      %parallel_loop3A_303 = arith.constant 80 : index
      %parallel_loop3A_304 = tpu.vector_load %arg9[%parallel_loop3A_302, %parallel_loop3A_303] {strides = array<i32>} : memref<128x128xf32, #tpu.memory_space<vmem>>, vector<1x16xf32>,
      %parallel_loop3A_305 = vector.shape_cast %parallel_loop3A_304 : vector<1x16xf32> to vector<16xf32>
      %parallel_loop3A_306 = arith.constant 11.3137083 : f32
      %parallel_loop3A_307 = vector.broadcast %parallel_loop3A_306 : f32 to vector<16xf32>
      %parallel_loop3A_308 = arith.mulf %parallel_loop3A_305, %parallel_loop3A_307 : vector<16xf32>
      %parallel_loop3A_309 = arith.index_cast %parallel_loop3A_241 : i32 to index
      %parallel_loop3A_310 = arith.constant 80 : index
      %parallel_loop3A_311 = tpu.vector_load %arg9[%parallel_loop3A_309, %parallel_loop3A_310] {strides = array<i32>} : memref<128x128xf32, #tpu.memory_space<vmem>>, vector<1x16xf32>,
      %parallel_loop3A_312 = vector.shape_cast %parallel_loop3A_311 : vector<1x16xf32> to vector<16xf32>
      %parallel_loop3A_313 = vector.shape_cast %parallel_loop3A_308 : vector<16xf32> to vector<1x16xf32>
      tpu.vector_store %arg9[%parallel_loop3A_309, %parallel_loop3A_310], %parallel_loop3A_313 {strides = array<i32>} : memref<128x128xf32, #tpu.memory_space<vmem>>, vector<1x16xf32>,
      %parallel_loop3A_314 = arith.index_cast %parallel_loop3A_241 : i32 to index
      %parallel_loop3A_315 = arith.constant 96 : index
      %parallel_loop3A_316 = tpu.vector_load %arg9[%parallel_loop3A_314, %parallel_loop3A_315] {strides = array<i32>} : memref<128x128xf32, #tpu.memory_space<vmem>>, vector<1x16xf32>,
      %parallel_loop3A_317 = vector.shape_cast %parallel_loop3A_316 : vector<1x16xf32> to vector<16xf32>
      %parallel_loop3A_318 = arith.constant 11.3137083 : f32
      %parallel_loop3A_319 = vector.broadcast %parallel_loop3A_318 : f32 to vector<16xf32>
      %parallel_loop3A_320 = arith.mulf %parallel_loop3A_317, %parallel_loop3A_319 : vector<16xf32>
      %parallel_loop3A_321 = arith.index_cast %parallel_loop3A_241 : i32 to index
      %parallel_loop3A_322 = arith.constant 96 : index
      %parallel_loop3A_323 = tpu.vector_load %arg9[%parallel_loop3A_321, %parallel_loop3A_322] {strides = array<i32>} : memref<128x128xf32, #tpu.memory_space<vmem>>, vector<1x16xf32>,
      %parallel_loop3A_324 = vector.shape_cast %parallel_loop3A_323 : vector<1x16xf32> to vector<16xf32>
      %parallel_loop3A_325 = vector.shape_cast %parallel_loop3A_320 : vector<16xf32> to vector<1x16xf32>
      tpu.vector_store %arg9[%parallel_loop3A_321, %parallel_loop3A_322], %parallel_loop3A_325 {strides = array<i32>} : memref<128x128xf32, #tpu.memory_space<vmem>>, vector<1x16xf32>,
      %parallel_loop3A_326 = arith.index_cast %parallel_loop3A_241 : i32 to index
      %parallel_loop3A_327 = arith.constant 112 : index
      %parallel_loop3A_328 = tpu.vector_load %arg9[%parallel_loop3A_326, %parallel_loop3A_327] {strides = array<i32>} : memref<128x128xf32, #tpu.memory_space<vmem>>, vector<1x16xf32>,
      %parallel_loop3A_329 = vector.shape_cast %parallel_loop3A_328 : vector<1x16xf32> to vector<16xf32>
      %parallel_loop3A_330 = arith.constant 11.3137083 : f32
      %parallel_loop3A_331 = vector.broadcast %parallel_loop3A_330 : f32 to vector<16xf32>
      %parallel_loop3A_332 = arith.mulf %parallel_loop3A_329, %parallel_loop3A_331 : vector<16xf32>
      %parallel_loop3A_333 = arith.index_cast %parallel_loop3A_241 : i32 to index
      %parallel_loop3A_334 = arith.constant 112 : index
      %parallel_loop3A_335 = tpu.vector_load %arg9[%parallel_loop3A_333, %parallel_loop3A_334] {strides = array<i32>} : memref<128x128xf32, #tpu.memory_space<vmem>>, vector<1x16xf32>,
      %parallel_loop3A_336 = vector.shape_cast %parallel_loop3A_335 : vector<1x16xf32> to vector<16xf32>
      %parallel_loop3A_337 = vector.shape_cast %parallel_loop3A_332 : vector<16xf32> to vector<1x16xf32>
      tpu.vector_store %arg9[%parallel_loop3A_333, %parallel_loop3A_334], %parallel_loop3A_337 {strides = array<i32>} : memref<128x128xf32, #tpu.memory_space<vmem>>, vector<1x16xf32>,
    } {sc.loop_unroll_factor = 2 : i64, sc.parallel_access}
    %add3A_196 = arith.constant 3 : i32
    %add3A_197 = arith.addi %mul3A_2, %add3A_196 : i32
    %mul3A_198 = arith.constant 128 : i32
    %mul3A_199 = arith.muli %add3A_197, %mul3A_198 : i32
    %dma_start3A_200 = arith.constant 0 : i32
    %dma_start3A_201 = tpu.memref_slice %arg4[%mul3A_199, %dma_start3A_200] : memref<819200x128xf32, #tpu.memory_space<hbm>> -> memref<128x128xf32, #tpu.memory_space<hbm>>
    %dma_start3A_202 = arith.constant 0 : i32
    %dma_start3A_203 = tpu.memref_slice %arg4[%mul3A_199, %dma_start3A_202] : memref<819200x128xf32, #tpu.memory_space<hbm>> -> memref<128x128xf32, #tpu.memory_space<hbm>>
    tpu.enqueue_dma source(%arg9 : memref<128x128xf32, #tpu.memory_space<vmem>>) target(%dma_start3A_203 : memref<128x128xf32, #tpu.memory_space<hbm>>) target_semaphore(%arg17 : memref<!tpu.dma_semaphore, #tpu.memory_space<semaphore_mem>>)
    %scan3A = arith.constant 0 : i32
    %scan3A_204 = arith.constant 1 : i32
    %scan3A_205 = arith.constant 49 : i32
    %scan3A_206 = arith.addi %scan3A_204, %scan3A_205 : i32
    %scan3A_207 = arith.constant 1 : i32
    scf.for %scan3A_241 = %scan3A_204 to %scan3A_206 step %scan3A_207  : i32 {
      %mul3A_242 = arith.constant 4 : i32
      %mul3A_243 = arith.muli %scan3A_241, %mul3A_242 : i32
      %add3A_244 = arith.constant 0 : i32
      %add3A_245 = arith.addi %mul3A_243, %add3A_244 : i32
      %mul3A_246 = arith.constant 1 : i32
      %mul3A_247 = arith.muli %add3A_245, %mul3A_246 : i32
      %add3A_248 = arith.addi %mul3A_2, %mul3A_247 : i32
      %mul3A_249 = arith.constant 128 : i32
      %mul3A_250 = arith.muli %add3A_248, %mul3A_249 : i32
      %dma_wait3A_251 = arith.constant 0 : i32
      %dma_wait3A_252 = tpu.memref_slice %arg4[%mul3A_250, %dma_wait3A_251] : memref<819200x128xf32, #tpu.memory_space<hbm>> -> memref<128x128xf32, #tpu.memory_space<hbm>>
      %dma_wait3A_253 = arith.constant 0 : i32
      %dma_wait3A_254 = tpu.memref_slice %arg4[%mul3A_250, %dma_wait3A_253] : memref<819200x128xf32, #tpu.memory_space<hbm>> -> memref<128x128xf32, #tpu.memory_space<hbm>>
      tpu.wait_dma2 semaphore(%arg14 : memref<!tpu.dma_semaphore, #tpu.memory_space<semaphore_mem>>) src(%arg6 : memref<128x128xf32, #tpu.memory_space<vmem>>) dst(%dma_wait3A_254 : memref<128x128xf32, #tpu.memory_space<hbm>>)
      %mul3A_255 = arith.constant 1 : i32
      %mul3A_256 = arith.muli %add3A_245, %mul3A_255 : i32
      %add3A_257 = arith.constant 0 : i32
      %add3A_258 = arith.addi %mul3A_256, %add3A_257 : i32
      %dma_start3A_259 = arith.constant 0 : i32
      %dma_start3A_260 = arith.constant 0 : i32
      %dma_start3A_261 = tpu.memref_slice %arg6[%dma_start3A_259, %dma_start3A_260] : memref<128x128xf32, #tpu.memory_space<vmem>> -> memref<64x128xf32, #tpu.memory_space<vmem>>
      %dma_start3A_262 = arith.constant 0 : i32
      %dma_start3A_263 = tpu.memref_slice %arg5[%add3A_258, %dma_start3A_262] : memref<200x128xi32, #tpu.memory_space<vmem>> -> memref<1x64xi32, #tpu.memory_space<vmem>>
      %dma_start3A_264 = tpu.memref_squeeze %dma_start3A_263 : memref<1x64xi32, #tpu.memory_space<vmem>> -> memref<64xi32, #tpu.memory_space<vmem>>
      %dma_start3A_265 = arith.constant 0 : i32
      %dma_start3A_266 = arith.constant 0 : i32
      %dma_start3A_267 = tpu.memref_slice %arg2[%dma_start3A_265, %dma_start3A_266] : memref<100000x128xf32, #tpu.memory_space<hbm>> -> memref<100000x128xf32, #tpu.memory_space<hbm>>
      tpu.enqueue_indirect_dma source(%dma_start3A_267 : memref<100000x128xf32, #tpu.memory_space<hbm>>) target(%dma_start3A_261 : memref<64x128xf32, #tpu.memory_space<vmem>>) offsets(%dma_start3A_264 : memref<64xi32, #tpu.memory_space<vmem>>) semaphore(%arg10 : memref<!tpu.dma_semaphore, #tpu.memory_space<semaphore_mem>>)
      %mul3A_268 = arith.constant 1 : i32
      %mul3A_269 = arith.muli %add3A_245, %mul3A_268 : i32
      %add3A_270 = arith.constant 0 : i32
      %add3A_271 = arith.addi %mul3A_269, %add3A_270 : i32
      %dma_start3A_272 = arith.constant 64 : i32
      %dma_start3A_273 = arith.constant 0 : i32
      %dma_start3A_274 = tpu.memref_slice %arg6[%dma_start3A_272, %dma_start3A_273] : memref<128x128xf32, #tpu.memory_space<vmem>> -> memref<64x128xf32, #tpu.memory_space<vmem>>
      %dma_start3A_275 = arith.constant 64 : i32
      %dma_start3A_276 = tpu.memref_slice %arg5[%add3A_271, %dma_start3A_275] : memref<200x128xi32, #tpu.memory_space<vmem>> -> memref<1x64xi32, #tpu.memory_space<vmem>>
      %dma_start3A_277 = tpu.memref_squeeze %dma_start3A_276 : memref<1x64xi32, #tpu.memory_space<vmem>> -> memref<64xi32, #tpu.memory_space<vmem>>
      %dma_start3A_278 = arith.constant 0 : i32
      %dma_start3A_279 = arith.constant 0 : i32
      %dma_start3A_280 = tpu.memref_slice %arg2[%dma_start3A_278, %dma_start3A_279] : memref<100000x128xf32, #tpu.memory_space<hbm>> -> memref<100000x128xf32, #tpu.memory_space<hbm>>
      tpu.enqueue_indirect_dma source(%dma_start3A_280 : memref<100000x128xf32, #tpu.memory_space<hbm>>) target(%dma_start3A_274 : memref<64x128xf32, #tpu.memory_space<vmem>>) offsets(%dma_start3A_277 : memref<64xi32, #tpu.memory_space<vmem>>) semaphore(%arg10 : memref<!tpu.dma_semaphore, #tpu.memory_space<semaphore_mem>>)
      %mul3A_281 = arith.constant 4 : i32
      %mul3A_282 = arith.muli %scan3A_241, %mul3A_281 : i32
      %add3A_283 = arith.constant 1 : i32
      %add3A_284 = arith.addi %mul3A_282, %add3A_283 : i32
      %mul3A_285 = arith.constant 1 : i32
      %mul3A_286 = arith.muli %add3A_284, %mul3A_285 : i32
      %add3A_287 = arith.addi %mul3A_2, %mul3A_286 : i32
      %mul3A_288 = arith.constant 128 : i32
      %mul3A_289 = arith.muli %add3A_287, %mul3A_288 : i32
      %dma_wait3A_290 = arith.constant 0 : i32
      %dma_wait3A_291 = tpu.memref_slice %arg4[%mul3A_289, %dma_wait3A_290] : memref<819200x128xf32, #tpu.memory_space<hbm>> -> memref<128x128xf32, #tpu.memory_space<hbm>>
      %dma_wait3A_292 = arith.constant 0 : i32
      %dma_wait3A_293 = tpu.memref_slice %arg4[%mul3A_289, %dma_wait3A_292] : memref<819200x128xf32, #tpu.memory_space<hbm>> -> memref<128x128xf32, #tpu.memory_space<hbm>>
      tpu.wait_dma2 semaphore(%arg15 : memref<!tpu.dma_semaphore, #tpu.memory_space<semaphore_mem>>) src(%arg7 : memref<128x128xf32, #tpu.memory_space<vmem>>) dst(%dma_wait3A_293 : memref<128x128xf32, #tpu.memory_space<hbm>>)
      %mul3A_294 = arith.constant 1 : i32
      %mul3A_295 = arith.muli %add3A_284, %mul3A_294 : i32
      %add3A_296 = arith.constant 0 : i32
      %add3A_297 = arith.addi %mul3A_295, %add3A_296 : i32
      %dma_start3A_298 = arith.constant 0 : i32
      %dma_start3A_299 = arith.constant 0 : i32
      %dma_start3A_300 = tpu.memref_slice %arg7[%dma_start3A_298, %dma_start3A_299] : memref<128x128xf32, #tpu.memory_space<vmem>> -> memref<64x128xf32, #tpu.memory_space<vmem>>
      %dma_start3A_301 = arith.constant 0 : i32
      %dma_start3A_302 = tpu.memref_slice %arg5[%add3A_297, %dma_start3A_301] : memref<200x128xi32, #tpu.memory_space<vmem>> -> memref<1x64xi32, #tpu.memory_space<vmem>>
      %dma_start3A_303 = tpu.memref_squeeze %dma_start3A_302 : memref<1x64xi32, #tpu.memory_space<vmem>> -> memref<64xi32, #tpu.memory_space<vmem>>
      %dma_start3A_304 = arith.constant 0 : i32
      %dma_start3A_305 = arith.constant 0 : i32
      %dma_start3A_306 = tpu.memref_slice %arg2[%dma_start3A_304, %dma_start3A_305] : memref<100000x128xf32, #tpu.memory_space<hbm>> -> memref<100000x128xf32, #tpu.memory_space<hbm>>
      tpu.enqueue_indirect_dma source(%dma_start3A_306 : memref<100000x128xf32, #tpu.memory_space<hbm>>) target(%dma_start3A_300 : memref<64x128xf32, #tpu.memory_space<vmem>>) offsets(%dma_start3A_303 : memref<64xi32, #tpu.memory_space<vmem>>) semaphore(%arg11 : memref<!tpu.dma_semaphore, #tpu.memory_space<semaphore_mem>>)
      %mul3A_307 = arith.constant 1 : i32
      %mul3A_308 = arith.muli %add3A_284, %mul3A_307 : i32
      %add3A_309 = arith.constant 0 : i32
      %add3A_310 = arith.addi %mul3A_308, %add3A_309 : i32
      %dma_start3A_311 = arith.constant 64 : i32
      %dma_start3A_312 = arith.constant 0 : i32
      %dma_start3A_313 = tpu.memref_slice %arg7[%dma_start3A_311, %dma_start3A_312] : memref<128x128xf32, #tpu.memory_space<vmem>> -> memref<64x128xf32, #tpu.memory_space<vmem>>
      %dma_start3A_314 = arith.constant 64 : i32
      %dma_start3A_315 = tpu.memref_slice %arg5[%add3A_310, %dma_start3A_314] : memref<200x128xi32, #tpu.memory_space<vmem>> -> memref<1x64xi32, #tpu.memory_space<vmem>>
      %dma_start3A_316 = tpu.memref_squeeze %dma_start3A_315 : memref<1x64xi32, #tpu.memory_space<vmem>> -> memref<64xi32, #tpu.memory_space<vmem>>
      %dma_start3A_317 = arith.constant 0 : i32
      %dma_start3A_318 = arith.constant 0 : i32
      %dma_start3A_319 = tpu.memref_slice %arg2[%dma_start3A_317, %dma_start3A_318] : memref<100000x128xf32, #tpu.memory_space<hbm>> -> memref<100000x128xf32, #tpu.memory_space<hbm>>
      tpu.enqueue_indirect_dma source(%dma_start3A_319 : memref<100000x128xf32, #tpu.memory_space<hbm>>) target(%dma_start3A_313 : memref<64x128xf32, #tpu.memory_space<vmem>>) offsets(%dma_start3A_316 : memref<64xi32, #tpu.memory_space<vmem>>) semaphore(%arg11 : memref<!tpu.dma_semaphore, #tpu.memory_space<semaphore_mem>>)
      %mul3A_320 = arith.constant 4 : i32
      %mul3A_321 = arith.muli %scan3A_241, %mul3A_320 : i32
      %add3A_322 = arith.constant 2 : i32
      %add3A_323 = arith.addi %mul3A_321, %add3A_322 : i32
      %mul3A_324 = arith.constant 1 : i32
      %mul3A_325 = arith.muli %add3A_323, %mul3A_324 : i32
      %add3A_326 = arith.addi %mul3A_2, %mul3A_325 : i32
      %mul3A_327 = arith.constant 128 : i32
      %mul3A_328 = arith.muli %add3A_326, %mul3A_327 : i32
      %dma_wait3A_329 = arith.constant 0 : i32
      %dma_wait3A_330 = tpu.memref_slice %arg4[%mul3A_328, %dma_wait3A_329] : memref<819200x128xf32, #tpu.memory_space<hbm>> -> memref<128x128xf32, #tpu.memory_space<hbm>>
      %dma_wait3A_331 = arith.constant 0 : i32
      %dma_wait3A_332 = tpu.memref_slice %arg4[%mul3A_328, %dma_wait3A_331] : memref<819200x128xf32, #tpu.memory_space<hbm>> -> memref<128x128xf32, #tpu.memory_space<hbm>>
      tpu.wait_dma2 semaphore(%arg16 : memref<!tpu.dma_semaphore, #tpu.memory_space<semaphore_mem>>) src(%arg8 : memref<128x128xf32, #tpu.memory_space<vmem>>) dst(%dma_wait3A_332 : memref<128x128xf32, #tpu.memory_space<hbm>>)
      %mul3A_333 = arith.constant 1 : i32
      %mul3A_334 = arith.muli %add3A_323, %mul3A_333 : i32
      %add3A_335 = arith.constant 0 : i32
      %add3A_336 = arith.addi %mul3A_334, %add3A_335 : i32
      %dma_start3A_337 = arith.constant 0 : i32
      %dma_start3A_338 = arith.constant 0 : i32
      %dma_start3A_339 = tpu.memref_slice %arg8[%dma_start3A_337, %dma_start3A_338] : memref<128x128xf32, #tpu.memory_space<vmem>> -> memref<64x128xf32, #tpu.memory_space<vmem>>
      %dma_start3A_340 = arith.constant 0 : i32
      %dma_start3A_341 = tpu.memref_slice %arg5[%add3A_336, %dma_start3A_340] : memref<200x128xi32, #tpu.memory_space<vmem>> -> memref<1x64xi32, #tpu.memory_space<vmem>>
      %dma_start3A_342 = tpu.memref_squeeze %dma_start3A_341 : memref<1x64xi32, #tpu.memory_space<vmem>> -> memref<64xi32, #tpu.memory_space<vmem>>
      %dma_start3A_343 = arith.constant 0 : i32
      %dma_start3A_344 = arith.constant 0 : i32
      %dma_start3A_345 = tpu.memref_slice %arg2[%dma_start3A_343, %dma_start3A_344] : memref<100000x128xf32, #tpu.memory_space<hbm>> -> memref<100000x128xf32, #tpu.memory_space<hbm>>
      tpu.enqueue_indirect_dma source(%dma_start3A_345 : memref<100000x128xf32, #tpu.memory_space<hbm>>) target(%dma_start3A_339 : memref<64x128xf32, #tpu.memory_space<vmem>>) offsets(%dma_start3A_342 : memref<64xi32, #tpu.memory_space<vmem>>) semaphore(%arg12 : memref<!tpu.dma_semaphore, #tpu.memory_space<semaphore_mem>>)
      %mul3A_346 = arith.constant 1 : i32
      %mul3A_347 = arith.muli %add3A_323, %mul3A_346 : i32
      %add3A_348 = arith.constant 0 : i32
      %add3A_349 = arith.addi %mul3A_347, %add3A_348 : i32
      %dma_start3A_350 = arith.constant 64 : i32
      %dma_start3A_351 = arith.constant 0 : i32
      %dma_start3A_352 = tpu.memref_slice %arg8[%dma_start3A_350, %dma_start3A_351] : memref<128x128xf32, #tpu.memory_space<vmem>> -> memref<64x128xf32, #tpu.memory_space<vmem>>
      %dma_start3A_353 = arith.constant 64 : i32
      %dma_start3A_354 = tpu.memref_slice %arg5[%add3A_349, %dma_start3A_353] : memref<200x128xi32, #tpu.memory_space<vmem>> -> memref<1x64xi32, #tpu.memory_space<vmem>>
      %dma_start3A_355 = tpu.memref_squeeze %dma_start3A_354 : memref<1x64xi32, #tpu.memory_space<vmem>> -> memref<64xi32, #tpu.memory_space<vmem>>
      %dma_start3A_356 = arith.constant 0 : i32
      %dma_start3A_357 = arith.constant 0 : i32
      %dma_start3A_358 = tpu.memref_slice %arg2[%dma_start3A_356, %dma_start3A_357] : memref<100000x128xf32, #tpu.memory_space<hbm>> -> memref<100000x128xf32, #tpu.memory_space<hbm>>
      tpu.enqueue_indirect_dma source(%dma_start3A_358 : memref<100000x128xf32, #tpu.memory_space<hbm>>) target(%dma_start3A_352 : memref<64x128xf32, #tpu.memory_space<vmem>>) offsets(%dma_start3A_355 : memref<64xi32, #tpu.memory_space<vmem>>) semaphore(%arg12 : memref<!tpu.dma_semaphore, #tpu.memory_space<semaphore_mem>>)
      %mul3A_359 = arith.constant 4 : i32
      %mul3A_360 = arith.muli %scan3A_241, %mul3A_359 : i32
      %add3A_361 = arith.constant 3 : i32
      %add3A_362 = arith.addi %mul3A_360, %add3A_361 : i32
      %mul3A_363 = arith.constant 1 : i32
      %mul3A_364 = arith.muli %add3A_362, %mul3A_363 : i32
      %add3A_365 = arith.addi %mul3A_2, %mul3A_364 : i32
      %mul3A_366 = arith.constant 128 : i32
      %mul3A_367 = arith.muli %add3A_365, %mul3A_366 : i32
      %dma_wait3A_368 = arith.constant 0 : i32
      %dma_wait3A_369 = tpu.memref_slice %arg4[%mul3A_367, %dma_wait3A_368] : memref<819200x128xf32, #tpu.memory_space<hbm>> -> memref<128x128xf32, #tpu.memory_space<hbm>>
      %dma_wait3A_370 = arith.constant 0 : i32
      %dma_wait3A_371 = tpu.memref_slice %arg4[%mul3A_367, %dma_wait3A_370] : memref<819200x128xf32, #tpu.memory_space<hbm>> -> memref<128x128xf32, #tpu.memory_space<hbm>>
      tpu.wait_dma2 semaphore(%arg17 : memref<!tpu.dma_semaphore, #tpu.memory_space<semaphore_mem>>) src(%arg9 : memref<128x128xf32, #tpu.memory_space<vmem>>) dst(%dma_wait3A_371 : memref<128x128xf32, #tpu.memory_space<hbm>>)
      %mul3A_372 = arith.constant 1 : i32
      %mul3A_373 = arith.muli %add3A_362, %mul3A_372 : i32
      %add3A_374 = arith.constant 0 : i32
      %add3A_375 = arith.addi %mul3A_373, %add3A_374 : i32
      %dma_start3A_376 = arith.constant 0 : i32
      %dma_start3A_377 = arith.constant 0 : i32
      %dma_start3A_378 = tpu.memref_slice %arg9[%dma_start3A_376, %dma_start3A_377] : memref<128x128xf32, #tpu.memory_space<vmem>> -> memref<64x128xf32, #tpu.memory_space<vmem>>
      %dma_start3A_379 = arith.constant 0 : i32
      %dma_start3A_380 = tpu.memref_slice %arg5[%add3A_375, %dma_start3A_379] : memref<200x128xi32, #tpu.memory_space<vmem>> -> memref<1x64xi32, #tpu.memory_space<vmem>>
      %dma_start3A_381 = tpu.memref_squeeze %dma_start3A_380 : memref<1x64xi32, #tpu.memory_space<vmem>> -> memref<64xi32, #tpu.memory_space<vmem>>
      %dma_start3A_382 = arith.constant 0 : i32
      %dma_start3A_383 = arith.constant 0 : i32
      %dma_start3A_384 = tpu.memref_slice %arg2[%dma_start3A_382, %dma_start3A_383] : memref<100000x128xf32, #tpu.memory_space<hbm>> -> memref<100000x128xf32, #tpu.memory_space<hbm>>
      tpu.enqueue_indirect_dma source(%dma_start3A_384 : memref<100000x128xf32, #tpu.memory_space<hbm>>) target(%dma_start3A_378 : memref<64x128xf32, #tpu.memory_space<vmem>>) offsets(%dma_start3A_381 : memref<64xi32, #tpu.memory_space<vmem>>) semaphore(%arg13 : memref<!tpu.dma_semaphore, #tpu.memory_space<semaphore_mem>>)
      %mul3A_385 = arith.constant 1 : i32
      %mul3A_386 = arith.muli %add3A_362, %mul3A_385 : i32
      %add3A_387 = arith.constant 0 : i32
      %add3A_388 = arith.addi %mul3A_386, %add3A_387 : i32
      %dma_start3A_389 = arith.constant 64 : i32
      %dma_start3A_390 = arith.constant 0 : i32
      %dma_start3A_391 = tpu.memref_slice %arg9[%dma_start3A_389, %dma_start3A_390] : memref<128x128xf32, #tpu.memory_space<vmem>> -> memref<64x128xf32, #tpu.memory_space<vmem>>
      %dma_start3A_392 = arith.constant 64 : i32
      %dma_start3A_393 = tpu.memref_slice %arg5[%add3A_388, %dma_start3A_392] : memref<200x128xi32, #tpu.memory_space<vmem>> -> memref<1x64xi32, #tpu.memory_space<vmem>>
      %dma_start3A_394 = tpu.memref_squeeze %dma_start3A_393 : memref<1x64xi32, #tpu.memory_space<vmem>> -> memref<64xi32, #tpu.memory_space<vmem>>
      %dma_start3A_395 = arith.constant 0 : i32
      %dma_start3A_396 = arith.constant 0 : i32
      %dma_start3A_397 = tpu.memref_slice %arg2[%dma_start3A_395, %dma_start3A_396] : memref<100000x128xf32, #tpu.memory_space<hbm>> -> memref<100000x128xf32, #tpu.memory_space<hbm>>
      tpu.enqueue_indirect_dma source(%dma_start3A_397 : memref<100000x128xf32, #tpu.memory_space<hbm>>) target(%dma_start3A_391 : memref<64x128xf32, #tpu.memory_space<vmem>>) offsets(%dma_start3A_394 : memref<64xi32, #tpu.memory_space<vmem>>) semaphore(%arg13 : memref<!tpu.dma_semaphore, #tpu.memory_space<semaphore_mem>>)
      %mul3A_398 = arith.constant 4 : i32
      %mul3A_399 = arith.muli %scan3A_241, %mul3A_398 : i32
      %add3A_400 = arith.constant 0 : i32
      %add3A_401 = arith.addi %mul3A_399, %add3A_400 : i32
      %dma_wait3A_402 = arith.constant 0 : i32
      %dma_wait3A_403 = arith.constant 0 : i32
      %dma_wait3A_404 = arith.constant 0 : i32
      %dma_wait3A_405 = tpu.memref_slice %arg6[%dma_wait3A_403, %dma_wait3A_404] : memref<128x128xf32, #tpu.memory_space<vmem>> -> memref<64x128xf32, #tpu.memory_space<vmem>>
      %dma_wait3A_406 = arith.constant 0 : i32
      %dma_wait3A_407 = tpu.memref_slice %arg5[%dma_wait3A_402, %dma_wait3A_406] : memref<200x128xi32, #tpu.memory_space<vmem>> -> memref<1x64xi32, #tpu.memory_space<vmem>>
      %dma_wait3A_408 = tpu.memref_squeeze %dma_wait3A_407 : memref<1x64xi32, #tpu.memory_space<vmem>> -> memref<64xi32, #tpu.memory_space<vmem>>
      %dma_wait3A_409 = arith.constant 0 : i32
      %dma_wait3A_410 = arith.constant 0 : i32
      %dma_wait3A_411 = tpu.memref_slice %arg2[%dma_wait3A_409, %dma_wait3A_410] : memref<100000x128xf32, #tpu.memory_space<hbm>> -> memref<100000x128xf32, #tpu.memory_space<hbm>>
      tpu.wait_indirect_dma semaphore(%arg10 : memref<!tpu.dma_semaphore, #tpu.memory_space<semaphore_mem>>) src(%dma_wait3A_411 : memref<100000x128xf32, #tpu.memory_space<hbm>>) dst(%dma_wait3A_405 : memref<64x128xf32, #tpu.memory_space<vmem>>)
      %dma_wait3A_412 = arith.constant 0 : i32
      %dma_wait3A_413 = arith.constant 64 : i32
      %dma_wait3A_414 = arith.constant 0 : i32
      %dma_wait3A_415 = tpu.memref_slice %arg6[%dma_wait3A_413, %dma_wait3A_414] : memref<128x128xf32, #tpu.memory_space<vmem>> -> memref<64x128xf32, #tpu.memory_space<vmem>>
      %dma_wait3A_416 = arith.constant 0 : i32
      %dma_wait3A_417 = tpu.memref_slice %arg5[%dma_wait3A_412, %dma_wait3A_416] : memref<200x128xi32, #tpu.memory_space<vmem>> -> memref<1x64xi32, #tpu.memory_space<vmem>>
      %dma_wait3A_418 = tpu.memref_squeeze %dma_wait3A_417 : memref<1x64xi32, #tpu.memory_space<vmem>> -> memref<64xi32, #tpu.memory_space<vmem>>
      %dma_wait3A_419 = arith.constant 0 : i32
      %dma_wait3A_420 = arith.constant 0 : i32
      %dma_wait3A_421 = tpu.memref_slice %arg2[%dma_wait3A_419, %dma_wait3A_420] : memref<100000x128xf32, #tpu.memory_space<hbm>> -> memref<100000x128xf32, #tpu.memory_space<hbm>>
      tpu.wait_indirect_dma semaphore(%arg10 : memref<!tpu.dma_semaphore, #tpu.memory_space<semaphore_mem>>) src(%dma_wait3A_421 : memref<100000x128xf32, #tpu.memory_space<hbm>>) dst(%dma_wait3A_415 : memref<64x128xf32, #tpu.memory_space<vmem>>)
      %parallel_loop3A_422 = arith.constant 0 : i32
      %parallel_loop3A_423 = arith.constant 128 : i32
      %parallel_loop3A_424 = arith.constant 1 : i32
      scf.for %parallel_loop3A_542 = %parallel_loop3A_422 to %parallel_loop3A_423 step %parallel_loop3A_424  : i32 {
        %parallel_loop3A_543 = arith.index_cast %parallel_loop3A_542 : i32 to index
        %parallel_loop3A_544 = arith.constant 0 : index
        %parallel_loop3A_545 = tpu.vector_load %arg6[%parallel_loop3A_543, %parallel_loop3A_544] {strides = array<i32>} : memref<128x128xf32, #tpu.memory_space<vmem>>, vector<1x16xf32>,
        %parallel_loop3A_546 = vector.shape_cast %parallel_loop3A_545 : vector<1x16xf32> to vector<16xf32>
        %parallel_loop3A_547 = arith.constant 11.3137083 : f32
        %parallel_loop3A_548 = vector.broadcast %parallel_loop3A_547 : f32 to vector<16xf32>
        %parallel_loop3A_549 = arith.mulf %parallel_loop3A_546, %parallel_loop3A_548 : vector<16xf32>
        %parallel_loop3A_550 = arith.index_cast %parallel_loop3A_542 : i32 to index
        %parallel_loop3A_551 = arith.constant 0 : index
        %parallel_loop3A_552 = tpu.vector_load %arg6[%parallel_loop3A_550, %parallel_loop3A_551] {strides = array<i32>} : memref<128x128xf32, #tpu.memory_space<vmem>>, vector<1x16xf32>,
        %parallel_loop3A_553 = vector.shape_cast %parallel_loop3A_552 : vector<1x16xf32> to vector<16xf32>
        %parallel_loop3A_554 = vector.shape_cast %parallel_loop3A_549 : vector<16xf32> to vector<1x16xf32>
        tpu.vector_store %arg6[%parallel_loop3A_550, %parallel_loop3A_551], %parallel_loop3A_554 {strides = array<i32>} : memref<128x128xf32, #tpu.memory_space<vmem>>, vector<1x16xf32>,
        %parallel_loop3A_555 = arith.index_cast %parallel_loop3A_542 : i32 to index
        %parallel_loop3A_556 = arith.constant 16 : index
        %parallel_loop3A_557 = tpu.vector_load %arg6[%parallel_loop3A_555, %parallel_loop3A_556] {strides = array<i32>} : memref<128x128xf32, #tpu.memory_space<vmem>>, vector<1x16xf32>,
        %parallel_loop3A_558 = vector.shape_cast %parallel_loop3A_557 : vector<1x16xf32> to vector<16xf32>
        %parallel_loop3A_559 = arith.constant 11.3137083 : f32
        %parallel_loop3A_560 = vector.broadcast %parallel_loop3A_559 : f32 to vector<16xf32>
        %parallel_loop3A_561 = arith.mulf %parallel_loop3A_558, %parallel_loop3A_560 : vector<16xf32>
        %parallel_loop3A_562 = arith.index_cast %parallel_loop3A_542 : i32 to index
        %parallel_loop3A_563 = arith.constant 16 : index
        %parallel_loop3A_564 = tpu.vector_load %arg6[%parallel_loop3A_562, %parallel_loop3A_563] {strides = array<i32>} : memref<128x128xf32, #tpu.memory_space<vmem>>, vector<1x16xf32>,
        %parallel_loop3A_565 = vector.shape_cast %parallel_loop3A_564 : vector<1x16xf32> to vector<16xf32>
        %parallel_loop3A_566 = vector.shape_cast %parallel_loop3A_561 : vector<16xf32> to vector<1x16xf32>
        tpu.vector_store %arg6[%parallel_loop3A_562, %parallel_loop3A_563], %parallel_loop3A_566 {strides = array<i32>} : memref<128x128xf32, #tpu.memory_space<vmem>>, vector<1x16xf32>,
        %parallel_loop3A_567 = arith.index_cast %parallel_loop3A_542 : i32 to index
        %parallel_loop3A_568 = arith.constant 32 : index
        %parallel_loop3A_569 = tpu.vector_load %arg6[%parallel_loop3A_567, %parallel_loop3A_568] {strides = array<i32>} : memref<128x128xf32, #tpu.memory_space<vmem>>, vector<1x16xf32>,
        %parallel_loop3A_570 = vector.shape_cast %parallel_loop3A_569 : vector<1x16xf32> to vector<16xf32>
        %parallel_loop3A_571 = arith.constant 11.3137083 : f32
        %parallel_loop3A_572 = vector.broadcast %parallel_loop3A_571 : f32 to vector<16xf32>
        %parallel_loop3A_573 = arith.mulf %parallel_loop3A_570, %parallel_loop3A_572 : vector<16xf32>
        %parallel_loop3A_574 = arith.index_cast %parallel_loop3A_542 : i32 to index
        %parallel_loop3A_575 = arith.constant 32 : index
        %parallel_loop3A_576 = tpu.vector_load %arg6[%parallel_loop3A_574, %parallel_loop3A_575] {strides = array<i32>} : memref<128x128xf32, #tpu.memory_space<vmem>>, vector<1x16xf32>,
        %parallel_loop3A_577 = vector.shape_cast %parallel_loop3A_576 : vector<1x16xf32> to vector<16xf32>
        %parallel_loop3A_578 = vector.shape_cast %parallel_loop3A_573 : vector<16xf32> to vector<1x16xf32>
        tpu.vector_store %arg6[%parallel_loop3A_574, %parallel_loop3A_575], %parallel_loop3A_578 {strides = array<i32>} : memref<128x128xf32, #tpu.memory_space<vmem>>, vector<1x16xf32>,
        %parallel_loop3A_579 = arith.index_cast %parallel_loop3A_542 : i32 to index
        %parallel_loop3A_580 = arith.constant 48 : index
        %parallel_loop3A_581 = tpu.vector_load %arg6[%parallel_loop3A_579, %parallel_loop3A_580] {strides = array<i32>} : memref<128x128xf32, #tpu.memory_space<vmem>>, vector<1x16xf32>,
        %parallel_loop3A_582 = vector.shape_cast %parallel_loop3A_581 : vector<1x16xf32> to vector<16xf32>
        %parallel_loop3A_583 = arith.constant 11.3137083 : f32
        %parallel_loop3A_584 = vector.broadcast %parallel_loop3A_583 : f32 to vector<16xf32>
        %parallel_loop3A_585 = arith.mulf %parallel_loop3A_582, %parallel_loop3A_584 : vector<16xf32>
        %parallel_loop3A_586 = arith.index_cast %parallel_loop3A_542 : i32 to index
        %parallel_loop3A_587 = arith.constant 48 : index
        %parallel_loop3A_588 = tpu.vector_load %arg6[%parallel_loop3A_586, %parallel_loop3A_587] {strides = array<i32>} : memref<128x128xf32, #tpu.memory_space<vmem>>, vector<1x16xf32>,
        %parallel_loop3A_589 = vector.shape_cast %parallel_loop3A_588 : vector<1x16xf32> to vector<16xf32>
        %parallel_loop3A_590 = vector.shape_cast %parallel_loop3A_585 : vector<16xf32> to vector<1x16xf32>
        tpu.vector_store %arg6[%parallel_loop3A_586, %parallel_loop3A_587], %parallel_loop3A_590 {strides = array<i32>} : memref<128x128xf32, #tpu.memory_space<vmem>>, vector<1x16xf32>,
        %parallel_loop3A_591 = arith.index_cast %parallel_loop3A_542 : i32 to index
        %parallel_loop3A_592 = arith.constant 64 : index
        %parallel_loop3A_593 = tpu.vector_load %arg6[%parallel_loop3A_591, %parallel_loop3A_592] {strides = array<i32>} : memref<128x128xf32, #tpu.memory_space<vmem>>, vector<1x16xf32>,
        %parallel_loop3A_594 = vector.shape_cast %parallel_loop3A_593 : vector<1x16xf32> to vector<16xf32>
        %parallel_loop3A_595 = arith.constant 11.3137083 : f32
        %parallel_loop3A_596 = vector.broadcast %parallel_loop3A_595 : f32 to vector<16xf32>
        %parallel_loop3A_597 = arith.mulf %parallel_loop3A_594, %parallel_loop3A_596 : vector<16xf32>
        %parallel_loop3A_598 = arith.index_cast %parallel_loop3A_542 : i32 to index
        %parallel_loop3A_599 = arith.constant 64 : index
        %parallel_loop3A_600 = tpu.vector_load %arg6[%parallel_loop3A_598, %parallel_loop3A_599] {strides = array<i32>} : memref<128x128xf32, #tpu.memory_space<vmem>>, vector<1x16xf32>,
        %parallel_loop3A_601 = vector.shape_cast %parallel_loop3A_600 : vector<1x16xf32> to vector<16xf32>
        %parallel_loop3A_602 = vector.shape_cast %parallel_loop3A_597 : vector<16xf32> to vector<1x16xf32>
        tpu.vector_store %arg6[%parallel_loop3A_598, %parallel_loop3A_599], %parallel_loop3A_602 {strides = array<i32>} : memref<128x128xf32, #tpu.memory_space<vmem>>, vector<1x16xf32>,
        %parallel_loop3A_603 = arith.index_cast %parallel_loop3A_542 : i32 to index
        %parallel_loop3A_604 = arith.constant 80 : index
        %parallel_loop3A_605 = tpu.vector_load %arg6[%parallel_loop3A_603, %parallel_loop3A_604] {strides = array<i32>} : memref<128x128xf32, #tpu.memory_space<vmem>>, vector<1x16xf32>,
        %parallel_loop3A_606 = vector.shape_cast %parallel_loop3A_605 : vector<1x16xf32> to vector<16xf32>
        %parallel_loop3A_607 = arith.constant 11.3137083 : f32
        %parallel_loop3A_608 = vector.broadcast %parallel_loop3A_607 : f32 to vector<16xf32>
        %parallel_loop3A_609 = arith.mulf %parallel_loop3A_606, %parallel_loop3A_608 : vector<16xf32>
        %parallel_loop3A_610 = arith.index_cast %parallel_loop3A_542 : i32 to index
        %parallel_loop3A_611 = arith.constant 80 : index
        %parallel_loop3A_612 = tpu.vector_load %arg6[%parallel_loop3A_610, %parallel_loop3A_611] {strides = array<i32>} : memref<128x128xf32, #tpu.memory_space<vmem>>, vector<1x16xf32>,
        %parallel_loop3A_613 = vector.shape_cast %parallel_loop3A_612 : vector<1x16xf32> to vector<16xf32>
        %parallel_loop3A_614 = vector.shape_cast %parallel_loop3A_609 : vector<16xf32> to vector<1x16xf32>
        tpu.vector_store %arg6[%parallel_loop3A_610, %parallel_loop3A_611], %parallel_loop3A_614 {strides = array<i32>} : memref<128x128xf32, #tpu.memory_space<vmem>>, vector<1x16xf32>,
        %parallel_loop3A_615 = arith.index_cast %parallel_loop3A_542 : i32 to index
        %parallel_loop3A_616 = arith.constant 96 : index
        %parallel_loop3A_617 = tpu.vector_load %arg6[%parallel_loop3A_615, %parallel_loop3A_616] {strides = array<i32>} : memref<128x128xf32, #tpu.memory_space<vmem>>, vector<1x16xf32>,
        %parallel_loop3A_618 = vector.shape_cast %parallel_loop3A_617 : vector<1x16xf32> to vector<16xf32>
        %parallel_loop3A_619 = arith.constant 11.3137083 : f32
        %parallel_loop3A_620 = vector.broadcast %parallel_loop3A_619 : f32 to vector<16xf32>
        %parallel_loop3A_621 = arith.mulf %parallel_loop3A_618, %parallel_loop3A_620 : vector<16xf32>
        %parallel_loop3A_622 = arith.index_cast %parallel_loop3A_542 : i32 to index
        %parallel_loop3A_623 = arith.constant 96 : index
        %parallel_loop3A_624 = tpu.vector_load %arg6[%parallel_loop3A_622, %parallel_loop3A_623] {strides = array<i32>} : memref<128x128xf32, #tpu.memory_space<vmem>>, vector<1x16xf32>,
        %parallel_loop3A_625 = vector.shape_cast %parallel_loop3A_624 : vector<1x16xf32> to vector<16xf32>
        %parallel_loop3A_626 = vector.shape_cast %parallel_loop3A_621 : vector<16xf32> to vector<1x16xf32>
        tpu.vector_store %arg6[%parallel_loop3A_622, %parallel_loop3A_623], %parallel_loop3A_626 {strides = array<i32>} : memref<128x128xf32, #tpu.memory_space<vmem>>, vector<1x16xf32>,
        %parallel_loop3A_627 = arith.index_cast %parallel_loop3A_542 : i32 to index
        %parallel_loop3A_628 = arith.constant 112 : index
        %parallel_loop3A_629 = tpu.vector_load %arg6[%parallel_loop3A_627, %parallel_loop3A_628] {strides = array<i32>} : memref<128x128xf32, #tpu.memory_space<vmem>>, vector<1x16xf32>,
        %parallel_loop3A_630 = vector.shape_cast %parallel_loop3A_629 : vector<1x16xf32> to vector<16xf32>
        %parallel_loop3A_631 = arith.constant 11.3137083 : f32
        %parallel_loop3A_632 = vector.broadcast %parallel_loop3A_631 : f32 to vector<16xf32>
        %parallel_loop3A_633 = arith.mulf %parallel_loop3A_630, %parallel_loop3A_632 : vector<16xf32>
        %parallel_loop3A_634 = arith.index_cast %parallel_loop3A_542 : i32 to index
        %parallel_loop3A_635 = arith.constant 112 : index
        %parallel_loop3A_636 = tpu.vector_load %arg6[%parallel_loop3A_634, %parallel_loop3A_635] {strides = array<i32>} : memref<128x128xf32, #tpu.memory_space<vmem>>, vector<1x16xf32>,
        %parallel_loop3A_637 = vector.shape_cast %parallel_loop3A_636 : vector<1x16xf32> to vector<16xf32>
        %parallel_loop3A_638 = vector.shape_cast %parallel_loop3A_633 : vector<16xf32> to vector<1x16xf32>
        tpu.vector_store %arg6[%parallel_loop3A_634, %parallel_loop3A_635], %parallel_loop3A_638 {strides = array<i32>} : memref<128x128xf32, #tpu.memory_space<vmem>>, vector<1x16xf32>,
      } {sc.loop_unroll_factor = 2 : i64, sc.parallel_access}
      %mul3A_425 = arith.constant 1 : i32
      %mul3A_426 = arith.muli %add3A_401, %mul3A_425 : i32
      %add3A_427 = arith.addi %mul3A_2, %mul3A_426 : i32
      %mul3A_428 = arith.constant 128 : i32
      %mul3A_429 = arith.muli %add3A_427, %mul3A_428 : i32
      %dma_start3A_430 = arith.constant 0 : i32
      %dma_start3A_431 = tpu.memref_slice %arg4[%mul3A_429, %dma_start3A_430] : memref<819200x128xf32, #tpu.memory_space<hbm>> -> memref<128x128xf32, #tpu.memory_space<hbm>>
      %dma_start3A_432 = arith.constant 0 : i32
      %dma_start3A_433 = tpu.memref_slice %arg4[%mul3A_429, %dma_start3A_432] : memref<819200x128xf32, #tpu.memory_space<hbm>> -> memref<128x128xf32, #tpu.memory_space<hbm>>
      tpu.enqueue_dma source(%arg6 : memref<128x128xf32, #tpu.memory_space<vmem>>) target(%dma_start3A_433 : memref<128x128xf32, #tpu.memory_space<hbm>>) target_semaphore(%arg14 : memref<!tpu.dma_semaphore, #tpu.memory_space<semaphore_mem>>)
      %mul3A_434 = arith.constant 4 : i32
      %mul3A_435 = arith.muli %scan3A_241, %mul3A_434 : i32
      %add3A_436 = arith.constant 1 : i32
      %add3A_437 = arith.addi %mul3A_435, %add3A_436 : i32
      %dma_wait3A_438 = arith.constant 0 : i32
      %dma_wait3A_439 = arith.constant 0 : i32
      %dma_wait3A_440 = arith.constant 0 : i32
      %dma_wait3A_441 = tpu.memref_slice %arg7[%dma_wait3A_439, %dma_wait3A_440] : memref<128x128xf32, #tpu.memory_space<vmem>> -> memref<64x128xf32, #tpu.memory_space<vmem>>
      %dma_wait3A_442 = arith.constant 0 : i32
      %dma_wait3A_443 = tpu.memref_slice %arg5[%dma_wait3A_438, %dma_wait3A_442] : memref<200x128xi32, #tpu.memory_space<vmem>> -> memref<1x64xi32, #tpu.memory_space<vmem>>
      %dma_wait3A_444 = tpu.memref_squeeze %dma_wait3A_443 : memref<1x64xi32, #tpu.memory_space<vmem>> -> memref<64xi32, #tpu.memory_space<vmem>>
      %dma_wait3A_445 = arith.constant 0 : i32
      %dma_wait3A_446 = arith.constant 0 : i32
      %dma_wait3A_447 = tpu.memref_slice %arg2[%dma_wait3A_445, %dma_wait3A_446] : memref<100000x128xf32, #tpu.memory_space<hbm>> -> memref<100000x128xf32, #tpu.memory_space<hbm>>
      tpu.wait_indirect_dma semaphore(%arg11 : memref<!tpu.dma_semaphore, #tpu.memory_space<semaphore_mem>>) src(%dma_wait3A_447 : memref<100000x128xf32, #tpu.memory_space<hbm>>) dst(%dma_wait3A_441 : memref<64x128xf32, #tpu.memory_space<vmem>>)
      %dma_wait3A_448 = arith.constant 0 : i32
      %dma_wait3A_449 = arith.constant 64 : i32
      %dma_wait3A_450 = arith.constant 0 : i32
      %dma_wait3A_451 = tpu.memref_slice %arg7[%dma_wait3A_449, %dma_wait3A_450] : memref<128x128xf32, #tpu.memory_space<vmem>> -> memref<64x128xf32, #tpu.memory_space<vmem>>
      %dma_wait3A_452 = arith.constant 0 : i32
      %dma_wait3A_453 = tpu.memref_slice %arg5[%dma_wait3A_448, %dma_wait3A_452] : memref<200x128xi32, #tpu.memory_space<vmem>> -> memref<1x64xi32, #tpu.memory_space<vmem>>
      %dma_wait3A_454 = tpu.memref_squeeze %dma_wait3A_453 : memref<1x64xi32, #tpu.memory_space<vmem>> -> memref<64xi32, #tpu.memory_space<vmem>>
      %dma_wait3A_455 = arith.constant 0 : i32
      %dma_wait3A_456 = arith.constant 0 : i32
      %dma_wait3A_457 = tpu.memref_slice %arg2[%dma_wait3A_455, %dma_wait3A_456] : memref<100000x128xf32, #tpu.memory_space<hbm>> -> memref<100000x128xf32, #tpu.memory_space<hbm>>
      tpu.wait_indirect_dma semaphore(%arg11 : memref<!tpu.dma_semaphore, #tpu.memory_space<semaphore_mem>>) src(%dma_wait3A_457 : memref<100000x128xf32, #tpu.memory_space<hbm>>) dst(%dma_wait3A_451 : memref<64x128xf32, #tpu.memory_space<vmem>>)
      %parallel_loop3A_458 = arith.constant 0 : i32
      %parallel_loop3A_459 = arith.constant 128 : i32
      %parallel_loop3A_460 = arith.constant 1 : i32
      scf.for %parallel_loop3A_542 = %parallel_loop3A_458 to %parallel_loop3A_459 step %parallel_loop3A_460  : i32 {
        %parallel_loop3A_543 = arith.index_cast %parallel_loop3A_542 : i32 to index
        %parallel_loop3A_544 = arith.constant 0 : index
        %parallel_loop3A_545 = tpu.vector_load %arg7[%parallel_loop3A_543, %parallel_loop3A_544] {strides = array<i32>} : memref<128x128xf32, #tpu.memory_space<vmem>>, vector<1x16xf32>,
        %parallel_loop3A_546 = vector.shape_cast %parallel_loop3A_545 : vector<1x16xf32> to vector<16xf32>
        %parallel_loop3A_547 = arith.constant 11.3137083 : f32
        %parallel_loop3A_548 = vector.broadcast %parallel_loop3A_547 : f32 to vector<16xf32>
        %parallel_loop3A_549 = arith.mulf %parallel_loop3A_546, %parallel_loop3A_548 : vector<16xf32>
        %parallel_loop3A_550 = arith.index_cast %parallel_loop3A_542 : i32 to index
        %parallel_loop3A_551 = arith.constant 0 : index
        %parallel_loop3A_552 = tpu.vector_load %arg7[%parallel_loop3A_550, %parallel_loop3A_551] {strides = array<i32>} : memref<128x128xf32, #tpu.memory_space<vmem>>, vector<1x16xf32>,
        %parallel_loop3A_553 = vector.shape_cast %parallel_loop3A_552 : vector<1x16xf32> to vector<16xf32>
        %parallel_loop3A_554 = vector.shape_cast %parallel_loop3A_549 : vector<16xf32> to vector<1x16xf32>
        tpu.vector_store %arg7[%parallel_loop3A_550, %parallel_loop3A_551], %parallel_loop3A_554 {strides = array<i32>} : memref<128x128xf32, #tpu.memory_space<vmem>>, vector<1x16xf32>,
        %parallel_loop3A_555 = arith.index_cast %parallel_loop3A_542 : i32 to index
        %parallel_loop3A_556 = arith.constant 16 : index
        %parallel_loop3A_557 = tpu.vector_load %arg7[%parallel_loop3A_555, %parallel_loop3A_556] {strides = array<i32>} : memref<128x128xf32, #tpu.memory_space<vmem>>, vector<1x16xf32>,
        %parallel_loop3A_558 = vector.shape_cast %parallel_loop3A_557 : vector<1x16xf32> to vector<16xf32>
        %parallel_loop3A_559 = arith.constant 11.3137083 : f32
        %parallel_loop3A_560 = vector.broadcast %parallel_loop3A_559 : f32 to vector<16xf32>
        %parallel_loop3A_561 = arith.mulf %parallel_loop3A_558, %parallel_loop3A_560 : vector<16xf32>
        %parallel_loop3A_562 = arith.index_cast %parallel_loop3A_542 : i32 to index
        %parallel_loop3A_563 = arith.constant 16 : index
        %parallel_loop3A_564 = tpu.vector_load %arg7[%parallel_loop3A_562, %parallel_loop3A_563] {strides = array<i32>} : memref<128x128xf32, #tpu.memory_space<vmem>>, vector<1x16xf32>,
        %parallel_loop3A_565 = vector.shape_cast %parallel_loop3A_564 : vector<1x16xf32> to vector<16xf32>
        %parallel_loop3A_566 = vector.shape_cast %parallel_loop3A_561 : vector<16xf32> to vector<1x16xf32>
        tpu.vector_store %arg7[%parallel_loop3A_562, %parallel_loop3A_563], %parallel_loop3A_566 {strides = array<i32>} : memref<128x128xf32, #tpu.memory_space<vmem>>, vector<1x16xf32>,
        %parallel_loop3A_567 = arith.index_cast %parallel_loop3A_542 : i32 to index
        %parallel_loop3A_568 = arith.constant 32 : index
        %parallel_loop3A_569 = tpu.vector_load %arg7[%parallel_loop3A_567, %parallel_loop3A_568] {strides = array<i32>} : memref<128x128xf32, #tpu.memory_space<vmem>>, vector<1x16xf32>,
        %parallel_loop3A_570 = vector.shape_cast %parallel_loop3A_569 : vector<1x16xf32> to vector<16xf32>
        %parallel_loop3A_571 = arith.constant 11.3137083 : f32
        %parallel_loop3A_572 = vector.broadcast %parallel_loop3A_571 : f32 to vector<16xf32>
        %parallel_loop3A_573 = arith.mulf %parallel_loop3A_570, %parallel_loop3A_572 : vector<16xf32>
        %parallel_loop3A_574 = arith.index_cast %parallel_loop3A_542 : i32 to index
        %parallel_loop3A_575 = arith.constant 32 : index
        %parallel_loop3A_576 = tpu.vector_load %arg7[%parallel_loop3A_574, %parallel_loop3A_575] {strides = array<i32>} : memref<128x128xf32, #tpu.memory_space<vmem>>, vector<1x16xf32>,
        %parallel_loop3A_577 = vector.shape_cast %parallel_loop3A_576 : vector<1x16xf32> to vector<16xf32>
        %parallel_loop3A_578 = vector.shape_cast %parallel_loop3A_573 : vector<16xf32> to vector<1x16xf32>
        tpu.vector_store %arg7[%parallel_loop3A_574, %parallel_loop3A_575], %parallel_loop3A_578 {strides = array<i32>} : memref<128x128xf32, #tpu.memory_space<vmem>>, vector<1x16xf32>,
        %parallel_loop3A_579 = arith.index_cast %parallel_loop3A_542 : i32 to index
        %parallel_loop3A_580 = arith.constant 48 : index
        %parallel_loop3A_581 = tpu.vector_load %arg7[%parallel_loop3A_579, %parallel_loop3A_580] {strides = array<i32>} : memref<128x128xf32, #tpu.memory_space<vmem>>, vector<1x16xf32>,
        %parallel_loop3A_582 = vector.shape_cast %parallel_loop3A_581 : vector<1x16xf32> to vector<16xf32>
        %parallel_loop3A_583 = arith.constant 11.3137083 : f32
        %parallel_loop3A_584 = vector.broadcast %parallel_loop3A_583 : f32 to vector<16xf32>
        %parallel_loop3A_585 = arith.mulf %parallel_loop3A_582, %parallel_loop3A_584 : vector<16xf32>
        %parallel_loop3A_586 = arith.index_cast %parallel_loop3A_542 : i32 to index
        %parallel_loop3A_587 = arith.constant 48 : index
        %parallel_loop3A_588 = tpu.vector_load %arg7[%parallel_loop3A_586, %parallel_loop3A_587] {strides = array<i32>} : memref<128x128xf32, #tpu.memory_space<vmem>>, vector<1x16xf32>,
        %parallel_loop3A_589 = vector.shape_cast %parallel_loop3A_588 : vector<1x16xf32> to vector<16xf32>
        %parallel_loop3A_590 = vector.shape_cast %parallel_loop3A_585 : vector<16xf32> to vector<1x16xf32>
        tpu.vector_store %arg7[%parallel_loop3A_586, %parallel_loop3A_587], %parallel_loop3A_590 {strides = array<i32>} : memref<128x128xf32, #tpu.memory_space<vmem>>, vector<1x16xf32>,
        %parallel_loop3A_591 = arith.index_cast %parallel_loop3A_542 : i32 to index
        %parallel_loop3A_592 = arith.constant 64 : index
        %parallel_loop3A_593 = tpu.vector_load %arg7[%parallel_loop3A_591, %parallel_loop3A_592] {strides = array<i32>} : memref<128x128xf32, #tpu.memory_space<vmem>>, vector<1x16xf32>,
        %parallel_loop3A_594 = vector.shape_cast %parallel_loop3A_593 : vector<1x16xf32> to vector<16xf32>
        %parallel_loop3A_595 = arith.constant 11.3137083 : f32
        %parallel_loop3A_596 = vector.broadcast %parallel_loop3A_595 : f32 to vector<16xf32>
        %parallel_loop3A_597 = arith.mulf %parallel_loop3A_594, %parallel_loop3A_596 : vector<16xf32>
        %parallel_loop3A_598 = arith.index_cast %parallel_loop3A_542 : i32 to index
        %parallel_loop3A_599 = arith.constant 64 : index
        %parallel_loop3A_600 = tpu.vector_load %arg7[%parallel_loop3A_598, %parallel_loop3A_599] {strides = array<i32>} : memref<128x128xf32, #tpu.memory_space<vmem>>, vector<1x16xf32>,
        %parallel_loop3A_601 = vector.shape_cast %parallel_loop3A_600 : vector<1x16xf32> to vector<16xf32>
        %parallel_loop3A_602 = vector.shape_cast %parallel_loop3A_597 : vector<16xf32> to vector<1x16xf32>
        tpu.vector_store %arg7[%parallel_loop3A_598, %parallel_loop3A_599], %parallel_loop3A_602 {strides = array<i32>} : memref<128x128xf32, #tpu.memory_space<vmem>>, vector<1x16xf32>,
        %parallel_loop3A_603 = arith.index_cast %parallel_loop3A_542 : i32 to index
        %parallel_loop3A_604 = arith.constant 80 : index
        %parallel_loop3A_605 = tpu.vector_load %arg7[%parallel_loop3A_603, %parallel_loop3A_604] {strides = array<i32>} : memref<128x128xf32, #tpu.memory_space<vmem>>, vector<1x16xf32>,
        %parallel_loop3A_606 = vector.shape_cast %parallel_loop3A_605 : vector<1x16xf32> to vector<16xf32>
        %parallel_loop3A_607 = arith.constant 11.3137083 : f32
        %parallel_loop3A_608 = vector.broadcast %parallel_loop3A_607 : f32 to vector<16xf32>
        %parallel_loop3A_609 = arith.mulf %parallel_loop3A_606, %parallel_loop3A_608 : vector<16xf32>
        %parallel_loop3A_610 = arith.index_cast %parallel_loop3A_542 : i32 to index
        %parallel_loop3A_611 = arith.constant 80 : index
        %parallel_loop3A_612 = tpu.vector_load %arg7[%parallel_loop3A_610, %parallel_loop3A_611] {strides = array<i32>} : memref<128x128xf32, #tpu.memory_space<vmem>>, vector<1x16xf32>,
        %parallel_loop3A_613 = vector.shape_cast %parallel_loop3A_612 : vector<1x16xf32> to vector<16xf32>
        %parallel_loop3A_614 = vector.shape_cast %parallel_loop3A_609 : vector<16xf32> to vector<1x16xf32>
        tpu.vector_store %arg7[%parallel_loop3A_610, %parallel_loop3A_611], %parallel_loop3A_614 {strides = array<i32>} : memref<128x128xf32, #tpu.memory_space<vmem>>, vector<1x16xf32>,
        %parallel_loop3A_615 = arith.index_cast %parallel_loop3A_542 : i32 to index
        %parallel_loop3A_616 = arith.constant 96 : index
        %parallel_loop3A_617 = tpu.vector_load %arg7[%parallel_loop3A_615, %parallel_loop3A_616] {strides = array<i32>} : memref<128x128xf32, #tpu.memory_space<vmem>>, vector<1x16xf32>,
        %parallel_loop3A_618 = vector.shape_cast %parallel_loop3A_617 : vector<1x16xf32> to vector<16xf32>
        %parallel_loop3A_619 = arith.constant 11.3137083 : f32
        %parallel_loop3A_620 = vector.broadcast %parallel_loop3A_619 : f32 to vector<16xf32>
        %parallel_loop3A_621 = arith.mulf %parallel_loop3A_618, %parallel_loop3A_620 : vector<16xf32>
        %parallel_loop3A_622 = arith.index_cast %parallel_loop3A_542 : i32 to index
        %parallel_loop3A_623 = arith.constant 96 : index
        %parallel_loop3A_624 = tpu.vector_load %arg7[%parallel_loop3A_622, %parallel_loop3A_623] {strides = array<i32>} : memref<128x128xf32, #tpu.memory_space<vmem>>, vector<1x16xf32>,
        %parallel_loop3A_625 = vector.shape_cast %parallel_loop3A_624 : vector<1x16xf32> to vector<16xf32>
        %parallel_loop3A_626 = vector.shape_cast %parallel_loop3A_621 : vector<16xf32> to vector<1x16xf32>
        tpu.vector_store %arg7[%parallel_loop3A_622, %parallel_loop3A_623], %parallel_loop3A_626 {strides = array<i32>} : memref<128x128xf32, #tpu.memory_space<vmem>>, vector<1x16xf32>,
        %parallel_loop3A_627 = arith.index_cast %parallel_loop3A_542 : i32 to index
        %parallel_loop3A_628 = arith.constant 112 : index
        %parallel_loop3A_629 = tpu.vector_load %arg7[%parallel_loop3A_627, %parallel_loop3A_628] {strides = array<i32>} : memref<128x128xf32, #tpu.memory_space<vmem>>, vector<1x16xf32>,
        %parallel_loop3A_630 = vector.shape_cast %parallel_loop3A_629 : vector<1x16xf32> to vector<16xf32>
        %parallel_loop3A_631 = arith.constant 11.3137083 : f32
        %parallel_loop3A_632 = vector.broadcast %parallel_loop3A_631 : f32 to vector<16xf32>
        %parallel_loop3A_633 = arith.mulf %parallel_loop3A_630, %parallel_loop3A_632 : vector<16xf32>
        %parallel_loop3A_634 = arith.index_cast %parallel_loop3A_542 : i32 to index
        %parallel_loop3A_635 = arith.constant 112 : index
        %parallel_loop3A_636 = tpu.vector_load %arg7[%parallel_loop3A_634, %parallel_loop3A_635] {strides = array<i32>} : memref<128x128xf32, #tpu.memory_space<vmem>>, vector<1x16xf32>,
        %parallel_loop3A_637 = vector.shape_cast %parallel_loop3A_636 : vector<1x16xf32> to vector<16xf32>
        %parallel_loop3A_638 = vector.shape_cast %parallel_loop3A_633 : vector<16xf32> to vector<1x16xf32>
        tpu.vector_store %arg7[%parallel_loop3A_634, %parallel_loop3A_635], %parallel_loop3A_638 {strides = array<i32>} : memref<128x128xf32, #tpu.memory_space<vmem>>, vector<1x16xf32>,
      } {sc.loop_unroll_factor = 2 : i64, sc.parallel_access}
      %mul3A_461 = arith.constant 1 : i32
      %mul3A_462 = arith.muli %add3A_437, %mul3A_461 : i32
      %add3A_463 = arith.addi %mul3A_2, %mul3A_462 : i32
      %mul3A_464 = arith.constant 128 : i32
      %mul3A_465 = arith.muli %add3A_463, %mul3A_464 : i32
      %dma_start3A_466 = arith.constant 0 : i32
      %dma_start3A_467 = tpu.memref_slice %arg4[%mul3A_465, %dma_start3A_466] : memref<819200x128xf32, #tpu.memory_space<hbm>> -> memref<128x128xf32, #tpu.memory_space<hbm>>
      %dma_start3A_468 = arith.constant 0 : i32
      %dma_start3A_469 = tpu.memref_slice %arg4[%mul3A_465, %dma_start3A_468] : memref<819200x128xf32, #tpu.memory_space<hbm>> -> memref<128x128xf32, #tpu.memory_space<hbm>>
      tpu.enqueue_dma source(%arg7 : memref<128x128xf32, #tpu.memory_space<vmem>>) target(%dma_start3A_469 : memref<128x128xf32, #tpu.memory_space<hbm>>) target_semaphore(%arg15 : memref<!tpu.dma_semaphore, #tpu.memory_space<semaphore_mem>>)
      %mul3A_470 = arith.constant 4 : i32
      %mul3A_471 = arith.muli %scan3A_241, %mul3A_470 : i32
      %add3A_472 = arith.constant 2 : i32
      %add3A_473 = arith.addi %mul3A_471, %add3A_472 : i32
      %dma_wait3A_474 = arith.constant 0 : i32
      %dma_wait3A_475 = arith.constant 0 : i32
      %dma_wait3A_476 = arith.constant 0 : i32
      %dma_wait3A_477 = tpu.memref_slice %arg8[%dma_wait3A_475, %dma_wait3A_476] : memref<128x128xf32, #tpu.memory_space<vmem>> -> memref<64x128xf32, #tpu.memory_space<vmem>>
      %dma_wait3A_478 = arith.constant 0 : i32
      %dma_wait3A_479 = tpu.memref_slice %arg5[%dma_wait3A_474, %dma_wait3A_478] : memref<200x128xi32, #tpu.memory_space<vmem>> -> memref<1x64xi32, #tpu.memory_space<vmem>>
      %dma_wait3A_480 = tpu.memref_squeeze %dma_wait3A_479 : memref<1x64xi32, #tpu.memory_space<vmem>> -> memref<64xi32, #tpu.memory_space<vmem>>
      %dma_wait3A_481 = arith.constant 0 : i32
      %dma_wait3A_482 = arith.constant 0 : i32
      %dma_wait3A_483 = tpu.memref_slice %arg2[%dma_wait3A_481, %dma_wait3A_482] : memref<100000x128xf32, #tpu.memory_space<hbm>> -> memref<100000x128xf32, #tpu.memory_space<hbm>>
      tpu.wait_indirect_dma semaphore(%arg12 : memref<!tpu.dma_semaphore, #tpu.memory_space<semaphore_mem>>) src(%dma_wait3A_483 : memref<100000x128xf32, #tpu.memory_space<hbm>>) dst(%dma_wait3A_477 : memref<64x128xf32, #tpu.memory_space<vmem>>)
      %dma_wait3A_484 = arith.constant 0 : i32
      %dma_wait3A_485 = arith.constant 64 : i32
      %dma_wait3A_486 = arith.constant 0 : i32
      %dma_wait3A_487 = tpu.memref_slice %arg8[%dma_wait3A_485, %dma_wait3A_486] : memref<128x128xf32, #tpu.memory_space<vmem>> -> memref<64x128xf32, #tpu.memory_space<vmem>>
      %dma_wait3A_488 = arith.constant 0 : i32
      %dma_wait3A_489 = tpu.memref_slice %arg5[%dma_wait3A_484, %dma_wait3A_488] : memref<200x128xi32, #tpu.memory_space<vmem>> -> memref<1x64xi32, #tpu.memory_space<vmem>>
      %dma_wait3A_490 = tpu.memref_squeeze %dma_wait3A_489 : memref<1x64xi32, #tpu.memory_space<vmem>> -> memref<64xi32, #tpu.memory_space<vmem>>
      %dma_wait3A_491 = arith.constant 0 : i32
      %dma_wait3A_492 = arith.constant 0 : i32
      %dma_wait3A_493 = tpu.memref_slice %arg2[%dma_wait3A_491, %dma_wait3A_492] : memref<100000x128xf32, #tpu.memory_space<hbm>> -> memref<100000x128xf32, #tpu.memory_space<hbm>>
      tpu.wait_indirect_dma semaphore(%arg12 : memref<!tpu.dma_semaphore, #tpu.memory_space<semaphore_mem>>) src(%dma_wait3A_493 : memref<100000x128xf32, #tpu.memory_space<hbm>>) dst(%dma_wait3A_487 : memref<64x128xf32, #tpu.memory_space<vmem>>)
      %parallel_loop3A_494 = arith.constant 0 : i32
      %parallel_loop3A_495 = arith.constant 128 : i32
      %parallel_loop3A_496 = arith.constant 1 : i32
      scf.for %parallel_loop3A_542 = %parallel_loop3A_494 to %parallel_loop3A_495 step %parallel_loop3A_496  : i32 {
        %parallel_loop3A_543 = arith.index_cast %parallel_loop3A_542 : i32 to index
        %parallel_loop3A_544 = arith.constant 0 : index
        %parallel_loop3A_545 = tpu.vector_load %arg8[%parallel_loop3A_543, %parallel_loop3A_544] {strides = array<i32>} : memref<128x128xf32, #tpu.memory_space<vmem>>, vector<1x16xf32>,
        %parallel_loop3A_546 = vector.shape_cast %parallel_loop3A_545 : vector<1x16xf32> to vector<16xf32>
        %parallel_loop3A_547 = arith.constant 11.3137083 : f32
        %parallel_loop3A_548 = vector.broadcast %parallel_loop3A_547 : f32 to vector<16xf32>
        %parallel_loop3A_549 = arith.mulf %parallel_loop3A_546, %parallel_loop3A_548 : vector<16xf32>
        %parallel_loop3A_550 = arith.index_cast %parallel_loop3A_542 : i32 to index
        %parallel_loop3A_551 = arith.constant 0 : index
        %parallel_loop3A_552 = tpu.vector_load %arg8[%parallel_loop3A_550, %parallel_loop3A_551] {strides = array<i32>} : memref<128x128xf32, #tpu.memory_space<vmem>>, vector<1x16xf32>,
        %parallel_loop3A_553 = vector.shape_cast %parallel_loop3A_552 : vector<1x16xf32> to vector<16xf32>
        %parallel_loop3A_554 = vector.shape_cast %parallel_loop3A_549 : vector<16xf32> to vector<1x16xf32>
        tpu.vector_store %arg8[%parallel_loop3A_550, %parallel_loop3A_551], %parallel_loop3A_554 {strides = array<i32>} : memref<128x128xf32, #tpu.memory_space<vmem>>, vector<1x16xf32>,
        %parallel_loop3A_555 = arith.index_cast %parallel_loop3A_542 : i32 to index
        %parallel_loop3A_556 = arith.constant 16 : index
        %parallel_loop3A_557 = tpu.vector_load %arg8[%parallel_loop3A_555, %parallel_loop3A_556] {strides = array<i32>} : memref<128x128xf32, #tpu.memory_space<vmem>>, vector<1x16xf32>,
        %parallel_loop3A_558 = vector.shape_cast %parallel_loop3A_557 : vector<1x16xf32> to vector<16xf32>
        %parallel_loop3A_559 = arith.constant 11.3137083 : f32
        %parallel_loop3A_560 = vector.broadcast %parallel_loop3A_559 : f32 to vector<16xf32>
        %parallel_loop3A_561 = arith.mulf %parallel_loop3A_558, %parallel_loop3A_560 : vector<16xf32>
        %parallel_loop3A_562 = arith.index_cast %parallel_loop3A_542 : i32 to index
        %parallel_loop3A_563 = arith.constant 16 : index
        %parallel_loop3A_564 = tpu.vector_load %arg8[%parallel_loop3A_562, %parallel_loop3A_563] {strides = array<i32>} : memref<128x128xf32, #tpu.memory_space<vmem>>, vector<1x16xf32>,
        %parallel_loop3A_565 = vector.shape_cast %parallel_loop3A_564 : vector<1x16xf32> to vector<16xf32>
        %parallel_loop3A_566 = vector.shape_cast %parallel_loop3A_561 : vector<16xf32> to vector<1x16xf32>
        tpu.vector_store %arg8[%parallel_loop3A_562, %parallel_loop3A_563], %parallel_loop3A_566 {strides = array<i32>} : memref<128x128xf32, #tpu.memory_space<vmem>>, vector<1x16xf32>,
        %parallel_loop3A_567 = arith.index_cast %parallel_loop3A_542 : i32 to index
        %parallel_loop3A_568 = arith.constant 32 : index
        %parallel_loop3A_569 = tpu.vector_load %arg8[%parallel_loop3A_567, %parallel_loop3A_568] {strides = array<i32>} : memref<128x128xf32, #tpu.memory_space<vmem>>, vector<1x16xf32>,
        %parallel_loop3A_570 = vector.shape_cast %parallel_loop3A_569 : vector<1x16xf32> to vector<16xf32>
        %parallel_loop3A_571 = arith.constant 11.3137083 : f32
        %parallel_loop3A_572 = vector.broadcast %parallel_loop3A_571 : f32 to vector<16xf32>
        %parallel_loop3A_573 = arith.mulf %parallel_loop3A_570, %parallel_loop3A_572 : vector<16xf32>
        %parallel_loop3A_574 = arith.index_cast %parallel_loop3A_542 : i32 to index
        %parallel_loop3A_575 = arith.constant 32 : index
        %parallel_loop3A_576 = tpu.vector_load %arg8[%parallel_loop3A_574, %parallel_loop3A_575] {strides = array<i32>} : memref<128x128xf32, #tpu.memory_space<vmem>>, vector<1x16xf32>,
        %parallel_loop3A_577 = vector.shape_cast %parallel_loop3A_576 : vector<1x16xf32> to vector<16xf32>
        %parallel_loop3A_578 = vector.shape_cast %parallel_loop3A_573 : vector<16xf32> to vector<1x16xf32>
        tpu.vector_store %arg8[%parallel_loop3A_574, %parallel_loop3A_575], %parallel_loop3A_578 {strides = array<i32>} : memref<128x128xf32, #tpu.memory_space<vmem>>, vector<1x16xf32>,
        %parallel_loop3A_579 = arith.index_cast %parallel_loop3A_542 : i32 to index
        %parallel_loop3A_580 = arith.constant 48 : index
        %parallel_loop3A_581 = tpu.vector_load %arg8[%parallel_loop3A_579, %parallel_loop3A_580] {strides = array<i32>} : memref<128x128xf32, #tpu.memory_space<vmem>>, vector<1x16xf32>,
        %parallel_loop3A_582 = vector.shape_cast %parallel_loop3A_581 : vector<1x16xf32> to vector<16xf32>
        %parallel_loop3A_583 = arith.constant 11.3137083 : f32
        %parallel_loop3A_584 = vector.broadcast %parallel_loop3A_583 : f32 to vector<16xf32>
        %parallel_loop3A_585 = arith.mulf %parallel_loop3A_582, %parallel_loop3A_584 : vector<16xf32>
        %parallel_loop3A_586 = arith.index_cast %parallel_loop3A_542 : i32 to index
        %parallel_loop3A_587 = arith.constant 48 : index
        %parallel_loop3A_588 = tpu.vector_load %arg8[%parallel_loop3A_586, %parallel_loop3A_587] {strides = array<i32>} : memref<128x128xf32, #tpu.memory_space<vmem>>, vector<1x16xf32>,
        %parallel_loop3A_589 = vector.shape_cast %parallel_loop3A_588 : vector<1x16xf32> to vector<16xf32>
        %parallel_loop3A_590 = vector.shape_cast %parallel_loop3A_585 : vector<16xf32> to vector<1x16xf32>
        tpu.vector_store %arg8[%parallel_loop3A_586, %parallel_loop3A_587], %parallel_loop3A_590 {strides = array<i32>} : memref<128x128xf32, #tpu.memory_space<vmem>>, vector<1x16xf32>,
        %parallel_loop3A_591 = arith.index_cast %parallel_loop3A_542 : i32 to index
        %parallel_loop3A_592 = arith.constant 64 : index
        %parallel_loop3A_593 = tpu.vector_load %arg8[%parallel_loop3A_591, %parallel_loop3A_592] {strides = array<i32>} : memref<128x128xf32, #tpu.memory_space<vmem>>, vector<1x16xf32>,
        %parallel_loop3A_594 = vector.shape_cast %parallel_loop3A_593 : vector<1x16xf32> to vector<16xf32>
        %parallel_loop3A_595 = arith.constant 11.3137083 : f32
        %parallel_loop3A_596 = vector.broadcast %parallel_loop3A_595 : f32 to vector<16xf32>
        %parallel_loop3A_597 = arith.mulf %parallel_loop3A_594, %parallel_loop3A_596 : vector<16xf32>
        %parallel_loop3A_598 = arith.index_cast %parallel_loop3A_542 : i32 to index
        %parallel_loop3A_599 = arith.constant 64 : index
        %parallel_loop3A_600 = tpu.vector_load %arg8[%parallel_loop3A_598, %parallel_loop3A_599] {strides = array<i32>} : memref<128x128xf32, #tpu.memory_space<vmem>>, vector<1x16xf32>,
        %parallel_loop3A_601 = vector.shape_cast %parallel_loop3A_600 : vector<1x16xf32> to vector<16xf32>
        %parallel_loop3A_602 = vector.shape_cast %parallel_loop3A_597 : vector<16xf32> to vector<1x16xf32>
        tpu.vector_store %arg8[%parallel_loop3A_598, %parallel_loop3A_599], %parallel_loop3A_602 {strides = array<i32>} : memref<128x128xf32, #tpu.memory_space<vmem>>, vector<1x16xf32>,
        %parallel_loop3A_603 = arith.index_cast %parallel_loop3A_542 : i32 to index
        %parallel_loop3A_604 = arith.constant 80 : index
        %parallel_loop3A_605 = tpu.vector_load %arg8[%parallel_loop3A_603, %parallel_loop3A_604] {strides = array<i32>} : memref<128x128xf32, #tpu.memory_space<vmem>>, vector<1x16xf32>,
        %parallel_loop3A_606 = vector.shape_cast %parallel_loop3A_605 : vector<1x16xf32> to vector<16xf32>
        %parallel_loop3A_607 = arith.constant 11.3137083 : f32
        %parallel_loop3A_608 = vector.broadcast %parallel_loop3A_607 : f32 to vector<16xf32>
        %parallel_loop3A_609 = arith.mulf %parallel_loop3A_606, %parallel_loop3A_608 : vector<16xf32>
        %parallel_loop3A_610 = arith.index_cast %parallel_loop3A_542 : i32 to index
        %parallel_loop3A_611 = arith.constant 80 : index
        %parallel_loop3A_612 = tpu.vector_load %arg8[%parallel_loop3A_610, %parallel_loop3A_611] {strides = array<i32>} : memref<128x128xf32, #tpu.memory_space<vmem>>, vector<1x16xf32>,
        %parallel_loop3A_613 = vector.shape_cast %parallel_loop3A_612 : vector<1x16xf32> to vector<16xf32>
        %parallel_loop3A_614 = vector.shape_cast %parallel_loop3A_609 : vector<16xf32> to vector<1x16xf32>
        tpu.vector_store %arg8[%parallel_loop3A_610, %parallel_loop3A_611], %parallel_loop3A_614 {strides = array<i32>} : memref<128x128xf32, #tpu.memory_space<vmem>>, vector<1x16xf32>,
        %parallel_loop3A_615 = arith.index_cast %parallel_loop3A_542 : i32 to index
        %parallel_loop3A_616 = arith.constant 96 : index
        %parallel_loop3A_617 = tpu.vector_load %arg8[%parallel_loop3A_615, %parallel_loop3A_616] {strides = array<i32>} : memref<128x128xf32, #tpu.memory_space<vmem>>, vector<1x16xf32>,
        %parallel_loop3A_618 = vector.shape_cast %parallel_loop3A_617 : vector<1x16xf32> to vector<16xf32>
        %parallel_loop3A_619 = arith.constant 11.3137083 : f32
        %parallel_loop3A_620 = vector.broadcast %parallel_loop3A_619 : f32 to vector<16xf32>
        %parallel_loop3A_621 = arith.mulf %parallel_loop3A_618, %parallel_loop3A_620 : vector<16xf32>
        %parallel_loop3A_622 = arith.index_cast %parallel_loop3A_542 : i32 to index
        %parallel_loop3A_623 = arith.constant 96 : index
        %parallel_loop3A_624 = tpu.vector_load %arg8[%parallel_loop3A_622, %parallel_loop3A_623] {strides = array<i32>} : memref<128x128xf32, #tpu.memory_space<vmem>>, vector<1x16xf32>,
        %parallel_loop3A_625 = vector.shape_cast %parallel_loop3A_624 : vector<1x16xf32> to vector<16xf32>
        %parallel_loop3A_626 = vector.shape_cast %parallel_loop3A_621 : vector<16xf32> to vector<1x16xf32>
        tpu.vector_store %arg8[%parallel_loop3A_622, %parallel_loop3A_623], %parallel_loop3A_626 {strides = array<i32>} : memref<128x128xf32, #tpu.memory_space<vmem>>, vector<1x16xf32>,
        %parallel_loop3A_627 = arith.index_cast %parallel_loop3A_542 : i32 to index
        %parallel_loop3A_628 = arith.constant 112 : index
        %parallel_loop3A_629 = tpu.vector_load %arg8[%parallel_loop3A_627, %parallel_loop3A_628] {strides = array<i32>} : memref<128x128xf32, #tpu.memory_space<vmem>>, vector<1x16xf32>,
        %parallel_loop3A_630 = vector.shape_cast %parallel_loop3A_629 : vector<1x16xf32> to vector<16xf32>
        %parallel_loop3A_631 = arith.constant 11.3137083 : f32
        %parallel_loop3A_632 = vector.broadcast %parallel_loop3A_631 : f32 to vector<16xf32>
        %parallel_loop3A_633 = arith.mulf %parallel_loop3A_630, %parallel_loop3A_632 : vector<16xf32>
        %parallel_loop3A_634 = arith.index_cast %parallel_loop3A_542 : i32 to index
        %parallel_loop3A_635 = arith.constant 112 : index
        %parallel_loop3A_636 = tpu.vector_load %arg8[%parallel_loop3A_634, %parallel_loop3A_635] {strides = array<i32>} : memref<128x128xf32, #tpu.memory_space<vmem>>, vector<1x16xf32>,
        %parallel_loop3A_637 = vector.shape_cast %parallel_loop3A_636 : vector<1x16xf32> to vector<16xf32>
        %parallel_loop3A_638 = vector.shape_cast %parallel_loop3A_633 : vector<16xf32> to vector<1x16xf32>
        tpu.vector_store %arg8[%parallel_loop3A_634, %parallel_loop3A_635], %parallel_loop3A_638 {strides = array<i32>} : memref<128x128xf32, #tpu.memory_space<vmem>>, vector<1x16xf32>,
      } {sc.loop_unroll_factor = 2 : i64, sc.parallel_access}
      %mul3A_497 = arith.constant 1 : i32
      %mul3A_498 = arith.muli %add3A_473, %mul3A_497 : i32
      %add3A_499 = arith.addi %mul3A_2, %mul3A_498 : i32
      %mul3A_500 = arith.constant 128 : i32
      %mul3A_501 = arith.muli %add3A_499, %mul3A_500 : i32
      %dma_start3A_502 = arith.constant 0 : i32
      %dma_start3A_503 = tpu.memref_slice %arg4[%mul3A_501, %dma_start3A_502] : memref<819200x128xf32, #tpu.memory_space<hbm>> -> memref<128x128xf32, #tpu.memory_space<hbm>>
      %dma_start3A_504 = arith.constant 0 : i32
      %dma_start3A_505 = tpu.memref_slice %arg4[%mul3A_501, %dma_start3A_504] : memref<819200x128xf32, #tpu.memory_space<hbm>> -> memref<128x128xf32, #tpu.memory_space<hbm>>
      tpu.enqueue_dma source(%arg8 : memref<128x128xf32, #tpu.memory_space<vmem>>) target(%dma_start3A_505 : memref<128x128xf32, #tpu.memory_space<hbm>>) target_semaphore(%arg16 : memref<!tpu.dma_semaphore, #tpu.memory_space<semaphore_mem>>)
      %mul3A_506 = arith.constant 4 : i32
      %mul3A_507 = arith.muli %scan3A_241, %mul3A_506 : i32
      %add3A_508 = arith.constant 3 : i32
      %add3A_509 = arith.addi %mul3A_507, %add3A_508 : i32
      %dma_wait3A_510 = arith.constant 0 : i32
      %dma_wait3A_511 = arith.constant 0 : i32
      %dma_wait3A_512 = arith.constant 0 : i32
      %dma_wait3A_513 = tpu.memref_slice %arg9[%dma_wait3A_511, %dma_wait3A_512] : memref<128x128xf32, #tpu.memory_space<vmem>> -> memref<64x128xf32, #tpu.memory_space<vmem>>
      %dma_wait3A_514 = arith.constant 0 : i32
      %dma_wait3A_515 = tpu.memref_slice %arg5[%dma_wait3A_510, %dma_wait3A_514] : memref<200x128xi32, #tpu.memory_space<vmem>> -> memref<1x64xi32, #tpu.memory_space<vmem>>
      %dma_wait3A_516 = tpu.memref_squeeze %dma_wait3A_515 : memref<1x64xi32, #tpu.memory_space<vmem>> -> memref<64xi32, #tpu.memory_space<vmem>>
      %dma_wait3A_517 = arith.constant 0 : i32
      %dma_wait3A_518 = arith.constant 0 : i32
      %dma_wait3A_519 = tpu.memref_slice %arg2[%dma_wait3A_517, %dma_wait3A_518] : memref<100000x128xf32, #tpu.memory_space<hbm>> -> memref<100000x128xf32, #tpu.memory_space<hbm>>
      tpu.wait_indirect_dma semaphore(%arg13 : memref<!tpu.dma_semaphore, #tpu.memory_space<semaphore_mem>>) src(%dma_wait3A_519 : memref<100000x128xf32, #tpu.memory_space<hbm>>) dst(%dma_wait3A_513 : memref<64x128xf32, #tpu.memory_space<vmem>>)
      %dma_wait3A_520 = arith.constant 0 : i32
      %dma_wait3A_521 = arith.constant 64 : i32
      %dma_wait3A_522 = arith.constant 0 : i32
      %dma_wait3A_523 = tpu.memref_slice %arg9[%dma_wait3A_521, %dma_wait3A_522] : memref<128x128xf32, #tpu.memory_space<vmem>> -> memref<64x128xf32, #tpu.memory_space<vmem>>
      %dma_wait3A_524 = arith.constant 0 : i32
      %dma_wait3A_525 = tpu.memref_slice %arg5[%dma_wait3A_520, %dma_wait3A_524] : memref<200x128xi32, #tpu.memory_space<vmem>> -> memref<1x64xi32, #tpu.memory_space<vmem>>
      %dma_wait3A_526 = tpu.memref_squeeze %dma_wait3A_525 : memref<1x64xi32, #tpu.memory_space<vmem>> -> memref<64xi32, #tpu.memory_space<vmem>>
      %dma_wait3A_527 = arith.constant 0 : i32
      %dma_wait3A_528 = arith.constant 0 : i32
      %dma_wait3A_529 = tpu.memref_slice %arg2[%dma_wait3A_527, %dma_wait3A_528] : memref<100000x128xf32, #tpu.memory_space<hbm>> -> memref<100000x128xf32, #tpu.memory_space<hbm>>
      tpu.wait_indirect_dma semaphore(%arg13 : memref<!tpu.dma_semaphore, #tpu.memory_space<semaphore_mem>>) src(%dma_wait3A_529 : memref<100000x128xf32, #tpu.memory_space<hbm>>) dst(%dma_wait3A_523 : memref<64x128xf32, #tpu.memory_space<vmem>>)
      %parallel_loop3A_530 = arith.constant 0 : i32
      %parallel_loop3A_531 = arith.constant 128 : i32
      %parallel_loop3A_532 = arith.constant 1 : i32
      scf.for %parallel_loop3A_542 = %parallel_loop3A_530 to %parallel_loop3A_531 step %parallel_loop3A_532  : i32 {
        %parallel_loop3A_543 = arith.index_cast %parallel_loop3A_542 : i32 to index
        %parallel_loop3A_544 = arith.constant 0 : index
        %parallel_loop3A_545 = tpu.vector_load %arg9[%parallel_loop3A_543, %parallel_loop3A_544] {strides = array<i32>} : memref<128x128xf32, #tpu.memory_space<vmem>>, vector<1x16xf32>,
        %parallel_loop3A_546 = vector.shape_cast %parallel_loop3A_545 : vector<1x16xf32> to vector<16xf32>
        %parallel_loop3A_547 = arith.constant 11.3137083 : f32
        %parallel_loop3A_548 = vector.broadcast %parallel_loop3A_547 : f32 to vector<16xf32>
        %parallel_loop3A_549 = arith.mulf %parallel_loop3A_546, %parallel_loop3A_548 : vector<16xf32>
        %parallel_loop3A_550 = arith.index_cast %parallel_loop3A_542 : i32 to index
        %parallel_loop3A_551 = arith.constant 0 : index
        %parallel_loop3A_552 = tpu.vector_load %arg9[%parallel_loop3A_550, %parallel_loop3A_551] {strides = array<i32>} : memref<128x128xf32, #tpu.memory_space<vmem>>, vector<1x16xf32>,
        %parallel_loop3A_553 = vector.shape_cast %parallel_loop3A_552 : vector<1x16xf32> to vector<16xf32>
        %parallel_loop3A_554 = vector.shape_cast %parallel_loop3A_549 : vector<16xf32> to vector<1x16xf32>
        tpu.vector_store %arg9[%parallel_loop3A_550, %parallel_loop3A_551], %parallel_loop3A_554 {strides = array<i32>} : memref<128x128xf32, #tpu.memory_space<vmem>>, vector<1x16xf32>,
        %parallel_loop3A_555 = arith.index_cast %parallel_loop3A_542 : i32 to index
        %parallel_loop3A_556 = arith.constant 16 : index
        %parallel_loop3A_557 = tpu.vector_load %arg9[%parallel_loop3A_555, %parallel_loop3A_556] {strides = array<i32>} : memref<128x128xf32, #tpu.memory_space<vmem>>, vector<1x16xf32>,
        %parallel_loop3A_558 = vector.shape_cast %parallel_loop3A_557 : vector<1x16xf32> to vector<16xf32>
        %parallel_loop3A_559 = arith.constant 11.3137083 : f32
        %parallel_loop3A_560 = vector.broadcast %parallel_loop3A_559 : f32 to vector<16xf32>
        %parallel_loop3A_561 = arith.mulf %parallel_loop3A_558, %parallel_loop3A_560 : vector<16xf32>
        %parallel_loop3A_562 = arith.index_cast %parallel_loop3A_542 : i32 to index
        %parallel_loop3A_563 = arith.constant 16 : index
        %parallel_loop3A_564 = tpu.vector_load %arg9[%parallel_loop3A_562, %parallel_loop3A_563] {strides = array<i32>} : memref<128x128xf32, #tpu.memory_space<vmem>>, vector<1x16xf32>,
        %parallel_loop3A_565 = vector.shape_cast %parallel_loop3A_564 : vector<1x16xf32> to vector<16xf32>
        %parallel_loop3A_566 = vector.shape_cast %parallel_loop3A_561 : vector<16xf32> to vector<1x16xf32>
        tpu.vector_store %arg9[%parallel_loop3A_562, %parallel_loop3A_563], %parallel_loop3A_566 {strides = array<i32>} : memref<128x128xf32, #tpu.memory_space<vmem>>, vector<1x16xf32>,
        %parallel_loop3A_567 = arith.index_cast %parallel_loop3A_542 : i32 to index
        %parallel_loop3A_568 = arith.constant 32 : index
        %parallel_loop3A_569 = tpu.vector_load %arg9[%parallel_loop3A_567, %parallel_loop3A_568] {strides = array<i32>} : memref<128x128xf32, #tpu.memory_space<vmem>>, vector<1x16xf32>,
        %parallel_loop3A_570 = vector.shape_cast %parallel_loop3A_569 : vector<1x16xf32> to vector<16xf32>
        %parallel_loop3A_571 = arith.constant 11.3137083 : f32
        %parallel_loop3A_572 = vector.broadcast %parallel_loop3A_571 : f32 to vector<16xf32>
        %parallel_loop3A_573 = arith.mulf %parallel_loop3A_570, %parallel_loop3A_572 : vector<16xf32>
        %parallel_loop3A_574 = arith.index_cast %parallel_loop3A_542 : i32 to index
        %parallel_loop3A_575 = arith.constant 32 : index
        %parallel_loop3A_576 = tpu.vector_load %arg9[%parallel_loop3A_574, %parallel_loop3A_575] {strides = array<i32>} : memref<128x128xf32, #tpu.memory_space<vmem>>, vector<1x16xf32>,
        %parallel_loop3A_577 = vector.shape_cast %parallel_loop3A_576 : vector<1x16xf32> to vector<16xf32>
        %parallel_loop3A_578 = vector.shape_cast %parallel_loop3A_573 : vector<16xf32> to vector<1x16xf32>
        tpu.vector_store %arg9[%parallel_loop3A_574, %parallel_loop3A_575], %parallel_loop3A_578 {strides = array<i32>} : memref<128x128xf32, #tpu.memory_space<vmem>>, vector<1x16xf32>,
        %parallel_loop3A_579 = arith.index_cast %parallel_loop3A_542 : i32 to index
        %parallel_loop3A_580 = arith.constant 48 : index
        %parallel_loop3A_581 = tpu.vector_load %arg9[%parallel_loop3A_579, %parallel_loop3A_580] {strides = array<i32>} : memref<128x128xf32, #tpu.memory_space<vmem>>, vector<1x16xf32>,
        %parallel_loop3A_582 = vector.shape_cast %parallel_loop3A_581 : vector<1x16xf32> to vector<16xf32>
        %parallel_loop3A_583 = arith.constant 11.3137083 : f32
        %parallel_loop3A_584 = vector.broadcast %parallel_loop3A_583 : f32 to vector<16xf32>
        %parallel_loop3A_585 = arith.mulf %parallel_loop3A_582, %parallel_loop3A_584 : vector<16xf32>
        %parallel_loop3A_586 = arith.index_cast %parallel_loop3A_542 : i32 to index
        %parallel_loop3A_587 = arith.constant 48 : index
        %parallel_loop3A_588 = tpu.vector_load %arg9[%parallel_loop3A_586, %parallel_loop3A_587] {strides = array<i32>} : memref<128x128xf32, #tpu.memory_space<vmem>>, vector<1x16xf32>,
        %parallel_loop3A_589 = vector.shape_cast %parallel_loop3A_588 : vector<1x16xf32> to vector<16xf32>
        %parallel_loop3A_590 = vector.shape_cast %parallel_loop3A_585 : vector<16xf32> to vector<1x16xf32>
        tpu.vector_store %arg9[%parallel_loop3A_586, %parallel_loop3A_587], %parallel_loop3A_590 {strides = array<i32>} : memref<128x128xf32, #tpu.memory_space<vmem>>, vector<1x16xf32>,
        %parallel_loop3A_591 = arith.index_cast %parallel_loop3A_542 : i32 to index
        %parallel_loop3A_592 = arith.constant 64 : index
        %parallel_loop3A_593 = tpu.vector_load %arg9[%parallel_loop3A_591, %parallel_loop3A_592] {strides = array<i32>} : memref<128x128xf32, #tpu.memory_space<vmem>>, vector<1x16xf32>,
        %parallel_loop3A_594 = vector.shape_cast %parallel_loop3A_593 : vector<1x16xf32> to vector<16xf32>
        %parallel_loop3A_595 = arith.constant 11.3137083 : f32
        %parallel_loop3A_596 = vector.broadcast %parallel_loop3A_595 : f32 to vector<16xf32>
        %parallel_loop3A_597 = arith.mulf %parallel_loop3A_594, %parallel_loop3A_596 : vector<16xf32>
        %parallel_loop3A_598 = arith.index_cast %parallel_loop3A_542 : i32 to index
        %parallel_loop3A_599 = arith.constant 64 : index
        %parallel_loop3A_600 = tpu.vector_load %arg9[%parallel_loop3A_598, %parallel_loop3A_599] {strides = array<i32>} : memref<128x128xf32, #tpu.memory_space<vmem>>, vector<1x16xf32>,
        %parallel_loop3A_601 = vector.shape_cast %parallel_loop3A_600 : vector<1x16xf32> to vector<16xf32>
        %parallel_loop3A_602 = vector.shape_cast %parallel_loop3A_597 : vector<16xf32> to vector<1x16xf32>
        tpu.vector_store %arg9[%parallel_loop3A_598, %parallel_loop3A_599], %parallel_loop3A_602 {strides = array<i32>} : memref<128x128xf32, #tpu.memory_space<vmem>>, vector<1x16xf32>,
        %parallel_loop3A_603 = arith.index_cast %parallel_loop3A_542 : i32 to index
        %parallel_loop3A_604 = arith.constant 80 : index
        %parallel_loop3A_605 = tpu.vector_load %arg9[%parallel_loop3A_603, %parallel_loop3A_604] {strides = array<i32>} : memref<128x128xf32, #tpu.memory_space<vmem>>, vector<1x16xf32>,
        %parallel_loop3A_606 = vector.shape_cast %parallel_loop3A_605 : vector<1x16xf32> to vector<16xf32>
        %parallel_loop3A_607 = arith.constant 11.3137083 : f32
        %parallel_loop3A_608 = vector.broadcast %parallel_loop3A_607 : f32 to vector<16xf32>
        %parallel_loop3A_609 = arith.mulf %parallel_loop3A_606, %parallel_loop3A_608 : vector<16xf32>
        %parallel_loop3A_610 = arith.index_cast %parallel_loop3A_542 : i32 to index
        %parallel_loop3A_611 = arith.constant 80 : index
        %parallel_loop3A_612 = tpu.vector_load %arg9[%parallel_loop3A_610, %parallel_loop3A_611] {strides = array<i32>} : memref<128x128xf32, #tpu.memory_space<vmem>>, vector<1x16xf32>,
        %parallel_loop3A_613 = vector.shape_cast %parallel_loop3A_612 : vector<1x16xf32> to vector<16xf32>
        %parallel_loop3A_614 = vector.shape_cast %parallel_loop3A_609 : vector<16xf32> to vector<1x16xf32>
        tpu.vector_store %arg9[%parallel_loop3A_610, %parallel_loop3A_611], %parallel_loop3A_614 {strides = array<i32>} : memref<128x128xf32, #tpu.memory_space<vmem>>, vector<1x16xf32>,
        %parallel_loop3A_615 = arith.index_cast %parallel_loop3A_542 : i32 to index
        %parallel_loop3A_616 = arith.constant 96 : index
        %parallel_loop3A_617 = tpu.vector_load %arg9[%parallel_loop3A_615, %parallel_loop3A_616] {strides = array<i32>} : memref<128x128xf32, #tpu.memory_space<vmem>>, vector<1x16xf32>,
        %parallel_loop3A_618 = vector.shape_cast %parallel_loop3A_617 : vector<1x16xf32> to vector<16xf32>
        %parallel_loop3A_619 = arith.constant 11.3137083 : f32
        %parallel_loop3A_620 = vector.broadcast %parallel_loop3A_619 : f32 to vector<16xf32>
        %parallel_loop3A_621 = arith.mulf %parallel_loop3A_618, %parallel_loop3A_620 : vector<16xf32>
        %parallel_loop3A_622 = arith.index_cast %parallel_loop3A_542 : i32 to index
        %parallel_loop3A_623 = arith.constant 96 : index
        %parallel_loop3A_624 = tpu.vector_load %arg9[%parallel_loop3A_622, %parallel_loop3A_623] {strides = array<i32>} : memref<128x128xf32, #tpu.memory_space<vmem>>, vector<1x16xf32>,
        %parallel_loop3A_625 = vector.shape_cast %parallel_loop3A_624 : vector<1x16xf32> to vector<16xf32>
        %parallel_loop3A_626 = vector.shape_cast %parallel_loop3A_621 : vector<16xf32> to vector<1x16xf32>
        tpu.vector_store %arg9[%parallel_loop3A_622, %parallel_loop3A_623], %parallel_loop3A_626 {strides = array<i32>} : memref<128x128xf32, #tpu.memory_space<vmem>>, vector<1x16xf32>,
        %parallel_loop3A_627 = arith.index_cast %parallel_loop3A_542 : i32 to index
        %parallel_loop3A_628 = arith.constant 112 : index
        %parallel_loop3A_629 = tpu.vector_load %arg9[%parallel_loop3A_627, %parallel_loop3A_628] {strides = array<i32>} : memref<128x128xf32, #tpu.memory_space<vmem>>, vector<1x16xf32>,
        %parallel_loop3A_630 = vector.shape_cast %parallel_loop3A_629 : vector<1x16xf32> to vector<16xf32>
        %parallel_loop3A_631 = arith.constant 11.3137083 : f32
        %parallel_loop3A_632 = vector.broadcast %parallel_loop3A_631 : f32 to vector<16xf32>
        %parallel_loop3A_633 = arith.mulf %parallel_loop3A_630, %parallel_loop3A_632 : vector<16xf32>
        %parallel_loop3A_634 = arith.index_cast %parallel_loop3A_542 : i32 to index
        %parallel_loop3A_635 = arith.constant 112 : index
        %parallel_loop3A_636 = tpu.vector_load %arg9[%parallel_loop3A_634, %parallel_loop3A_635] {strides = array<i32>} : memref<128x128xf32, #tpu.memory_space<vmem>>, vector<1x16xf32>,
        %parallel_loop3A_637 = vector.shape_cast %parallel_loop3A_636 : vector<1x16xf32> to vector<16xf32>
        %parallel_loop3A_638 = vector.shape_cast %parallel_loop3A_633 : vector<16xf32> to vector<1x16xf32>
        tpu.vector_store %arg9[%parallel_loop3A_634, %parallel_loop3A_635], %parallel_loop3A_638 {strides = array<i32>} : memref<128x128xf32, #tpu.memory_space<vmem>>, vector<1x16xf32>,
      } {sc.loop_unroll_factor = 2 : i64, sc.parallel_access}
      %mul3A_533 = arith.constant 1 : i32
      %mul3A_534 = arith.muli %add3A_509, %mul3A_533 : i32
      %add3A_535 = arith.addi %mul3A_2, %mul3A_534 : i32
      %mul3A_536 = arith.constant 128 : i32
      %mul3A_537 = arith.muli %add3A_535, %mul3A_536 : i32
      %dma_start3A_538 = arith.constant 0 : i32
      %dma_start3A_539 = tpu.memref_slice %arg4[%mul3A_537, %dma_start3A_538] : memref<819200x128xf32, #tpu.memory_space<hbm>> -> memref<128x128xf32, #tpu.memory_space<hbm>>
      %dma_start3A_540 = arith.constant 0 : i32
      %dma_start3A_541 = tpu.memref_slice %arg4[%mul3A_537, %dma_start3A_540] : memref<819200x128xf32, #tpu.memory_space<hbm>> -> memref<128x128xf32, #tpu.memory_space<hbm>>
      tpu.enqueue_dma source(%arg9 : memref<128x128xf32, #tpu.memory_space<vmem>>) target(%dma_start3A_541 : memref<128x128xf32, #tpu.memory_space<hbm>>) target_semaphore(%arg17 : memref<!tpu.dma_semaphore, #tpu.memory_space<semaphore_mem>>)
    }
    %scan3A_208 = arith.constant 49 : i32
    %add3A_209 = arith.constant 0 : i32
    %add3A_210 = arith.addi %mul3A_2, %add3A_209 : i32
    %mul3A_211 = arith.constant 128 : i32
    %mul3A_212 = arith.muli %add3A_210, %mul3A_211 : i32
    %dma_wait3A_213 = arith.constant 0 : i32
    %dma_wait3A_214 = tpu.memref_slice %arg4[%mul3A_212, %dma_wait3A_213] : memref<819200x128xf32, #tpu.memory_space<hbm>> -> memref<128x128xf32, #tpu.memory_space<hbm>>
    %dma_wait3A_215 = arith.constant 0 : i32
    %dma_wait3A_216 = tpu.memref_slice %arg4[%mul3A_212, %dma_wait3A_215] : memref<819200x128xf32, #tpu.memory_space<hbm>> -> memref<128x128xf32, #tpu.memory_space<hbm>>
    tpu.wait_dma2 semaphore(%arg14 : memref<!tpu.dma_semaphore, #tpu.memory_space<semaphore_mem>>) src(%arg6 : memref<128x128xf32, #tpu.memory_space<vmem>>) dst(%dma_wait3A_216 : memref<128x128xf32, #tpu.memory_space<hbm>>)
    %add3A_217 = arith.constant 0 : i32
    %add3A_218 = arith.addi %mul3A_2, %add3A_217 : i32
    %mul3A_219 = arith.constant 128 : i32
    %mul3A_220 = arith.muli %add3A_218, %mul3A_219 : i32
    %dma_wait3A_221 = arith.constant 0 : i32
    %dma_wait3A_222 = tpu.memref_slice %arg4[%mul3A_220, %dma_wait3A_221] : memref<819200x128xf32, #tpu.memory_space<hbm>> -> memref<128x128xf32, #tpu.memory_space<hbm>>
    %dma_wait3A_223 = arith.constant 0 : i32
    %dma_wait3A_224 = tpu.memref_slice %arg4[%mul3A_220, %dma_wait3A_223] : memref<819200x128xf32, #tpu.memory_space<hbm>> -> memref<128x128xf32, #tpu.memory_space<hbm>>
    tpu.wait_dma2 semaphore(%arg15 : memref<!tpu.dma_semaphore, #tpu.memory_space<semaphore_mem>>) src(%arg7 : memref<128x128xf32, #tpu.memory_space<vmem>>) dst(%dma_wait3A_224 : memref<128x128xf32, #tpu.memory_space<hbm>>)
    %add3A_225 = arith.constant 0 : i32
    %add3A_226 = arith.addi %mul3A_2, %add3A_225 : i32
    %mul3A_227 = arith.constant 128 : i32
    %mul3A_228 = arith.muli %add3A_226, %mul3A_227 : i32
    %dma_wait3A_229 = arith.constant 0 : i32
    %dma_wait3A_230 = tpu.memref_slice %arg4[%mul3A_228, %dma_wait3A_229] : memref<819200x128xf32, #tpu.memory_space<hbm>> -> memref<128x128xf32, #tpu.memory_space<hbm>>
    %dma_wait3A_231 = arith.constant 0 : i32
    %dma_wait3A_232 = tpu.memref_slice %arg4[%mul3A_228, %dma_wait3A_231] : memref<819200x128xf32, #tpu.memory_space<hbm>> -> memref<128x128xf32, #tpu.memory_space<hbm>>
    tpu.wait_dma2 semaphore(%arg16 : memref<!tpu.dma_semaphore, #tpu.memory_space<semaphore_mem>>) src(%arg8 : memref<128x128xf32, #tpu.memory_space<vmem>>) dst(%dma_wait3A_232 : memref<128x128xf32, #tpu.memory_space<hbm>>)
    %add3A_233 = arith.constant 0 : i32
    %add3A_234 = arith.addi %mul3A_2, %add3A_233 : i32
    %mul3A_235 = arith.constant 128 : i32
    %mul3A_236 = arith.muli %add3A_234, %mul3A_235 : i32
    %dma_wait3A_237 = arith.constant 0 : i32
    %dma_wait3A_238 = tpu.memref_slice %arg4[%mul3A_236, %dma_wait3A_237] : memref<819200x128xf32, #tpu.memory_space<hbm>> -> memref<128x128xf32, #tpu.memory_space<hbm>>
    %dma_wait3A_239 = arith.constant 0 : i32
    %dma_wait3A_240 = tpu.memref_slice %arg4[%mul3A_236, %dma_wait3A_239] : memref<819200x128xf32, #tpu.memory_space<hbm>> -> memref<128x128xf32, #tpu.memory_space<hbm>>
    tpu.wait_dma2 semaphore(%arg17 : memref<!tpu.dma_semaphore, #tpu.memory_space<semaphore_mem>>) src(%arg9 : memref<128x128xf32, #tpu.memory_space<vmem>>) dst(%dma_wait3A_240 : memref<128x128xf32, #tpu.memory_space<hbm>>)
    return
  }
}

</mosaic_0001>

<sc_bundles>
// kernel: kernel.3.cloned.1.call-start
scs
__scs_entry_jumppad:
0x0: {  	(pc) =	sbr.rel $0x88, $3  }
0x1: {  	(tag) =	ssettag $0x0;
	lr =	simm.s32 $0x1  }
0x2: {  	[smem:$0x3F9F] =	sst lr;
	_ =	strace $0xD0000000  }
0x3: {  	_ = 	snop  }
0x4: {  	_ = 	snop  }
0x5: {  	_ = 	snop  }
0x6: {  	_ = 	snop  }
0x7: {  	_ = 	snop  }
__scs_overlays_trampoline_lowered:
0x8: {  	[smem:$0x3FAE] =	sst s0  }
0x9: {  	[smem:$0x3FAF] =	sst s1  }
0xa: {  	[smem:$0x3FB0] =	sst s2  }
0xb: {  	[smem:$0x3FB1] =	sst s3  }
0xc: {  	[smem:$0x3FB2] =	sst s4  }
0xd: {  	[smem:$0x3FB3] =	sst s5  }
0xe: {  	[smem:$0x3FB4] =	sst s6  }
0xf: {  	[smem:$0x3FB5] =	sst s7  }
0x10: {  	[smem:$0x3FB6] =	sst s8  }
0x11: {  	[smem:$0x3FB7] =	sst s9;
	s0 =	simm.s32 @!p0 $0x0  }
0x12: {  	s1 =	sld [smem:$0x3F9D];
	s0 =	simm.s32 @p0 $0x1  }
0x13: {  	[smem:$0x3FB8] =	sst s0;
	s0 =	simm.s32 @!p1 $0x0  }
0x14: {  	s2 =	sld [smem:$0x3F9C];
	s0 =	simm.s32 @p1 $0x1  }
0x15: {  	[smem:$0x3FB9] =	sst s0;
	s0 =	simm.s32 @!p2 $0x0  }
0x16: {  	s3 =	sld [smem:$0x3FDB];
	s0 =	simm.s32 @p2 $0x1  }
0x17: {  	s4 =	simm.s32 $0x1BF5;
	[smem:$0x3FBB] =	sst s0  }
0x18: {  	s0 =	sld [smem:$0x3F9E];
	_ =	swait.ge [sflag:s4], $0x0  }
0x19: {  	s7 =	sld [smem:$0x3F9F]  }
0x1a: {  	s8 =	sadd.s32 $0xFFFFE003, lr  }
0x1b: {  	s9 =	sadd.s32 $0xFFFFFEF7, lr;
	s5 =	simm.s32 $0xFFFFFFFF;
	p2 =	slt.u32 s8, $0xFFFFF086  }
0x1c: {  	p1 =	slt.u32 s9, $0xF7A;
	s5 =	simm.s32 @!p2 $0x0  }
0x1d: {  	s5 =	simm.s32 @p1 $0x1;
	p0 =	seq.s32 s7, s2  }
0x1e: {  	s7 =	smul.u32 @!p0 $0xF7A, s2;
	p2 =	seq.s32 @!p0 s5, $0x0  }
0x1f: {  	s9 =	smul.u32 $0xF7A, s1;
	s8 =	simm.s32 @!p0 $0x1BF5;
	p2 =	por !p2, p0  }
0x20: {  	[sflag:s8] =	ssyncset.s32 @!p0 $0xFFFFF086;
	s6 =	sadd.s32 @!p0 s3, s7;
	s7 =	simm.s32 @!p0 $0x108  }
0x21: {  	s3 =	sadd.s32 s3, s9;
	s6 =	sadd.s32 @!p0 $0x88, s6;
	s7 =	simm.s32 @p2 $0x1082  }
0x22: {  	[simem:s7], [sflag:s8] =	dma.local @!p0 [hbm:s6], $0xF7A  }
0x23: {  	s9 =	sor.u32 $0xD0000000, s2;
	s6 =	simm.s32 $0x108;
	_ =	swait.ge @!p0 [sflag:s8], $0x0  }
0x24: {  	s3 =	sadd.s32 $0x88, s3;
	s6 =	simm.s32 @!p1 $0x1082;
	[sflag:s4] =	ssyncset.s32 $0xFFFFF086  }
0x25: {  	[simem:s6], [sflag:s4] =	dma.local [hbm:s3], $0xF7A  }
0x26: {  	[smem:$0x3F9F] =	sst s1;
	(tag) =	ssettag s2;
	_ =	strace s9  }
0x27: {  	s1 =	sld [smem:$0x3FAF]  }
0x28: {  	s2 =	sld [smem:$0x3FB0]  }
0x29: {  	s4 =	sld [smem:$0x3FB2]  }
0x2a: {  	p0 =	seq.s32 s5, $0x0;
	s5 =	sld [smem:$0x3FB3]  }
0x2b: {  	s6 =	sld [smem:$0x3FB4]  }
0x2c: {  	s7 =	sld [smem:$0x3FB5]  }
0x2d: {  	s3 =	simm.s32 $0x108;
	s8 =	sld [smem:$0x3FB6]  }
0x2e: {  	s3 =	simm.s32 @!p0 $0x1082;
	s9 =	sld [smem:$0x3FB7]  }
0x2f: {  	lr =	sadd.s32 s0, s3;
	s0 =	sld [smem:$0x3FAE]  }
0x30: {  	s3 =	sld [smem:$0x3FB1]  }
0x31: {  	[smem:$0x3FBA] =	sst s10  }
0x32: {  	s10 =	sld [smem:$0x3FB8];
	_ =	sdelay $0x3  }
0x33: {  	p0 =	seq.s32 s10, $0x1;
	s10 =	sld [smem:$0x3FBA];
	_ =	sdelay $0x3  }
0x34: {  	[smem:$0x3FBA] =	sst s10  }
0x35: {  	s10 =	sld [smem:$0x3FB9];
	_ =	sdelay $0x3  }
0x36: {  	p1 =	seq.s32 s10, $0x1;
	s10 =	sld [smem:$0x3FBA];
	_ =	sdelay $0x3  }
0x37: {  	[smem:$0x3FBA] =	sst s10  }
0x38: {  	s10 =	sld [smem:$0x3FBB]  }
0x39: {  	_ = 	snop;
	(pc) =	sbr.ind lr, $3  }
0x3a: {  	_ = 	snop  }
0x3b: {  	_ = 	snop  }
0x3c: {  	p2 =	seq.s32 s10, $0x1;
	s10 =	sld [smem:$0x3FBA]  }
0x3d: {  	_ =	shalt  }
0x3e: {  	_ =	shalt  }
0x3f: {  	_ =	shalt  }
0x40: {  	_ =	shalt  }
0x41: {  	_ =	shalt  }
0x42: {  	_ =	shalt  }
0x43: {  	_ =	shalt  }
0x44: {  	_ =	shalt  }
0x45: {  	_ =	shalt  }
0x46: {  	_ =	shalt  }
0x47: {  	_ =	shalt  }
0x48: {  	_ =	shalt  }
0x49: {  	_ =	shalt  }
0x4a: {  	_ =	shalt  }
0x4b: {  	_ =	shalt  }
0x4c: {  	_ =	shalt  }
0x4d: {  	_ =	shalt  }
0x4e: {  	_ =	shalt  }
0x4f: {  	_ =	shalt  }
0x50: {  	_ =	shalt  }
0x51: {  	_ =	shalt  }
0x52: {  	_ =	shalt  }
0x53: {  	_ =	shalt  }
0x54: {  	_ =	shalt  }
0x55: {  	_ =	shalt  }
0x56: {  	_ =	shalt  }
0x57: {  	_ =	shalt  }
0x58: {  	_ =	shalt  }
0x59: {  	_ =	shalt  }
0x5a: {  	_ =	shalt  }
0x5b: {  	_ =	shalt  }
0x5c: {  	_ =	shalt  }
0x5d: {  	_ =	shalt  }
0x5e: {  	_ =	shalt  }
0x5f: {  	_ =	shalt  }
0x60: {  	_ =	shalt  }
0x61: {  	_ =	shalt  }
0x62: {  	_ =	shalt  }
0x63: {  	_ =	shalt  }
0x64: {  	_ =	shalt  }
0x65: {  	_ =	shalt  }
0x66: {  	_ =	shalt  }
0x67: {  	_ =	shalt  }
0x68: {  	_ =	shalt  }
0x69: {  	_ =	shalt  }
0x6a: {  	_ =	shalt  }
0x6b: {  	_ =	shalt  }
0x6c: {  	_ =	shalt  }
0x6d: {  	_ =	shalt  }
0x6e: {  	_ =	shalt  }
0x6f: {  	_ =	shalt  }
0x70: {  	_ =	shalt  }
0x71: {  	_ =	shalt  }
0x72: {  	_ =	shalt  }
0x73: {  	_ =	shalt  }
0x74: {  	_ =	shalt  }
0x75: {  	_ =	shalt  }
0x76: {  	_ =	shalt  }
0x77: {  	_ =	shalt  }
0x78: {  	_ =	shalt  }
0x79: {  	_ =	shalt  }
0x7a: {  	_ =	shalt  }
0x7b: {  	_ =	shalt  }
0x7c: {  	_ =	shalt  }
0x7d: {  	_ =	shalt  }
0x7e: {  	_ =	shalt  }
0x7f: {  	_ =	shalt  }
0x80: {  	_ =	shalt  }
0x81: {  	_ =	shalt  }
0x82: {  	_ =	shalt  }
0x83: {  	_ =	shalt  }
0x84: {  	_ =	shalt  }
0x85: {  	_ =	shalt  }
0x86: {  	_ =	shalt  }
0x87: {  	_ =	shalt  }
.Lfunc_end0:
.L_simem_size_0:
called_computation_lowered:
.L_overlay_start_0:
0x88: {  	s2 =	sld [smem:$0x3FD9]  }
0x89: {  	s3 =	sld [smem:$0x3FFE];
	_ =	sdelay $0x1  }
0x8a: {  	s1 =	srdreg.scid  }
0x8b: {  	s0 =	sand.u32 $0x1, s1  }
0x8c: {  	s17 =	sshll.u32 s0, $0xA;
	s2 =	sadd.s32 s3, s2  }
0x8d: {  	s2 =	sadd.s32 s2, s17  }
0x8e: {  	[smem:$0x3FC6] =	sst s2  }
0x8f: {  	_ = 	snop  }
0x90: {  	s2 =	sld [smem:$0x3FC8]  }
0x91: {  	s18 =	sld [smem:$0x3FD0];
	(tm) =	ssettm $0x1  }
0x92: {  	s4 =	sld [smem:$0x3FFB];
	_ =	sdelay $0x3  }
0x93: {  	_ =	strace s4  }
0x94: {  	s4 =	sld [smem:$0x3FFC];
	_ =	sdelay $0x3  }
0x95: {  	_ =	strace s4  }
0x96: {  	s4 =	sld [smem:$0x3FFD];
	_ =	sdelay $0x3  }
0x97: {  	_ =	strace s4  }
0x98: {  	_ =	strace $0x8FFFFFFF  }
0x99: {  	s19 =	sld [smem:$0x3FDB];
	_ =	sdelay $0x1  }
0x9a: {  	s5 =	simm.s32 $_scs_section_size  }
0x9b: {  	s6 =	simm.s32 $_size__tile_overlayer_lowered;
	s7 =	simm.s32 $_tile_overlayer_lowered  }
0x9c: {  	s22 =	simm.s32 $0x1BFF;
	s21 =	sshll.u32 s7, $0x1;
	s4 =	sadd.s32 s5, s19  }
0x9d: {  	s8 =	simm.s32 $0x0;
	s20 =	sshll.u32 s6, $0x1;
	s6 =	sadd.s32 s21, s4  }
0x9e: {  	[timem:s8], [sflag:s22] =	dma.local [hbm:s6], s20  }
0x9f: {  	_ =	swait.ge [sflag:s22], s20  }
0xa0: {  	s5 =	ssub.s32 $0x0, s20;
	[sflag:s22] =	ssyncset.done $0x0  }
0xa1: {  	[sflag:s22] =	ssyncadd.s32 s5;
	_ =	sdelay $0x1  }
0xa2: {  	s23 =	simm.s32 $0x1B8B  }
0xa3: {  	_ =	swait.ge [sflag:s23], $0x1  }
0xa4: {  	[sflag:s23] =	ssyncset.done $0x0  }
0xa5: {  	s25 =	simm.s32 $0x1B8E;
	s24 =	sld [smem:$0x3FFE];
	[sflag:s23] =	ssyncadd.s32 $0xFFFFFFFF  }
0xa6: {  	s26 =	simm.s32 $execute0_lowered;
	[smem:$0x3FD2] =	sst s25  }
0xa7: {  	s6 =	sshll.u32 s26, $0x1;
	_ =	strace $0x80000046;
	[dreg:$0x1] =	wrdreg $0xFFFFFFFF  }
0xa8: {  	s28 =	simm.s32 $_size_execute0_lowered;
	s4 =	sadd.s32 s4, s6;
	[dreg:$0x0] =	wrdreg $0x0  }
0xa9: {  	s6 =	sshll.u32 s28, $0x1;
	[dreg:$0x2] =	wrdreg s4  }
0xaa: {  	[dreg:$0x3] =	wrdreg s6  }
0xab: {  	[dreg:$0x4] =	wrdreg $0xC0  }
0xac: {  	_ =	task [dreg:s8], $0x5FFFF  }
0xad: {  	[dreg:$0x1] =	wrdreg $0xFFFFFFFF  }
0xae: {  	[dreg:$0x0] =	wrdreg $0x60  }
0xaf: {  	[dreg:$0x2] =	wrdreg s2  }
0xb0: {  	[dreg:$0x3] =	wrdreg s24  }
0xb1: {  	[dreg:$0x4] =	wrdreg s18  }
0xb2: {  	[dreg:$0x5] =	wrdreg $0x9  }
0xb3: {  	_ =	task.clear_ibuf [dreg:s8], $0x6FFFF;
	_ =	strace $0x90000046  }
0xb4: {  	s29 =	simm.s32 $0x9;
	_ =	strace $0x80000048  }
0xb5: {  	_ =	swait.ge [sflag:s29], $0x1  }
0xb6: {  	[sflag:s29] =	ssyncadd.s32 $0xFFFFFFFF  }
0xb7: {  	_ =	strace $0x90000048  }
0xb8: {  	_ =	sfence  }
0xb9: {  	s30 =	sld [smem:$0x0];
	_ =	sdelay $0x2  }
0xba: {  	s31 =	sshll.u32 s1, $0xD;
	s1 =	sshrl.u32 s1, $0x2  }
0xbb: {  	s3 =	sand.u32 $0x4000, s31;
	s1 =	sadd.s32 s1, s30  }
0xbc: {  	s0 =	sor.u32 s3, s0;
	s1 =	sshll.u32 s1, $0x11  }
0xbd: {  	s0 =	sor.u32 s1, s0  }
0xbe: {  	s0 =	sadd.s32 $0x8F2B, s0  }
0xbf: {  	[sflag:s0] =	ssyncadd.remote.s32 $0x1  }
0xc0: {  	_ =	sfence.sel $0xFFFF  }
0xc1: {  	[dreg:$0x0] =	wrdreg $0xFFFFFFFF;
	(pc) =	sbr.abs _section_cstart, $3  }
0xc2: {  	[dreg:$0x1] =	wrdreg $0xFFFFFFFF  }
0xc3: {  	_ =	task.clear_ibuf [dreg:s8], $0x2FFFF;
	_ =	strace $0x9FFFFFFF  }
0xc4: {  	(tm) =	ssettm $0x7FFFFFFF  }
0xc5: {  	_ =	shalt  }
tec
execute0_lowered:
.L_overlay_start_1:
0x0: {  	(tag) =	ssettag $0x1  }
0x1: {  	s1 =	rddreg [dreg:$0x0];
	s0 =	srdreg.scid  }
0x2: {  	s3 =	stileid.u32;
	s2 =	rddreg [dreg:$0x1]  }
0x3: {  	s12 =	simm.s32 $0x9;
	s13 =	simm.s32 $0x40;
	s14 =	simm.s32 $0x6400  }
0x4: {  	s15 =	simm.s32 $0x8400;
	s17 =	simm.s32 $0xA400;
	s19 =	simm.s32 $0xC400  }
0x5: {  	s21 =	simm.s32 $0xE400;
	s28 =	simm.s32 $0x14400;
	s29 =	simm.s32 $0x1  }
0x6: {  	s30 =	simm.s32 $0x2;
	s31 =	simm.s32 $0x3;
	s16 =	simm.s32 $0x6  }
0x7: {  	s18 =	simm.s32 $0x7;
	s0 =	sand.u32 $0x1, s0;
	s4 =	sshll.u32 s3, $0x1  }
0x8: {  	s20 =	simm.s32 $0x8;
	s3 =	rddreg [dreg:$0x2];
	s5 =	sor.u32 s0, s4  }
0x9: {  	s4 =	simm.s32 $0x0;
	s0 =	ssub.s32 $0x2, s0;
	s7 =	smul.u32 $0x64000, s5  }
0xa: {  	s6 =	smul.u32 $0xC80, s5;
	[smem:$0x7FF] =	sst s4;
	s22 =	sshrl.u32 s0, $0x1  }
0xb: {  	_ =	strace $0x80000047;
	s0 =	ssub.s32 s0, s22;
	s23 =	sadd.s32 s3, s7  }
0xc: {  	s2 =	sadd.s32 s6, s2;
	s0 =	smax.u32 s0, $0x1;
	[dreg:$0x4] =	wrdreg s23  }
0xd: {  	s5 =	smul.u32 $0xC8, s5;
	s2 =	sadd.s32 $0x400, s2;
	[dreg:$0x9] =	wrdreg s0  }
0xe: {  	s22 =	simm.s32 $0x0;
	s24 =	sadd.s32 $0x800, s23;
	[dreg:$0x5] =	wrdreg s2  }
0xf: {  	s25 =	sadd.s32 $0x1000, s23;
	s26 =	sadd.s32 $0x1800, s23;
	[dreg:$0x6] =	wrdreg s24  }
0x10: {  	s23 =	simm.s32 $0x10400;
	s0 =	simm.s32 $0x5;
	[dreg:$0x7] =	wrdreg s25  }
0x11: {  	[dreg:$0x8] =	wrdreg s26;
	s25 =	simm.s32 $0x12400;
	s2 =	simm.s32 $0x4  }
.LBB2_1:
0x12: {  	s6 =	rddreg [dreg:$0x5]  }
0x13: {  	[tilespmem:s4], [sflag:$0x9] =	stream.linear.gather [hbm4b:s6+s4], $0x6400, $0x38;
	[tilespmem:$0x16400] =	vst v63  }
0x14: {  	_ =	swait.ge [sflag:s12], $0x6400  }
0x15: {  	[sflag:s12] =	ssyncset.done $0x0  }
0x16: {  	[sflag:s12] =	ssyncadd.s32 $0xFFFF9C00  }
0x17: {  	[tilespmem:s14], [sflag:$0x1] =	stream.indirect.gather [hbm4b:s1+s13], $0x80, s4, s13, $0xb8;
	[tilespmem:$0x16400] =	vst v63  }
0x18: {  	_ = 	snop  }
0x19: {  	[tilespmem:s15], [sflag:$0x1] =	stream.indirect.gather [hbm4b:s1+s13], $0x80, s13, s13, $0xb8;
	[tilespmem:$0x16400] =	vst v63  }
0x1a: {  	s8 =	simm.s32 $0x80  }
0x1b: {  	[tilespmem:s17], [sflag:$0x2] =	stream.indirect.gather [hbm4b:s1+s13], $0x80, s8, s13, $0xb8;
	[tilespmem:$0x16400] =	vst v63  }
0x1c: {  	s9 =	simm.s32 $0xC0  }
0x1d: {  	[tilespmem:s19], [sflag:$0x2] =	stream.indirect.gather [hbm4b:s1+s13], $0x80, s9, s13, $0xb8;
	[tilespmem:$0x16400] =	vst v63  }
0x1e: {  	s10 =	simm.s32 $0x100  }
0x1f: {  	[tilespmem:s21], [sflag:$0x3] =	stream.indirect.gather [hbm4b:s1+s13], $0x80, s10, s13, $0xb8;
	[tilespmem:$0x16400] =	vst v63  }
0x20: {  	s11 =	simm.s32 $0x140  }
0x21: {  	[tilespmem:s23], [sflag:$0x3] =	stream.indirect.gather [hbm4b:s1+s13], $0x80, s11, s13, $0xb8;
	[tilespmem:$0x16400] =	vst v63  }
0x22: {  	s24 =	simm.s32 $0x180  }
0x23: {  	[tilespmem:s25], [sflag:$0x4] =	stream.indirect.gather [hbm4b:s1+s13], $0x80, s24, s13, $0xb8;
	[tilespmem:$0x16400] =	vst v63  }
0x24: {  	s26 =	simm.s32 $0x1C0  }
0x25: {  	[tilespmem:s28], [sflag:$0x4] =	stream.indirect.gather [hbm4b:s1+s13], $0x80, s26, s13, $0xb8;
	[tilespmem:$0x16400] =	vst v63  }
0x26: {  	_ =	swait.ge [sflag:s29], $0x2000  }
0x27: {  	[sflag:s29] =	ssyncset.done $0x0  }
0x28: {  	[sflag:s29] =	ssyncadd.s32 $0xFFFFE000  }
0x29: {  	_ =	swait.ge [sflag:s29], $0x2000  }
0x2a: {  	[sflag:s29] =	ssyncset.done $0x0  }
0x2b: {  	s7 =	simm.s32 $0x6480;
	[sflag:s29] =	ssyncadd.s32 $0xFFFFE000  }
0x2c: {  	v0 =	vld [tilespmem:s7+$0x70]  }
0x2d: {  	v1 =	vld [tilespmem:s7+$0xFFFFFF90]  }
0x2e: {  	v2 =	vld [tilespmem:s7+$0xFFFFFFA0]  }
0x2f: {  	v3 =	vld [tilespmem:s7+$0xFFFFFFB0]  }
0x30: {  	v4 =	vld [tilespmem:s7+$0xFFFFFFC0]  }
0x31: {  	v5 =	vld [tilespmem:s7+$0xFFFFFFD0];
	v0 =	vmul.f32 $1.131370830e+01, v0  }
0x32: {  	v6 =	vld [tilespmem:s7+$0xFFFFFFE0];
	v1 =	vmul.f32 $1.131370830e+01, v1  }
0x33: {  	v7 =	vld [tilespmem:s7+$0xFFFFFFF0];
	v2 =	vmul.f32 $1.131370830e+01, v2;
	[tilespmem:s7+$0x70] =	vst v0  }
0x34: {  	[tilespmem:s7+$0xFFFFFF90] =	vst v1;
	v0 =	vmul.f32 $1.131370830e+01, v3;
	v3 =	vld [tilespmem:s7+$0x0]  }
0x35: {  	[tilespmem:s7+$0xFFFFFFA0] =	vst v2;
	v1 =	vmul.f32 $1.131370830e+01, v4;
	v4 =	vld [tilespmem:s7+$0x10]  }
0x36: {  	v8 =	vld [tilespmem:s7+$0x20];
	v2 =	vmul.f32 $1.131370830e+01, v5;
	[tilespmem:s7+$0xFFFFFFB0] =	vst v0  }
0x37: {  	v5 =	vmul.f32 $1.131370830e+01, v6;
	[tilespmem:s7+$0xFFFFFFC0] =	vst v1;
	v0 =	vld [tilespmem:s7+$0x30]  }
0x38: {  	v6 =	vmul.f32 $1.131370830e+01, v7;
	[tilespmem:s7+$0xFFFFFFD0] =	vst v2;
	v1 =	vld [tilespmem:s7+$0x40]  }
0x39: {  	[tilespmem:s7+$0xFFFFFFE0] =	vst v5;
	v2 =	vld [tilespmem:s7+$0x50];
	v7 =	vmul.f32 $1.131370830e+01, v3  }
0x3a: {  	[tilespmem:s7+$0xFFFFFFF0] =	vst v6;
	v3 =	vld [tilespmem:s7+$0x60];
	v5 =	vmul.f32 $1.131370830e+01, v4  }
0x3b: {  	s8 =	simm.s32 $0x0;
	s9 =	simm.s32 $0x6580;
	v6 =	vmul.f32 $1.131370830e+01, v8;
	v4 =	vld [tilespmem:s7+$0xFFFFFF80];
	[tilespmem:s7+$0x0] =	vst v7  }
.LBB2_2:
0x3c: {  	v7 =	vld [tilespmem:s9+$0x70];
	s8 =	sadd.s32 $0x2, s8;
	[tilespmem:s7+$0x10] =	vst v5;
	v0 =	vmul.f32 $1.131370830e+01, v0  }
0x3d: {  	v5 =	vld [tilespmem:s9+$0xFFFFFF90];
	p0 =	slt.u32 s8, $0x7E;
	[tilespmem:s7+$0x20] =	vst v6;
	v1 =	vmul.f32 $1.131370830e+01, v1  }
0x3e: {  	v6 =	vld [tilespmem:s9+$0xFFFFFFA0];
	[tilespmem:s7+$0x30] =	vst v0;
	v0 =	vmul.f32 $1.131370830e+01, v2  }
0x3f: {  	v2 =	vld [tilespmem:s9+$0xFFFFFFB0];
	[tilespmem:s7+$0x40] =	vst v1;
	v1 =	vmul.f32 $1.131370830e+01, v3  }
0x40: {  	v3 =	vld [tilespmem:s9+$0xFFFFFFC0];
	v4 =	vmul.f32 $1.131370830e+01, v4;
	[tilespmem:s7+$0x50] =	vst v0  }
0x41: {  	v0 =	vld [tilespmem:s9+$0xFFFFFFD0];
	v7 =	vmul.f32 $1.131370830e+01, v7;
	[tilespmem:s7+$0x60] =	vst v1  }
0x42: {  	v1 =	vmul.f32 $1.131370830e+01, v5;
	v5 =	vld [tilespmem:s9+$0xFFFFFFE0];
	[tilespmem:s7+$0xFFFFFF80] =	vst v4;
	s7 =	smov.u32 s9  }
0x43: {  	v4 =	vmul.f32 $1.131370830e+01, v6;
	v6 =	vld [tilespmem:s9+$0xFFFFFFF0];
	[tilespmem:s9+$0x70] =	vst v7  }
0x44: {  	[tilespmem:s9+$0xFFFFFF90] =	vst v1;
	v1 =	vmul.f32 $1.131370830e+01, v2;
	v2 =	vld [tilespmem:s9+$0x0]  }
0x45: {  	[tilespmem:s9+$0xFFFFFFA0] =	vst v4;
	v3 =	vmul.f32 $1.131370830e+01, v3;
	v4 =	vld [tilespmem:s9+$0x10]  }
0x46: {  	[tilespmem:s9+$0xFFFFFFB0] =	vst v1;
	v1 =	vmul.f32 $1.131370830e+01, v0;
	v7 =	vld [tilespmem:s9+$0x20]  }
.Ltmp0:
0x47: {  	[tilespmem:s9+$0xFFFFFFC0] =	vst v3;
	v3 =	vmul.f32 $1.131370830e+01, v5;
	v0 =	vld [tilespmem:s9+$0x30];
	(pc) =	sbr.rel @p0 .LBB2_2-.Ltmp0, $4  }
0x48: {  	[tilespmem:s9+$0xFFFFFFD0] =	vst v1;
	v5 =	vmul.f32 $1.131370830e+01, v6;
	v1 =	vld [tilespmem:s9+$0x40]  }
0x49: {  	[tilespmem:s9+$0xFFFFFFE0] =	vst v3;
	v6 =	vmul.f32 $1.131370830e+01, v2;
	v2 =	vld [tilespmem:s9+$0x50]  }
0x4a: {  	[tilespmem:s9+$0xFFFFFFF0] =	vst v5;
	v5 =	vmul.f32 $1.131370830e+01, v4;
	v3 =	vld [tilespmem:s9+$0x60]  }
0x4b: {  	s9 =	sadd.s32 $0x100, s9;
	v4 =	vld [tilespmem:s7+$0xFFFFFF80];
	[tilespmem:s7+$0x0] =	vst v6;
	v6 =	vmul.f32 $1.131370830e+01, v7  }
0x4c: {  	[tilespmem:s7+$0x10] =	vst v5;
	v0 =	vmul.f32 $1.131370830e+01, v0  }
0x4d: {  	[tilespmem:s7+$0x20] =	vst v6;
	v1 =	vmul.f32 $1.131370830e+01, v1  }
0x4e: {  	[tilespmem:s7+$0x30] =	vst v0;
	v0 =	vmul.f32 $1.131370830e+01, v2  }
0x4f: {  	[tilespmem:s7+$0x40] =	vst v1;
	v1 =	vmul.f32 $1.131370830e+01, v3  }
0x50: {  	v2 =	vmul.f32 $1.131370830e+01, v4;
	[tilespmem:s7+$0x50] =	vst v0  }
0x51: {  	[tilespmem:s7+$0x60] =	vst v1  }
0x52: {  	[tilespmem:s7+$0xFFFFFF80] =	vst v2  }
0x53: {  	s6 =	rddreg [dreg:$0x4]  }
0x54: {  	[hbm4b:s6+s4] =	stream.linear.scatter [tilespmem:s14], [sflag:$0x5], $0x4000, $0x38;
	[tilespmem:$0x16400] =	vst v63  }
0x55: {  	_ =	swait.ge [sflag:s30], $0x2000  }
0x56: {  	[sflag:s30] =	ssyncset.done $0x0  }
0x57: {  	[sflag:s30] =	ssyncadd.s32 $0xFFFFE000  }
0x58: {  	_ =	swait.ge [sflag:s30], $0x2000  }
0x59: {  	[sflag:s30] =	ssyncset.done $0x0  }
0x5a: {  	s7 =	simm.s32 $0xA480;
	[sflag:s30] =	ssyncadd.s32 $0xFFFFE000  }
0x5b: {  	v0 =	vld [tilespmem:s7+$0x70]  }
0x5c: {  	v1 =	vld [tilespmem:s7+$0xFFFFFF90]  }
0x5d: {  	v2 =	vld [tilespmem:s7+$0xFFFFFFA0]  }
0x5e: {  	v3 =	vld [tilespmem:s7+$0xFFFFFFB0]  }
0x5f: {  	v4 =	vld [tilespmem:s7+$0xFFFFFFC0]  }
0x60: {  	v5 =	vld [tilespmem:s7+$0xFFFFFFD0];
	v0 =	vmul.f32 $1.131370830e+01, v0  }
0x61: {  	v6 =	vld [tilespmem:s7+$0xFFFFFFE0];
	v1 =	vmul.f32 $1.131370830e+01, v1  }
0x62: {  	v7 =	vld [tilespmem:s7+$0xFFFFFFF0];
	v2 =	vmul.f32 $1.131370830e+01, v2;
	[tilespmem:s7+$0x70] =	vst v0  }
0x63: {  	[tilespmem:s7+$0xFFFFFF90] =	vst v1;
	v0 =	vmul.f32 $1.131370830e+01, v3;
	v3 =	vld [tilespmem:s7+$0x0]  }
0x64: {  	[tilespmem:s7+$0xFFFFFFA0] =	vst v2;
	v1 =	vmul.f32 $1.131370830e+01, v4;
	v4 =	vld [tilespmem:s7+$0x10]  }
0x65: {  	v8 =	vld [tilespmem:s7+$0x20];
	v2 =	vmul.f32 $1.131370830e+01, v5;
	[tilespmem:s7+$0xFFFFFFB0] =	vst v0  }
0x66: {  	v5 =	vmul.f32 $1.131370830e+01, v6;
	[tilespmem:s7+$0xFFFFFFC0] =	vst v1;
	v0 =	vld [tilespmem:s7+$0x30]  }
0x67: {  	v6 =	vmul.f32 $1.131370830e+01, v7;
	[tilespmem:s7+$0xFFFFFFD0] =	vst v2;
	v1 =	vld [tilespmem:s7+$0x40]  }
0x68: {  	[tilespmem:s7+$0xFFFFFFE0] =	vst v5;
	v2 =	vld [tilespmem:s7+$0x50];
	v7 =	vmul.f32 $1.131370830e+01, v3  }
0x69: {  	[tilespmem:s7+$0xFFFFFFF0] =	vst v6;
	v3 =	vld [tilespmem:s7+$0x60];
	v5 =	vmul.f32 $1.131370830e+01, v4  }
0x6a: {  	s8 =	simm.s32 $0x0;
	s9 =	simm.s32 $0xA580;
	v6 =	vmul.f32 $1.131370830e+01, v8;
	v4 =	vld [tilespmem:s7+$0xFFFFFF80];
	[tilespmem:s7+$0x0] =	vst v7  }
.LBB2_4:
0x6b: {  	v7 =	vld [tilespmem:s9+$0x70];
	s8 =	sadd.s32 $0x2, s8;
	[tilespmem:s7+$0x10] =	vst v5;
	v0 =	vmul.f32 $1.131370830e+01, v0  }
0x6c: {  	v5 =	vld [tilespmem:s9+$0xFFFFFF90];
	p0 =	slt.u32 s8, $0x7E;
	[tilespmem:s7+$0x20] =	vst v6;
	v1 =	vmul.f32 $1.131370830e+01, v1  }
0x6d: {  	v6 =	vld [tilespmem:s9+$0xFFFFFFA0];
	[tilespmem:s7+$0x30] =	vst v0;
	v0 =	vmul.f32 $1.131370830e+01, v2  }
0x6e: {  	v2 =	vld [tilespmem:s9+$0xFFFFFFB0];
	[tilespmem:s7+$0x40] =	vst v1;
	v1 =	vmul.f32 $1.131370830e+01, v3  }
0x6f: {  	v3 =	vld [tilespmem:s9+$0xFFFFFFC0];
	v4 =	vmul.f32 $1.131370830e+01, v4;
	[tilespmem:s7+$0x50] =	vst v0  }
0x70: {  	v0 =	vld [tilespmem:s9+$0xFFFFFFD0];
	v7 =	vmul.f32 $1.131370830e+01, v7;
	[tilespmem:s7+$0x60] =	vst v1  }
0x71: {  	v1 =	vmul.f32 $1.131370830e+01, v5;
	v5 =	vld [tilespmem:s9+$0xFFFFFFE0];
	[tilespmem:s7+$0xFFFFFF80] =	vst v4;
	s7 =	smov.u32 s9  }
0x72: {  	v4 =	vmul.f32 $1.131370830e+01, v6;
	v6 =	vld [tilespmem:s9+$0xFFFFFFF0];
	[tilespmem:s9+$0x70] =	vst v7  }
0x73: {  	[tilespmem:s9+$0xFFFFFF90] =	vst v1;
	v1 =	vmul.f32 $1.131370830e+01, v2;
	v2 =	vld [tilespmem:s9+$0x0]  }
0x74: {  	[tilespmem:s9+$0xFFFFFFA0] =	vst v4;
	v3 =	vmul.f32 $1.131370830e+01, v3;
	v4 =	vld [tilespmem:s9+$0x10]  }
0x75: {  	[tilespmem:s9+$0xFFFFFFB0] =	vst v1;
	v1 =	vmul.f32 $1.131370830e+01, v0;
	v7 =	vld [tilespmem:s9+$0x20]  }
.Ltmp1:
0x76: {  	[tilespmem:s9+$0xFFFFFFC0] =	vst v3;
	v3 =	vmul.f32 $1.131370830e+01, v5;
	v0 =	vld [tilespmem:s9+$0x30];
	(pc) =	sbr.rel @p0 .LBB2_4-.Ltmp1, $4  }
0x77: {  	[tilespmem:s9+$0xFFFFFFD0] =	vst v1;
	v5 =	vmul.f32 $1.131370830e+01, v6;
	v1 =	vld [tilespmem:s9+$0x40]  }
0x78: {  	[tilespmem:s9+$0xFFFFFFE0] =	vst v3;
	v6 =	vmul.f32 $1.131370830e+01, v2;
	v2 =	vld [tilespmem:s9+$0x50]  }
0x79: {  	[tilespmem:s9+$0xFFFFFFF0] =	vst v5;
	v5 =	vmul.f32 $1.131370830e+01, v4;
	v3 =	vld [tilespmem:s9+$0x60]  }
0x7a: {  	s9 =	sadd.s32 $0x100, s9;
	v4 =	vld [tilespmem:s7+$0xFFFFFF80];
	[tilespmem:s7+$0x0] =	vst v6;
	v6 =	vmul.f32 $1.131370830e+01, v7  }
0x7b: {  	[tilespmem:s7+$0x10] =	vst v5;
	v0 =	vmul.f32 $1.131370830e+01, v0  }
0x7c: {  	[tilespmem:s7+$0x20] =	vst v6;
	v1 =	vmul.f32 $1.131370830e+01, v1  }
0x7d: {  	[tilespmem:s7+$0x30] =	vst v0;
	v0 =	vmul.f32 $1.131370830e+01, v2  }
0x7e: {  	[tilespmem:s7+$0x40] =	vst v1;
	v1 =	vmul.f32 $1.131370830e+01, v3  }
0x7f: {  	v2 =	vmul.f32 $1.131370830e+01, v4;
	[tilespmem:s7+$0x50] =	vst v0  }
0x80: {  	[tilespmem:s7+$0x60] =	vst v1  }
0x81: {  	[tilespmem:s7+$0xFFFFFF80] =	vst v2  }
0x82: {  	s6 =	rddreg [dreg:$0x6]  }
0x83: {  	[hbm4b:s6+s4] =	stream.linear.scatter [tilespmem:s17], [sflag:$0x6], $0x4000, $0x38;
	[tilespmem:$0x16400] =	vst v63  }
0x84: {  	_ =	swait.ge [sflag:s31], $0x2000  }
0x85: {  	[sflag:s31] =	ssyncset.done $0x0  }
0x86: {  	[sflag:s31] =	ssyncadd.s32 $0xFFFFE000  }
0x87: {  	_ =	swait.ge [sflag:s31], $0x2000  }
0x88: {  	[sflag:s31] =	ssyncset.done $0x0  }
0x89: {  	s7 =	simm.s32 $0xE480;
	[sflag:s31] =	ssyncadd.s32 $0xFFFFE000  }
0x8a: {  	v0 =	vld [tilespmem:s7+$0x70]  }
0x8b: {  	v1 =	vld [tilespmem:s7+$0xFFFFFF90]  }
0x8c: {  	v2 =	vld [tilespmem:s7+$0xFFFFFFA0]  }
0x8d: {  	v3 =	vld [tilespmem:s7+$0xFFFFFFB0]  }
0x8e: {  	v4 =	vld [tilespmem:s7+$0xFFFFFFC0]  }
0x8f: {  	v5 =	vld [tilespmem:s7+$0xFFFFFFD0];
	v0 =	vmul.f32 $1.131370830e+01, v0  }
0x90: {  	v6 =	vld [tilespmem:s7+$0xFFFFFFE0];
	v1 =	vmul.f32 $1.131370830e+01, v1  }
0x91: {  	v7 =	vld [tilespmem:s7+$0xFFFFFFF0];
	v2 =	vmul.f32 $1.131370830e+01, v2;
	[tilespmem:s7+$0x70] =	vst v0  }
0x92: {  	[tilespmem:s7+$0xFFFFFF90] =	vst v1;
	v0 =	vmul.f32 $1.131370830e+01, v3;
	v3 =	vld [tilespmem:s7+$0x0]  }
0x93: {  	[tilespmem:s7+$0xFFFFFFA0] =	vst v2;
	v1 =	vmul.f32 $1.131370830e+01, v4;
	v4 =	vld [tilespmem:s7+$0x10]  }
0x94: {  	v8 =	vld [tilespmem:s7+$0x20];
	v2 =	vmul.f32 $1.131370830e+01, v5;
	[tilespmem:s7+$0xFFFFFFB0] =	vst v0  }
0x95: {  	v5 =	vmul.f32 $1.131370830e+01, v6;
	[tilespmem:s7+$0xFFFFFFC0] =	vst v1;
	v0 =	vld [tilespmem:s7+$0x30]  }
0x96: {  	v6 =	vmul.f32 $1.131370830e+01, v7;
	[tilespmem:s7+$0xFFFFFFD0] =	vst v2;
	v1 =	vld [tilespmem:s7+$0x40]  }
0x97: {  	[tilespmem:s7+$0xFFFFFFE0] =	vst v5;
	v2 =	vld [tilespmem:s7+$0x50];
	v7 =	vmul.f32 $1.131370830e+01, v3  }
0x98: {  	[tilespmem:s7+$0xFFFFFFF0] =	vst v6;
	v3 =	vld [tilespmem:s7+$0x60];
	v5 =	vmul.f32 $1.131370830e+01, v4  }
0x99: {  	s8 =	simm.s32 $0x0;
	s9 =	simm.s32 $0xE580;
	v6 =	vmul.f32 $1.131370830e+01, v8;
	v4 =	vld [tilespmem:s7+$0xFFFFFF80];
	[tilespmem:s7+$0x0] =	vst v7  }
.LBB2_6:
0x9a: {  	v7 =	vld [tilespmem:s9+$0x70];
	s8 =	sadd.s32 $0x2, s8;
	[tilespmem:s7+$0x10] =	vst v5;
	v0 =	vmul.f32 $1.131370830e+01, v0  }
0x9b: {  	v5 =	vld [tilespmem:s9+$0xFFFFFF90];
	p0 =	slt.u32 s8, $0x7E;
	[tilespmem:s7+$0x20] =	vst v6;
	v1 =	vmul.f32 $1.131370830e+01, v1  }
0x9c: {  	v6 =	vld [tilespmem:s9+$0xFFFFFFA0];
	[tilespmem:s7+$0x30] =	vst v0;
	v0 =	vmul.f32 $1.131370830e+01, v2  }
0x9d: {  	v2 =	vld [tilespmem:s9+$0xFFFFFFB0];
	[tilespmem:s7+$0x40] =	vst v1;
	v1 =	vmul.f32 $1.131370830e+01, v3  }
0x9e: {  	v3 =	vld [tilespmem:s9+$0xFFFFFFC0];
	v4 =	vmul.f32 $1.131370830e+01, v4;
	[tilespmem:s7+$0x50] =	vst v0  }
0x9f: {  	v0 =	vld [tilespmem:s9+$0xFFFFFFD0];
	v7 =	vmul.f32 $1.131370830e+01, v7;
	[tilespmem:s7+$0x60] =	vst v1  }
0xa0: {  	v1 =	vmul.f32 $1.131370830e+01, v5;
	v5 =	vld [tilespmem:s9+$0xFFFFFFE0];
	[tilespmem:s7+$0xFFFFFF80] =	vst v4;
	s7 =	smov.u32 s9  }
0xa1: {  	v4 =	vmul.f32 $1.131370830e+01, v6;
	v6 =	vld [tilespmem:s9+$0xFFFFFFF0];
	[tilespmem:s9+$0x70] =	vst v7  }
0xa2: {  	[tilespmem:s9+$0xFFFFFF90] =	vst v1;
	v1 =	vmul.f32 $1.131370830e+01, v2;
	v2 =	vld [tilespmem:s9+$0x0]  }
0xa3: {  	[tilespmem:s9+$0xFFFFFFA0] =	vst v4;
	v3 =	vmul.f32 $1.131370830e+01, v3;
	v4 =	vld [tilespmem:s9+$0x10]  }
0xa4: {  	[tilespmem:s9+$0xFFFFFFB0] =	vst v1;
	v1 =	vmul.f32 $1.131370830e+01, v0;
	v7 =	vld [tilespmem:s9+$0x20]  }
.Ltmp2:
0xa5: {  	[tilespmem:s9+$0xFFFFFFC0] =	vst v3;
	v3 =	vmul.f32 $1.131370830e+01, v5;
	v0 =	vld [tilespmem:s9+$0x30];
	(pc) =	sbr.rel @p0 .LBB2_6-.Ltmp2, $4  }
0xa6: {  	[tilespmem:s9+$0xFFFFFFD0] =	vst v1;
	v5 =	vmul.f32 $1.131370830e+01, v6;
	v1 =	vld [tilespmem:s9+$0x40]  }
0xa7: {  	[tilespmem:s9+$0xFFFFFFE0] =	vst v3;
	v6 =	vmul.f32 $1.131370830e+01, v2;
	v2 =	vld [tilespmem:s9+$0x50]  }
0xa8: {  	[tilespmem:s9+$0xFFFFFFF0] =	vst v5;
	v5 =	vmul.f32 $1.131370830e+01, v4;
	v3 =	vld [tilespmem:s9+$0x60]  }
0xa9: {  	s9 =	sadd.s32 $0x100, s9;
	v4 =	vld [tilespmem:s7+$0xFFFFFF80];
	[tilespmem:s7+$0x0] =	vst v6;
	v6 =	vmul.f32 $1.131370830e+01, v7  }
0xaa: {  	[tilespmem:s7+$0x10] =	vst v5;
	v0 =	vmul.f32 $1.131370830e+01, v0  }
0xab: {  	[tilespmem:s7+$0x20] =	vst v6;
	v1 =	vmul.f32 $1.131370830e+01, v1  }
0xac: {  	[tilespmem:s7+$0x30] =	vst v0;
	v0 =	vmul.f32 $1.131370830e+01, v2  }
0xad: {  	[tilespmem:s7+$0x40] =	vst v1;
	v1 =	vmul.f32 $1.131370830e+01, v3  }
0xae: {  	v2 =	vmul.f32 $1.131370830e+01, v4;
	[tilespmem:s7+$0x50] =	vst v0  }
0xaf: {  	[tilespmem:s7+$0x60] =	vst v1  }
0xb0: {  	[tilespmem:s7+$0xFFFFFF80] =	vst v2  }
0xb1: {  	s6 =	rddreg [dreg:$0x7]  }
0xb2: {  	[hbm4b:s6+s4] =	stream.linear.scatter [tilespmem:s21], [sflag:$0x7], $0x4000, $0x38;
	[tilespmem:$0x16400] =	vst v63  }
0xb3: {  	_ =	swait.ge [sflag:s2], $0x2000  }
0xb4: {  	[sflag:s2] =	ssyncset.done $0x0  }
0xb5: {  	[sflag:s2] =	ssyncadd.s32 $0xFFFFE000  }
0xb6: {  	_ =	swait.ge [sflag:s2], $0x2000  }
0xb7: {  	[sflag:s2] =	ssyncset.done $0x0  }
0xb8: {  	s7 =	simm.s32 $0x12480;
	[sflag:s2] =	ssyncadd.s32 $0xFFFFE000  }
0xb9: {  	v0 =	vld [tilespmem:s7+$0x70]  }
0xba: {  	v1 =	vld [tilespmem:s7+$0xFFFFFF90]  }
0xbb: {  	v2 =	vld [tilespmem:s7+$0xFFFFFFA0]  }
0xbc: {  	v3 =	vld [tilespmem:s7+$0xFFFFFFB0]  }
0xbd: {  	v4 =	vld [tilespmem:s7+$0xFFFFFFC0]  }
0xbe: {  	v5 =	vld [tilespmem:s7+$0xFFFFFFD0];
	v0 =	vmul.f32 $1.131370830e+01, v0  }
0xbf: {  	v6 =	vld [tilespmem:s7+$0xFFFFFFE0];
	v1 =	vmul.f32 $1.131370830e+01, v1  }
0xc0: {  	v7 =	vld [tilespmem:s7+$0xFFFFFFF0];
	v2 =	vmul.f32 $1.131370830e+01, v2;
	[tilespmem:s7+$0x70] =	vst v0  }
0xc1: {  	[tilespmem:s7+$0xFFFFFF90] =	vst v1;
	v0 =	vmul.f32 $1.131370830e+01, v3;
	v3 =	vld [tilespmem:s7+$0x0]  }
0xc2: {  	[tilespmem:s7+$0xFFFFFFA0] =	vst v2;
	v1 =	vmul.f32 $1.131370830e+01, v4;
	v4 =	vld [tilespmem:s7+$0x10]  }
0xc3: {  	v8 =	vld [tilespmem:s7+$0x20];
	v2 =	vmul.f32 $1.131370830e+01, v5;
	[tilespmem:s7+$0xFFFFFFB0] =	vst v0  }
0xc4: {  	v5 =	vmul.f32 $1.131370830e+01, v6;
	[tilespmem:s7+$0xFFFFFFC0] =	vst v1;
	v0 =	vld [tilespmem:s7+$0x30]  }
0xc5: {  	v6 =	vmul.f32 $1.131370830e+01, v7;
	[tilespmem:s7+$0xFFFFFFD0] =	vst v2;
	v1 =	vld [tilespmem:s7+$0x40]  }
0xc6: {  	[tilespmem:s7+$0xFFFFFFE0] =	vst v5;
	v2 =	vld [tilespmem:s7+$0x50];
	v7 =	vmul.f32 $1.131370830e+01, v3  }
0xc7: {  	[tilespmem:s7+$0xFFFFFFF0] =	vst v6;
	v3 =	vld [tilespmem:s7+$0x60];
	v5 =	vmul.f32 $1.131370830e+01, v4  }
0xc8: {  	s8 =	simm.s32 $0x0;
	s9 =	simm.s32 $0x12580;
	v6 =	vmul.f32 $1.131370830e+01, v8;
	v4 =	vld [tilespmem:s7+$0xFFFFFF80];
	[tilespmem:s7+$0x0] =	vst v7  }
.LBB2_8:
0xc9: {  	v7 =	vld [tilespmem:s9+$0x70];
	s8 =	sadd.s32 $0x2, s8;
	[tilespmem:s7+$0x10] =	vst v5;
	v0 =	vmul.f32 $1.131370830e+01, v0  }
0xca: {  	v5 =	vld [tilespmem:s9+$0xFFFFFF90];
	p0 =	slt.u32 s8, $0x7E;
	[tilespmem:s7+$0x20] =	vst v6;
	v1 =	vmul.f32 $1.131370830e+01, v1  }
0xcb: {  	v6 =	vld [tilespmem:s9+$0xFFFFFFA0];
	[tilespmem:s7+$0x30] =	vst v0;
	v0 =	vmul.f32 $1.131370830e+01, v2  }
0xcc: {  	v2 =	vld [tilespmem:s9+$0xFFFFFFB0];
	[tilespmem:s7+$0x40] =	vst v1;
	v1 =	vmul.f32 $1.131370830e+01, v3  }
0xcd: {  	v3 =	vld [tilespmem:s9+$0xFFFFFFC0];
	v4 =	vmul.f32 $1.131370830e+01, v4;
	[tilespmem:s7+$0x50] =	vst v0  }
0xce: {  	v0 =	vld [tilespmem:s9+$0xFFFFFFD0];
	v7 =	vmul.f32 $1.131370830e+01, v7;
	[tilespmem:s7+$0x60] =	vst v1  }
0xcf: {  	v1 =	vmul.f32 $1.131370830e+01, v5;
	v5 =	vld [tilespmem:s9+$0xFFFFFFE0];
	[tilespmem:s7+$0xFFFFFF80] =	vst v4;
	s7 =	smov.u32 s9  }
0xd0: {  	v4 =	vmul.f32 $1.131370830e+01, v6;
	v6 =	vld [tilespmem:s9+$0xFFFFFFF0];
	[tilespmem:s9+$0x70] =	vst v7  }
0xd1: {  	[tilespmem:s9+$0xFFFFFF90] =	vst v1;
	v1 =	vmul.f32 $1.131370830e+01, v2;
	v2 =	vld [tilespmem:s9+$0x0]  }
0xd2: {  	[tilespmem:s9+$0xFFFFFFA0] =	vst v4;
	v3 =	vmul.f32 $1.131370830e+01, v3;
	v4 =	vld [tilespmem:s9+$0x10]  }
0xd3: {  	[tilespmem:s9+$0xFFFFFFB0] =	vst v1;
	v1 =	vmul.f32 $1.131370830e+01, v0;
	v7 =	vld [tilespmem:s9+$0x20]  }
.Ltmp3:
0xd4: {  	[tilespmem:s9+$0xFFFFFFC0] =	vst v3;
	v3 =	vmul.f32 $1.131370830e+01, v5;
	v0 =	vld [tilespmem:s9+$0x30];
	(pc) =	sbr.rel @p0 .LBB2_8-.Ltmp3, $4  }
0xd5: {  	[tilespmem:s9+$0xFFFFFFD0] =	vst v1;
	v5 =	vmul.f32 $1.131370830e+01, v6;
	v1 =	vld [tilespmem:s9+$0x40]  }
0xd6: {  	[tilespmem:s9+$0xFFFFFFE0] =	vst v3;
	v6 =	vmul.f32 $1.131370830e+01, v2;
	v2 =	vld [tilespmem:s9+$0x50]  }
0xd7: {  	[tilespmem:s9+$0xFFFFFFF0] =	vst v5;
	v5 =	vmul.f32 $1.131370830e+01, v4;
	v3 =	vld [tilespmem:s9+$0x60]  }
0xd8: {  	s9 =	sadd.s32 $0x100, s9;
	v4 =	vld [tilespmem:s7+$0xFFFFFF80];
	[tilespmem:s7+$0x0] =	vst v6;
	v6 =	vmul.f32 $1.131370830e+01, v7  }
0xd9: {  	[tilespmem:s7+$0x10] =	vst v5;
	v0 =	vmul.f32 $1.131370830e+01, v0  }
0xda: {  	[tilespmem:s7+$0x20] =	vst v6;
	v1 =	vmul.f32 $1.131370830e+01, v1  }
0xdb: {  	[tilespmem:s7+$0x30] =	vst v0;
	v61 =	vmul.f32 $1.131370830e+01, v2  }
0xdc: {  	[tilespmem:s7+$0x40] =	vst v1;
	v62 =	vmul.f32 $1.131370830e+01, v3  }
0xdd: {  	v63 =	vmul.f32 $1.131370830e+01, v4;
	[tilespmem:s7+$0x50] =	vst v61  }
0xde: {  	[tilespmem:s7+$0x60] =	vst v62  }
0xdf: {  	[tilespmem:s7+$0xFFFFFF80] =	vst v63  }
0xe0: {  	s24 =	simm.s32 $0x1;
	s6 =	rddreg [dreg:$0x8]  }
0xe1: {  	[hbm4b:s6+s4] =	stream.linear.scatter [tilespmem:s25], [sflag:$0x8], $0x4000, $0x38;
	[tilespmem:$0x16400] =	vst v63  }
.LBB2_10:
0xe2: {  	_ =	swait.ge [sflag:s0], $0x4000  }
0xe3: {  	s6 =	sshll.u32 s24, $0x9;
	[sflag:s0] =	ssyncset.done $0x0  }
0xe4: {  	s6 =	sand.u32 $0x3FFFFE00, s6;
	[sflag:s0] =	ssyncadd.s32 $0xFFFFC000  }
0xe5: {  	[tilespmem:s14], [sflag:$0x1] =	stream.indirect.gather [hbm4b:s1+s13], $0x80, s6, s13, $0xb8;
	[tilespmem:$0x16400] =	vst v63  }
0xe6: {  	s9 =	sshll.u32 s24, $0x2;
	s6 =	sor.u32 $0x40, s6  }
0xe7: {  	[tilespmem:s15], [sflag:$0x1] =	stream.indirect.gather [hbm4b:s1+s13], $0x80, s6, s13, $0xb8;
	[tilespmem:$0x16400] =	vst v63  }
0xe8: {  	s8 =	sor.u32 $0x1, s9;
	_ =	swait.ge [sflag:s16], $0x4000  }
0xe9: {  	s7 =	sshll.u32 s8, $0x7;
	[sflag:s16] =	ssyncset.done $0x0  }
0xea: {  	s6 =	sand.u32 $0x3FFFFE80, s7;
	[sflag:s16] =	ssyncadd.s32 $0xFFFFC000  }
0xeb: {  	[tilespmem:s17], [sflag:$0x2] =	stream.indirect.gather [hbm4b:s1+s13], $0x80, s6, s13, $0xb8;
	[tilespmem:$0x16400] =	vst v63  }
0xec: {  	s6 =	sor.u32 $0x40, s6  }
0xed: {  	[tilespmem:s19], [sflag:$0x2] =	stream.indirect.gather [hbm4b:s1+s13], $0x80, s6, s13, $0xb8;
	[tilespmem:$0x16400] =	vst v63  }
0xee: {  	s7 =	sor.u32 $0x2, s9;
	_ =	swait.ge [sflag:s18], $0x4000  }
0xef: {  	s10 =	sshll.u32 s7, $0x7;
	[sflag:s18] =	ssyncset.done $0x0  }
0xf0: {  	s6 =	sand.u32 $0x3FFFFF00, s10;
	[sflag:s18] =	ssyncadd.s32 $0xFFFFC000  }
0xf1: {  	[tilespmem:s21], [sflag:$0x3] =	stream.indirect.gather [hbm4b:s1+s13], $0x80, s6, s13, $0xb8;
	[tilespmem:$0x16400] =	vst v63  }
0xf2: {  	s6 =	sor.u32 $0x40, s6  }
0xf3: {  	[tilespmem:s23], [sflag:$0x3] =	stream.indirect.gather [hbm4b:s1+s13], $0x80, s6, s13, $0xb8;
	[tilespmem:$0x16400] =	vst v63  }
0xf4: {  	s26 =	sshllo.u32 s24, $0x2;
	_ =	swait.ge [sflag:s20], $0x4000  }
0xf5: {  	s11 =	sshll.u32 s26, $0x7;
	[sflag:s20] =	ssyncset.done $0x0  }
0xf6: {  	s6 =	sand.u32 $0x3FFFFF80, s11;
	[sflag:s20] =	ssyncadd.s32 $0xFFFFC000  }
0xf7: {  	[tilespmem:s25], [sflag:$0x4] =	stream.indirect.gather [hbm4b:s1+s13], $0x80, s6, s13, $0xb8;
	[tilespmem:$0x16400] =	vst v63  }
0xf8: {  	s6 =	sor.u32 $0x40, s6  }
0xf9: {  	[tilespmem:s28], [sflag:$0x4] =	stream.indirect.gather [hbm4b:s1+s13], $0x80, s6, s13, $0xb8;
	[tilespmem:$0x16400] =	vst v63  }
0xfa: {  	_ =	swait.ge [sflag:s29], $0x2000  }
0xfb: {  	[sflag:s29] =	ssyncset.done $0x0  }
0xfc: {  	[sflag:s29] =	ssyncadd.s32 $0xFFFFE000  }
0xfd: {  	_ =	swait.ge [sflag:s29], $0x2000  }
0xfe: {  	[sflag:s29] =	ssyncset.done $0x0  }
0xff: {  	s10 =	simm.s32 $0x6480;
	[sflag:s29] =	ssyncadd.s32 $0xFFFFE000  }
0x100: {  	v0 =	vld [tilespmem:s10+$0x70]  }
0x101: {  	v1 =	vld [tilespmem:s10+$0xFFFFFF90]  }
0x102: {  	v2 =	vld [tilespmem:s10+$0xFFFFFFA0]  }
0x103: {  	v3 =	vld [tilespmem:s10+$0xFFFFFFB0]  }
0x104: {  	v4 =	vld [tilespmem:s10+$0xFFFFFFC0]  }
0x105: {  	v5 =	vld [tilespmem:s10+$0xFFFFFFD0];
	v0 =	vmul.f32 $1.131370830e+01, v0  }
0x106: {  	v6 =	vld [tilespmem:s10+$0xFFFFFFE0];
	v1 =	vmul.f32 $1.131370830e+01, v1  }
0x107: {  	v7 =	vld [tilespmem:s10+$0xFFFFFFF0];
	v2 =	vmul.f32 $1.131370830e+01, v2;
	[tilespmem:s10+$0x70] =	vst v0  }
0x108: {  	[tilespmem:s10+$0xFFFFFF90] =	vst v1;
	v0 =	vmul.f32 $1.131370830e+01, v3;
	v3 =	vld [tilespmem:s10+$0x0]  }
0x109: {  	[tilespmem:s10+$0xFFFFFFA0] =	vst v2;
	v1 =	vmul.f32 $1.131370830e+01, v4;
	v4 =	vld [tilespmem:s10+$0x10]  }
0x10a: {  	v8 =	vld [tilespmem:s10+$0x20];
	v2 =	vmul.f32 $1.131370830e+01, v5;
	[tilespmem:s10+$0xFFFFFFB0] =	vst v0  }
0x10b: {  	v5 =	vmul.f32 $1.131370830e+01, v6;
	[tilespmem:s10+$0xFFFFFFC0] =	vst v1;
	v0 =	vld [tilespmem:s10+$0x30]  }
0x10c: {  	v6 =	vmul.f32 $1.131370830e+01, v7;
	[tilespmem:s10+$0xFFFFFFD0] =	vst v2;
	v1 =	vld [tilespmem:s10+$0x40]  }
0x10d: {  	[tilespmem:s10+$0xFFFFFFE0] =	vst v5;
	v2 =	vld [tilespmem:s10+$0x50];
	v7 =	vmul.f32 $1.131370830e+01, v3  }
0x10e: {  	[tilespmem:s10+$0xFFFFFFF0] =	vst v6;
	v3 =	vld [tilespmem:s10+$0x60];
	v5 =	vmul.f32 $1.131370830e+01, v4  }
0x10f: {  	s11 =	simm.s32 $0x0;
	s6 =	simm.s32 $0x6580;
	v6 =	vmul.f32 $1.131370830e+01, v8;
	v4 =	vld [tilespmem:s10+$0xFFFFFF80];
	[tilespmem:s10+$0x0] =	vst v7  }
.LBB2_11:
0x110: {  	v7 =	vld [tilespmem:s6+$0x70];
	s11 =	sadd.s32 $0x2, s11;
	[tilespmem:s10+$0x10] =	vst v5;
	v0 =	vmul.f32 $1.131370830e+01, v0  }
0x111: {  	v5 =	vld [tilespmem:s6+$0xFFFFFF90];
	p0 =	slt.u32 s11, $0x7E;
	[tilespmem:s10+$0x20] =	vst v6;
	v1 =	vmul.f32 $1.131370830e+01, v1  }
0x112: {  	v6 =	vld [tilespmem:s6+$0xFFFFFFA0];
	[tilespmem:s10+$0x30] =	vst v0;
	v0 =	vmul.f32 $1.131370830e+01, v2  }
0x113: {  	v2 =	vld [tilespmem:s6+$0xFFFFFFB0];
	[tilespmem:s10+$0x40] =	vst v1;
	v1 =	vmul.f32 $1.131370830e+01, v3  }
0x114: {  	v3 =	vld [tilespmem:s6+$0xFFFFFFC0];
	v4 =	vmul.f32 $1.131370830e+01, v4;
	[tilespmem:s10+$0x50] =	vst v0  }
0x115: {  	v0 =	vld [tilespmem:s6+$0xFFFFFFD0];
	v7 =	vmul.f32 $1.131370830e+01, v7;
	[tilespmem:s10+$0x60] =	vst v1  }
0x116: {  	v1 =	vmul.f32 $1.131370830e+01, v5;
	v5 =	vld [tilespmem:s6+$0xFFFFFFE0];
	[tilespmem:s10+$0xFFFFFF80] =	vst v4;
	s10 =	smov.u32 s6  }
0x117: {  	v4 =	vmul.f32 $1.131370830e+01, v6;
	v6 =	vld [tilespmem:s6+$0xFFFFFFF0];
	[tilespmem:s6+$0x70] =	vst v7  }
0x118: {  	[tilespmem:s6+$0xFFFFFF90] =	vst v1;
	v1 =	vmul.f32 $1.131370830e+01, v2;
	v2 =	vld [tilespmem:s6+$0x0]  }
0x119: {  	[tilespmem:s6+$0xFFFFFFA0] =	vst v4;
	v3 =	vmul.f32 $1.131370830e+01, v3;
	v4 =	vld [tilespmem:s6+$0x10]  }
0x11a: {  	[tilespmem:s6+$0xFFFFFFB0] =	vst v1;
	v1 =	vmul.f32 $1.131370830e+01, v0;
	v7 =	vld [tilespmem:s6+$0x20]  }
.Ltmp4:
0x11b: {  	[tilespmem:s6+$0xFFFFFFC0] =	vst v3;
	v3 =	vmul.f32 $1.131370830e+01, v5;
	v0 =	vld [tilespmem:s6+$0x30];
	(pc) =	sbr.rel @p0 .LBB2_11-.Ltmp4, $4  }
0x11c: {  	[tilespmem:s6+$0xFFFFFFD0] =	vst v1;
	v5 =	vmul.f32 $1.131370830e+01, v6;
	v1 =	vld [tilespmem:s6+$0x40]  }
0x11d: {  	[tilespmem:s6+$0xFFFFFFE0] =	vst v3;
	v6 =	vmul.f32 $1.131370830e+01, v2;
	v2 =	vld [tilespmem:s6+$0x50]  }
0x11e: {  	[tilespmem:s6+$0xFFFFFFF0] =	vst v5;
	v5 =	vmul.f32 $1.131370830e+01, v4;
	v3 =	vld [tilespmem:s6+$0x60]  }
0x11f: {  	s6 =	sadd.s32 $0x100, s6;
	v4 =	vld [tilespmem:s10+$0xFFFFFF80];
	[tilespmem:s10+$0x0] =	vst v6;
	v6 =	vmul.f32 $1.131370830e+01, v7  }
0x120: {  	[tilespmem:s10+$0x10] =	vst v5;
	v0 =	vmul.f32 $1.131370830e+01, v0  }
0x121: {  	[tilespmem:s10+$0x20] =	vst v6;
	v1 =	vmul.f32 $1.131370830e+01, v1  }
0x122: {  	[tilespmem:s10+$0x30] =	vst v0;
	v0 =	vmul.f32 $1.131370830e+01, v2  }
0x123: {  	s6 =	sadd.s32 s5, s9;
	[tilespmem:s10+$0x40] =	vst v1;
	v1 =	vmul.f32 $1.131370830e+01, v3  }
0x124: {  	s6 =	sshll.u32 s6, $0xB;
	v2 =	vmul.f32 $1.131370830e+01, v4;
	[tilespmem:s10+$0x50] =	vst v0  }
0x125: {  	s6 =	sand.u32 $0x1FFFE000, s6;
	[tilespmem:s10+$0x60] =	vst v1  }
0x126: {  	s6 =	sadd.s32 s3, s6;
	[tilespmem:s10+$0xFFFFFF80] =	vst v2  }
0x127: {  	[hbm4b:s6+s4] =	stream.linear.scatter [tilespmem:s14], [sflag:$0x5], $0x4000, $0x38;
	[tilespmem:$0x16400] =	vst v63  }
0x128: {  	_ =	swait.ge [sflag:s30], $0x2000  }
0x129: {  	[sflag:s30] =	ssyncset.done $0x0  }
0x12a: {  	[sflag:s30] =	ssyncadd.s32 $0xFFFFE000  }
0x12b: {  	_ =	swait.ge [sflag:s30], $0x2000  }
0x12c: {  	[sflag:s30] =	ssyncset.done $0x0  }
0x12d: {  	s9 =	simm.s32 $0xA480;
	[sflag:s30] =	ssyncadd.s32 $0xFFFFE000  }
0x12e: {  	v0 =	vld [tilespmem:s9+$0x70]  }
0x12f: {  	v1 =	vld [tilespmem:s9+$0xFFFFFF90]  }
0x130: {  	v2 =	vld [tilespmem:s9+$0xFFFFFFA0]  }
0x131: {  	v3 =	vld [tilespmem:s9+$0xFFFFFFB0]  }
0x132: {  	v4 =	vld [tilespmem:s9+$0xFFFFFFC0]  }
0x133: {  	v5 =	vld [tilespmem:s9+$0xFFFFFFD0];
	v0 =	vmul.f32 $1.131370830e+01, v0  }
0x134: {  	v6 =	vld [tilespmem:s9+$0xFFFFFFE0];
	v1 =	vmul.f32 $1.131370830e+01, v1  }
0x135: {  	v7 =	vld [tilespmem:s9+$0xFFFFFFF0];
	v2 =	vmul.f32 $1.131370830e+01, v2;
	[tilespmem:s9+$0x70] =	vst v0  }
0x136: {  	[tilespmem:s9+$0xFFFFFF90] =	vst v1;
	v0 =	vmul.f32 $1.131370830e+01, v3;
	v3 =	vld [tilespmem:s9+$0x0]  }
0x137: {  	[tilespmem:s9+$0xFFFFFFA0] =	vst v2;
	v1 =	vmul.f32 $1.131370830e+01, v4;
	v4 =	vld [tilespmem:s9+$0x10]  }
0x138: {  	v8 =	vld [tilespmem:s9+$0x20];
	v2 =	vmul.f32 $1.131370830e+01, v5;
	[tilespmem:s9+$0xFFFFFFB0] =	vst v0  }
0x139: {  	v5 =	vmul.f32 $1.131370830e+01, v6;
	[tilespmem:s9+$0xFFFFFFC0] =	vst v1;
	v0 =	vld [tilespmem:s9+$0x30]  }
0x13a: {  	v6 =	vmul.f32 $1.131370830e+01, v7;
	[tilespmem:s9+$0xFFFFFFD0] =	vst v2;
	v1 =	vld [tilespmem:s9+$0x40]  }
0x13b: {  	[tilespmem:s9+$0xFFFFFFE0] =	vst v5;
	v2 =	vld [tilespmem:s9+$0x50];
	v7 =	vmul.f32 $1.131370830e+01, v3  }
0x13c: {  	[tilespmem:s9+$0xFFFFFFF0] =	vst v6;
	v3 =	vld [tilespmem:s9+$0x60];
	v5 =	vmul.f32 $1.131370830e+01, v4  }
0x13d: {  	s10 =	simm.s32 $0x0;
	s6 =	simm.s32 $0xA580;
	v6 =	vmul.f32 $1.131370830e+01, v8;
	v4 =	vld [tilespmem:s9+$0xFFFFFF80];
	[tilespmem:s9+$0x0] =	vst v7  }
.LBB2_13:
0x13e: {  	v7 =	vld [tilespmem:s6+$0x70];
	s10 =	sadd.s32 $0x2, s10;
	[tilespmem:s9+$0x10] =	vst v5;
	v0 =	vmul.f32 $1.131370830e+01, v0  }
0x13f: {  	v5 =	vld [tilespmem:s6+$0xFFFFFF90];
	p0 =	slt.u32 s10, $0x7E;
	[tilespmem:s9+$0x20] =	vst v6;
	v1 =	vmul.f32 $1.131370830e+01, v1  }
0x140: {  	v6 =	vld [tilespmem:s6+$0xFFFFFFA0];
	[tilespmem:s9+$0x30] =	vst v0;
	v0 =	vmul.f32 $1.131370830e+01, v2  }
0x141: {  	v2 =	vld [tilespmem:s6+$0xFFFFFFB0];
	[tilespmem:s9+$0x40] =	vst v1;
	v1 =	vmul.f32 $1.131370830e+01, v3  }
0x142: {  	v3 =	vld [tilespmem:s6+$0xFFFFFFC0];
	v4 =	vmul.f32 $1.131370830e+01, v4;
	[tilespmem:s9+$0x50] =	vst v0  }
0x143: {  	v0 =	vld [tilespmem:s6+$0xFFFFFFD0];
	v7 =	vmul.f32 $1.131370830e+01, v7;
	[tilespmem:s9+$0x60] =	vst v1  }
0x144: {  	v1 =	vmul.f32 $1.131370830e+01, v5;
	v5 =	vld [tilespmem:s6+$0xFFFFFFE0];
	[tilespmem:s9+$0xFFFFFF80] =	vst v4;
	s9 =	smov.u32 s6  }
0x145: {  	v4 =	vmul.f32 $1.131370830e+01, v6;
	v6 =	vld [tilespmem:s6+$0xFFFFFFF0];
	[tilespmem:s6+$0x70] =	vst v7  }
0x146: {  	[tilespmem:s6+$0xFFFFFF90] =	vst v1;
	v1 =	vmul.f32 $1.131370830e+01, v2;
	v2 =	vld [tilespmem:s6+$0x0]  }
0x147: {  	[tilespmem:s6+$0xFFFFFFA0] =	vst v4;
	v3 =	vmul.f32 $1.131370830e+01, v3;
	v4 =	vld [tilespmem:s6+$0x10]  }
0x148: {  	[tilespmem:s6+$0xFFFFFFB0] =	vst v1;
	v1 =	vmul.f32 $1.131370830e+01, v0;
	v7 =	vld [tilespmem:s6+$0x20]  }
.Ltmp5:
0x149: {  	[tilespmem:s6+$0xFFFFFFC0] =	vst v3;
	v3 =	vmul.f32 $1.131370830e+01, v5;
	v0 =	vld [tilespmem:s6+$0x30];
	(pc) =	sbr.rel @p0 .LBB2_13-.Ltmp5, $4  }
0x14a: {  	[tilespmem:s6+$0xFFFFFFD0] =	vst v1;
	v5 =	vmul.f32 $1.131370830e+01, v6;
	v1 =	vld [tilespmem:s6+$0x40]  }
0x14b: {  	[tilespmem:s6+$0xFFFFFFE0] =	vst v3;
	v6 =	vmul.f32 $1.131370830e+01, v2;
	v2 =	vld [tilespmem:s6+$0x50]  }
0x14c: {  	[tilespmem:s6+$0xFFFFFFF0] =	vst v5;
	v5 =	vmul.f32 $1.131370830e+01, v4;
	v3 =	vld [tilespmem:s6+$0x60]  }
0x14d: {  	s6 =	sadd.s32 $0x100, s6;
	v4 =	vld [tilespmem:s9+$0xFFFFFF80];
	[tilespmem:s9+$0x0] =	vst v6;
	v6 =	vmul.f32 $1.131370830e+01, v7  }
0x14e: {  	[tilespmem:s9+$0x10] =	vst v5;
	v0 =	vmul.f32 $1.131370830e+01, v0  }
0x14f: {  	[tilespmem:s9+$0x20] =	vst v6;
	v1 =	vmul.f32 $1.131370830e+01, v1  }
0x150: {  	[tilespmem:s9+$0x30] =	vst v0;
	v0 =	vmul.f32 $1.131370830e+01, v2  }
0x151: {  	s6 =	sadd.s32 s5, s8;
	[tilespmem:s9+$0x40] =	vst v1;
	v1 =	vmul.f32 $1.131370830e+01, v3  }
0x152: {  	s6 =	sshll.u32 s6, $0xB;
	v2 =	vmul.f32 $1.131370830e+01, v4;
	[tilespmem:s9+$0x50] =	vst v0  }
0x153: {  	s6 =	sand.u32 $0x1FFFE800, s6;
	[tilespmem:s9+$0x60] =	vst v1  }
0x154: {  	s6 =	sadd.s32 s3, s6;
	[tilespmem:s9+$0xFFFFFF80] =	vst v2  }
0x155: {  	[hbm4b:s6+s4] =	stream.linear.scatter [tilespmem:s17], [sflag:$0x6], $0x4000, $0x38;
	[tilespmem:$0x16400] =	vst v63  }
0x156: {  	_ =	swait.ge [sflag:s31], $0x2000  }
0x157: {  	[sflag:s31] =	ssyncset.done $0x0  }
0x158: {  	[sflag:s31] =	ssyncadd.s32 $0xFFFFE000  }
0x159: {  	_ =	swait.ge [sflag:s31], $0x2000  }
0x15a: {  	[sflag:s31] =	ssyncset.done $0x0  }
0x15b: {  	s8 =	simm.s32 $0xE480;
	[sflag:s31] =	ssyncadd.s32 $0xFFFFE000  }
0x15c: {  	v0 =	vld [tilespmem:s8+$0x70]  }
0x15d: {  	v1 =	vld [tilespmem:s8+$0xFFFFFF90]  }
0x15e: {  	v2 =	vld [tilespmem:s8+$0xFFFFFFA0]  }
0x15f: {  	v3 =	vld [tilespmem:s8+$0xFFFFFFB0]  }
0x160: {  	v4 =	vld [tilespmem:s8+$0xFFFFFFC0]  }
0x161: {  	v5 =	vld [tilespmem:s8+$0xFFFFFFD0];
	v0 =	vmul.f32 $1.131370830e+01, v0  }
0x162: {  	v6 =	vld [tilespmem:s8+$0xFFFFFFE0];
	v1 =	vmul.f32 $1.131370830e+01, v1  }
0x163: {  	v7 =	vld [tilespmem:s8+$0xFFFFFFF0];
	v2 =	vmul.f32 $1.131370830e+01, v2;
	[tilespmem:s8+$0x70] =	vst v0  }
0x164: {  	[tilespmem:s8+$0xFFFFFF90] =	vst v1;
	v0 =	vmul.f32 $1.131370830e+01, v3;
	v3 =	vld [tilespmem:s8+$0x0]  }
0x165: {  	[tilespmem:s8+$0xFFFFFFA0] =	vst v2;
	v1 =	vmul.f32 $1.131370830e+01, v4;
	v4 =	vld [tilespmem:s8+$0x10]  }
0x166: {  	v8 =	vld [tilespmem:s8+$0x20];
	v2 =	vmul.f32 $1.131370830e+01, v5;
	[tilespmem:s8+$0xFFFFFFB0] =	vst v0  }
0x167: {  	v5 =	vmul.f32 $1.131370830e+01, v6;
	[tilespmem:s8+$0xFFFFFFC0] =	vst v1;
	v0 =	vld [tilespmem:s8+$0x30]  }
0x168: {  	v6 =	vmul.f32 $1.131370830e+01, v7;
	[tilespmem:s8+$0xFFFFFFD0] =	vst v2;
	v1 =	vld [tilespmem:s8+$0x40]  }
0x169: {  	[tilespmem:s8+$0xFFFFFFE0] =	vst v5;
	v2 =	vld [tilespmem:s8+$0x50];
	v7 =	vmul.f32 $1.131370830e+01, v3  }
0x16a: {  	[tilespmem:s8+$0xFFFFFFF0] =	vst v6;
	v3 =	vld [tilespmem:s8+$0x60];
	v5 =	vmul.f32 $1.131370830e+01, v4  }
0x16b: {  	s9 =	simm.s32 $0x0;
	s6 =	simm.s32 $0xE580;
	v6 =	vmul.f32 $1.131370830e+01, v8;
	v4 =	vld [tilespmem:s8+$0xFFFFFF80];
	[tilespmem:s8+$0x0] =	vst v7  }
.LBB2_15:
0x16c: {  	v7 =	vld [tilespmem:s6+$0x70];
	s9 =	sadd.s32 $0x2, s9;
	[tilespmem:s8+$0x10] =	vst v5;
	v0 =	vmul.f32 $1.131370830e+01, v0  }
0x16d: {  	v5 =	vld [tilespmem:s6+$0xFFFFFF90];
	p0 =	slt.u32 s9, $0x7E;
	[tilespmem:s8+$0x20] =	vst v6;
	v1 =	vmul.f32 $1.131370830e+01, v1  }
0x16e: {  	v6 =	vld [tilespmem:s6+$0xFFFFFFA0];
	[tilespmem:s8+$0x30] =	vst v0;
	v0 =	vmul.f32 $1.131370830e+01, v2  }
0x16f: {  	v2 =	vld [tilespmem:s6+$0xFFFFFFB0];
	[tilespmem:s8+$0x40] =	vst v1;
	v1 =	vmul.f32 $1.131370830e+01, v3  }
0x170: {  	v3 =	vld [tilespmem:s6+$0xFFFFFFC0];
	v4 =	vmul.f32 $1.131370830e+01, v4;
	[tilespmem:s8+$0x50] =	vst v0  }
0x171: {  	v0 =	vld [tilespmem:s6+$0xFFFFFFD0];
	v7 =	vmul.f32 $1.131370830e+01, v7;
	[tilespmem:s8+$0x60] =	vst v1  }
0x172: {  	v1 =	vmul.f32 $1.131370830e+01, v5;
	v5 =	vld [tilespmem:s6+$0xFFFFFFE0];
	[tilespmem:s8+$0xFFFFFF80] =	vst v4;
	s8 =	smov.u32 s6  }
0x173: {  	v4 =	vmul.f32 $1.131370830e+01, v6;
	v6 =	vld [tilespmem:s6+$0xFFFFFFF0];
	[tilespmem:s6+$0x70] =	vst v7  }
0x174: {  	[tilespmem:s6+$0xFFFFFF90] =	vst v1;
	v1 =	vmul.f32 $1.131370830e+01, v2;
	v2 =	vld [tilespmem:s6+$0x0]  }
0x175: {  	[tilespmem:s6+$0xFFFFFFA0] =	vst v4;
	v3 =	vmul.f32 $1.131370830e+01, v3;
	v4 =	vld [tilespmem:s6+$0x10]  }
0x176: {  	[tilespmem:s6+$0xFFFFFFB0] =	vst v1;
	v1 =	vmul.f32 $1.131370830e+01, v0;
	v7 =	vld [tilespmem:s6+$0x20]  }
.Ltmp6:
0x177: {  	[tilespmem:s6+$0xFFFFFFC0] =	vst v3;
	v3 =	vmul.f32 $1.131370830e+01, v5;
	v0 =	vld [tilespmem:s6+$0x30];
	(pc) =	sbr.rel @p0 .LBB2_15-.Ltmp6, $4  }
0x178: {  	[tilespmem:s6+$0xFFFFFFD0] =	vst v1;
	v5 =	vmul.f32 $1.131370830e+01, v6;
	v1 =	vld [tilespmem:s6+$0x40]  }
0x179: {  	[tilespmem:s6+$0xFFFFFFE0] =	vst v3;
	v6 =	vmul.f32 $1.131370830e+01, v2;
	v2 =	vld [tilespmem:s6+$0x50]  }
0x17a: {  	[tilespmem:s6+$0xFFFFFFF0] =	vst v5;
	v5 =	vmul.f32 $1.131370830e+01, v4;
	v3 =	vld [tilespmem:s6+$0x60]  }
0x17b: {  	s6 =	sadd.s32 $0x100, s6;
	v4 =	vld [tilespmem:s8+$0xFFFFFF80];
	[tilespmem:s8+$0x0] =	vst v6;
	v6 =	vmul.f32 $1.131370830e+01, v7  }
0x17c: {  	[tilespmem:s8+$0x10] =	vst v5;
	v0 =	vmul.f32 $1.131370830e+01, v0  }
0x17d: {  	[tilespmem:s8+$0x20] =	vst v6;
	v1 =	vmul.f32 $1.131370830e+01, v1  }
0x17e: {  	[tilespmem:s8+$0x30] =	vst v0;
	v0 =	vmul.f32 $1.131370830e+01, v2  }
0x17f: {  	s6 =	sadd.s32 s5, s7;
	[tilespmem:s8+$0x40] =	vst v1;
	v1 =	vmul.f32 $1.131370830e+01, v3  }
0x180: {  	s6 =	sshll.u32 s6, $0xB;
	v2 =	vmul.f32 $1.131370830e+01, v4;
	[tilespmem:s8+$0x50] =	vst v0  }
0x181: {  	s6 =	sand.u32 $0x1FFFF000, s6;
	[tilespmem:s8+$0x60] =	vst v1  }
0x182: {  	s6 =	sadd.s32 s3, s6;
	[tilespmem:s8+$0xFFFFFF80] =	vst v2  }
0x183: {  	[hbm4b:s6+s4] =	stream.linear.scatter [tilespmem:s21], [sflag:$0x7], $0x4000, $0x38;
	[tilespmem:$0x16400] =	vst v63  }
0x184: {  	_ =	swait.ge [sflag:s2], $0x2000  }
0x185: {  	[sflag:s2] =	ssyncset.done $0x0  }
0x186: {  	[sflag:s2] =	ssyncadd.s32 $0xFFFFE000  }
0x187: {  	_ =	swait.ge [sflag:s2], $0x2000  }
0x188: {  	[sflag:s2] =	ssyncset.done $0x0  }
0x189: {  	s7 =	simm.s32 $0x12480;
	[sflag:s2] =	ssyncadd.s32 $0xFFFFE000  }
0x18a: {  	v0 =	vld [tilespmem:s7+$0x70]  }
0x18b: {  	v1 =	vld [tilespmem:s7+$0xFFFFFF90]  }
0x18c: {  	v2 =	vld [tilespmem:s7+$0xFFFFFFA0]  }
0x18d: {  	v3 =	vld [tilespmem:s7+$0xFFFFFFB0]  }
0x18e: {  	v4 =	vld [tilespmem:s7+$0xFFFFFFC0]  }
0x18f: {  	v5 =	vld [tilespmem:s7+$0xFFFFFFD0];
	v0 =	vmul.f32 $1.131370830e+01, v0  }
0x190: {  	v6 =	vld [tilespmem:s7+$0xFFFFFFE0];
	v1 =	vmul.f32 $1.131370830e+01, v1  }
0x191: {  	v7 =	vld [tilespmem:s7+$0xFFFFFFF0];
	v2 =	vmul.f32 $1.131370830e+01, v2;
	[tilespmem:s7+$0x70] =	vst v0  }
0x192: {  	[tilespmem:s7+$0xFFFFFF90] =	vst v1;
	v0 =	vmul.f32 $1.131370830e+01, v3;
	v3 =	vld [tilespmem:s7+$0x0]  }
0x193: {  	[tilespmem:s7+$0xFFFFFFA0] =	vst v2;
	v1 =	vmul.f32 $1.131370830e+01, v4;
	v4 =	vld [tilespmem:s7+$0x10]  }
0x194: {  	v8 =	vld [tilespmem:s7+$0x20];
	v2 =	vmul.f32 $1.131370830e+01, v5;
	[tilespmem:s7+$0xFFFFFFB0] =	vst v0  }
0x195: {  	v5 =	vmul.f32 $1.131370830e+01, v6;
	[tilespmem:s7+$0xFFFFFFC0] =	vst v1;
	v0 =	vld [tilespmem:s7+$0x30]  }
0x196: {  	v6 =	vmul.f32 $1.131370830e+01, v7;
	[tilespmem:s7+$0xFFFFFFD0] =	vst v2;
	v1 =	vld [tilespmem:s7+$0x40]  }
0x197: {  	[tilespmem:s7+$0xFFFFFFE0] =	vst v5;
	v2 =	vld [tilespmem:s7+$0x50];
	v7 =	vmul.f32 $1.131370830e+01, v3  }
0x198: {  	[tilespmem:s7+$0xFFFFFFF0] =	vst v6;
	v3 =	vld [tilespmem:s7+$0x60];
	v5 =	vmul.f32 $1.131370830e+01, v4  }
0x199: {  	s8 =	simm.s32 $0x0;
	s6 =	simm.s32 $0x12580;
	v6 =	vmul.f32 $1.131370830e+01, v8;
	v4 =	vld [tilespmem:s7+$0xFFFFFF80];
	[tilespmem:s7+$0x0] =	vst v7  }
.LBB2_17:
0x19a: {  	v7 =	vld [tilespmem:s6+$0x70];
	s8 =	sadd.s32 $0x2, s8;
	[tilespmem:s7+$0x10] =	vst v5;
	v0 =	vmul.f32 $1.131370830e+01, v0  }
0x19b: {  	v5 =	vld [tilespmem:s6+$0xFFFFFF90];
	p0 =	slt.u32 s8, $0x7E;
	[tilespmem:s7+$0x20] =	vst v6;
	v1 =	vmul.f32 $1.131370830e+01, v1  }
0x19c: {  	v6 =	vld [tilespmem:s6+$0xFFFFFFA0];
	[tilespmem:s7+$0x30] =	vst v0;
	v0 =	vmul.f32 $1.131370830e+01, v2  }
0x19d: {  	v2 =	vld [tilespmem:s6+$0xFFFFFFB0];
	[tilespmem:s7+$0x40] =	vst v1;
	v1 =	vmul.f32 $1.131370830e+01, v3  }
0x19e: {  	v3 =	vld [tilespmem:s6+$0xFFFFFFC0];
	v4 =	vmul.f32 $1.131370830e+01, v4;
	[tilespmem:s7+$0x50] =	vst v0  }
0x19f: {  	v0 =	vld [tilespmem:s6+$0xFFFFFFD0];
	v7 =	vmul.f32 $1.131370830e+01, v7;
	[tilespmem:s7+$0x60] =	vst v1  }
0x1a0: {  	v1 =	vmul.f32 $1.131370830e+01, v5;
	v5 =	vld [tilespmem:s6+$0xFFFFFFE0];
	[tilespmem:s7+$0xFFFFFF80] =	vst v4;
	s7 =	smov.u32 s6  }
0x1a1: {  	v4 =	vmul.f32 $1.131370830e+01, v6;
	v6 =	vld [tilespmem:s6+$0xFFFFFFF0];
	[tilespmem:s6+$0x70] =	vst v7  }
0x1a2: {  	[tilespmem:s6+$0xFFFFFF90] =	vst v1;
	v1 =	vmul.f32 $1.131370830e+01, v2;
	v2 =	vld [tilespmem:s6+$0x0]  }
0x1a3: {  	[tilespmem:s6+$0xFFFFFFA0] =	vst v4;
	v3 =	vmul.f32 $1.131370830e+01, v3;
	v4 =	vld [tilespmem:s6+$0x10]  }
0x1a4: {  	[tilespmem:s6+$0xFFFFFFB0] =	vst v1;
	v1 =	vmul.f32 $1.131370830e+01, v0;
	v7 =	vld [tilespmem:s6+$0x20]  }
.Ltmp7:
0x1a5: {  	[tilespmem:s6+$0xFFFFFFC0] =	vst v3;
	v3 =	vmul.f32 $1.131370830e+01, v5;
	v0 =	vld [tilespmem:s6+$0x30];
	(pc) =	sbr.rel @p0 .LBB2_17-.Ltmp7, $4  }
0x1a6: {  	[tilespmem:s6+$0xFFFFFFD0] =	vst v1;
	v5 =	vmul.f32 $1.131370830e+01, v6;
	v1 =	vld [tilespmem:s6+$0x40]  }
0x1a7: {  	[tilespmem:s6+$0xFFFFFFE0] =	vst v3;
	v6 =	vmul.f32 $1.131370830e+01, v2;
	v2 =	vld [tilespmem:s6+$0x50]  }
0x1a8: {  	[tilespmem:s6+$0xFFFFFFF0] =	vst v5;
	v5 =	vmul.f32 $1.131370830e+01, v4;
	v3 =	vld [tilespmem:s6+$0x60]  }
0x1a9: {  	s6 =	sadd.s32 $0x100, s6;
	v4 =	vld [tilespmem:s7+$0xFFFFFF80];
	[tilespmem:s7+$0x0] =	vst v6;
	v6 =	vmul.f32 $1.131370830e+01, v7  }
0x1aa: {  	[tilespmem:s7+$0x10] =	vst v5;
	v0 =	vmul.f32 $1.131370830e+01, v0  }
0x1ab: {  	s24 =	sadd.s32 $0x1, s24;
	[tilespmem:s7+$0x20] =	vst v6;
	v1 =	vmul.f32 $1.131370830e+01, v1  }
0x1ac: {  	p0 =	sne.s32 s24, $0x32;
	[tilespmem:s7+$0x30] =	vst v0;
	v61 =	vmul.f32 $1.131370830e+01, v2  }
.Ltmp8:
0x1ad: {  	s6 =	sadd.s32 s5, s26;
	[tilespmem:s7+$0x40] =	vst v1;
	v62 =	vmul.f32 $1.131370830e+01, v3;
	(pc) =	sbr.rel @p0 .LBB2_10-.Ltmp8, $4  }
0x1ae: {  	s6 =	sshll.u32 s6, $0xB;
	v63 =	vmul.f32 $1.131370830e+01, v4;
	[tilespmem:s7+$0x50] =	vst v61  }
0x1af: {  	s6 =	sand.u32 $0x1FFFF800, s6;
	[tilespmem:s7+$0x60] =	vst v62  }
0x1b0: {  	s6 =	sadd.s32 s3, s6;
	[tilespmem:s7+$0xFFFFFF80] =	vst v63  }
0x1b1: {  	[hbm4b:s6+s4] =	stream.linear.scatter [tilespmem:s25], [sflag:$0x8], $0x4000, $0x38;
	[tilespmem:$0x16400] =	vst v63  }
0x1b2: {  	_ =	swait.ge [sflag:s0], $0x4000  }
0x1b3: {  	[sflag:s0] =	ssyncset.done $0x0  }
0x1b4: {  	[sflag:s0] =	ssyncadd.s32 $0xFFFFC000  }
0x1b5: {  	_ =	swait.ge [sflag:s16], $0x4000  }
0x1b6: {  	[sflag:s16] =	ssyncset.done $0x0  }
0x1b7: {  	[sflag:s16] =	ssyncadd.s32 $0xFFFFC000  }
0x1b8: {  	_ =	swait.ge [sflag:s18], $0x4000  }
0x1b9: {  	[sflag:s18] =	ssyncset.done $0x0  }
0x1ba: {  	[sflag:s18] =	ssyncadd.s32 $0xFFFFC000  }
0x1bb: {  	_ =	swait.ge [sflag:s20], $0x4000  }
0x1bc: {  	s22 =	sadd.s32 $0x1, s22;
	s6 =	rddreg [dreg:$0x9]  }
0x1bd: {  	p0 =	sne.s32 s22, s6  }
.Ltmp9:
0x1be: {  	_ = 	snop;
	(pc) =	sbr.rel @p0 .LBB2_1-.Ltmp9, $3  }
0x1bf: {  	_ =	sdelay $0x1  }
0x1c0: {  	[sflag:s20] =	ssyncset.done $0x0  }
0x1c1: {  	[sflag:s20] =	ssyncadd.s32 $0xFFFFC000  }
0x1c2: {  	_ =	sfence.sel $0x180000  }
0x1c3: {  	[bflag:$0x0] =	sbarrier.arrive $0xFFFF  }
0x1c4: {  	_ =	strace $0x90000047  }
0x1c5: {  	s0 =	stileid.u32;
	[bflag:$0x2] =	sbarrier.arrive $0xFFFF  }
0x1c6: {  	p0 =	sne.s32 s0, $0x0;
	s0 =	rddreg [dreg:$0x3]  }
0x1c7: {  	s0 =	sadd.s32 @!p0 $0x100000, s0  }
0x1c8: {  	[sflag:s0] =	ssyncadd.tile.s32 @!p0 $0x1;
	_ =	shalt  }
.Lfunc_end2:
_tile_overlayer_lowered:
.L_overlay_start_2:
0x1c9: {  	(tag) =	ssettag $0x2  }
0x1ca: {  	s0 =	rddreg [dreg:$0x0];
	s2 =	stileid.u32  }
0x1cb: {  	s1 =	rddreg [dreg:$0x1];
	p0 =	sne.s32 s2, $0x0  }
0x1cc: {  	s3 =	rddreg [dreg:$0x2];
	[bflag:$0x3] =	sbarrier.arrive $0xFFFF;
	s2 =	simm.s32 @!p0 $0x1C09  }
0x1cd: {  	[timem:s3], [sflag:s2] =	dma.local @!p0 [hbm:s0], s1  }
0x1ce: {  	s0 =	simm.s32 @!p0 $0x9  }
0x1cf: {  	_ =	swait.ge @!p0 [sflag:s0], s1  }
0x1d0: {  	s1 =	ssub.s32 @!p0 $0x0, s1;
	[sflag:s0] =	ssyncset.done @!p0 $0x0  }
0x1d1: {  	[sflag:s0] =	ssyncadd.s32 @!p0 s1  }
0x1d2: {  	[bflag:$0x3] =	sbarrier.arrive $0xFFFF  }
0x1d3: {  	_ =	shalt  }

</sc_bundles>
